<compile_context>
chip_gen: v7x
topology: tpu7x:2x2x1
jax: 0.10.2.dev20260603
libtpu: 0.0.44.dev20260713+nightly
codegen_flags: <defaults>
</compile_context>

<pallas_src>
import functools

import jax
import jax.numpy as jnp
from jax import lax
from jax.experimental import pallas as pl
from jax.experimental.pallas import tpu as pltpu
from jax.experimental.pallas import tpu_sc as plsc

_EMBED_DIM = 32
_NUM_CORES = 2
_NUM_SUBCORES = 16
_NUM_WORKERS = _NUM_CORES * _NUM_SUBCORES


@functools.partial(jax.jit, static_argnames=("chunk", "n_chunks"))
def _sc_gather(idx, table, *, chunk, n_chunks):
    b_total = idx.shape[0]
    b_per_w = b_total // _NUM_WORKERS
    mesh = plsc.VectorSubcoreMesh(core_axis_name="c", subcore_axis_name="s")

    @functools.partial(
        pl.kernel,
        mesh=mesh,
        out_type=jax.ShapeDtypeStruct((b_total, _EMBED_DIM), jnp.float32),
        scratch_types=[
            pltpu.VMEM((chunk,), jnp.int32),
            pltpu.VMEM((chunk,), jnp.int32),
            pltpu.VMEM((chunk, _EMBED_DIM), jnp.float32),
            pltpu.VMEM((chunk, _EMBED_DIM), jnp.float32),
            pltpu.SemaphoreType.DMA,
            pltpu.SemaphoreType.DMA,
            pltpu.SemaphoreType.DMA,
            pltpu.SemaphoreType.DMA,
            pltpu.SemaphoreType.DMA,
            pltpu.SemaphoreType.DMA,
        ],
        compiler_params=pltpu.CompilerParams(use_tc_tiling_on_sc=False),
    )
    def k(idx_hbm, table_hbm, out_hbm,
          idx_v0, idx_v1, rows_v0, rows_v1,
          isem0, isem1, gsem0, gsem1, osem0, osem1):
        wid = lax.axis_index("s") * _NUM_CORES + lax.axis_index("c")
        base = wid * b_per_w
        idx_v = (idx_v0, idx_v1)
        rows_v = (rows_v0, rows_v1)
        isem = (isem0, isem1)
        gsem = (gsem0, gsem1)
        osem = (osem0, osem1)

        def start_idx(j, b):
            pltpu.async_copy(
                idx_hbm.at[pl.ds(base + j * chunk, chunk)], idx_v[b], isem[b])

        start_idx(0, 0)
        if n_chunks > 1:
            start_idx(1, 1)

        for j in range(n_chunks):
            b = j % 2
            pltpu.make_async_copy(
                idx_hbm.at[pl.ds(base + j * chunk, chunk)], idx_v[b],
                isem[b]).wait()
            if j >= 2:
                pltpu.make_async_copy(
                    rows_v[b],
                    out_hbm.at[pl.ds(base + (j - 2) * chunk, chunk)],
                    osem[b]).wait()
            for s in range(4):
                sub = chunk // 4
                pltpu.async_copy(
                    table_hbm.at[idx_v[b].at[pl.ds(s * sub, sub)]],
                    rows_v[b].at[pl.ds(s * sub, sub)], gsem[b])
            for s in range(4):
                sub = chunk // 4
                pltpu.make_async_copy(
                    table_hbm.at[idx_v[b].at[pl.ds(s * sub, sub)]],
                    rows_v[b].at[pl.ds(s * sub, sub)], gsem[b]).wait()
            pltpu.async_copy(
                rows_v[b], out_hbm.at[pl.ds(base + j * chunk, chunk)],
                osem[b])
            if j + 2 < n_chunks:
                start_idx(j + 2, b)

        for j in (n_chunks - 2, n_chunks - 1):
            if j >= 0:
                b = j % 2
                pltpu.make_async_copy(
                    rows_v[b], out_hbm.at[pl.ds(base + j * chunk, chunk)],
                    osem[b]).wait()

    return k(idx, table)


def kernel(inputs, embedding_matrix):
    batch, hist = inputs.shape
    idx = inputs.reshape(-1).astype(jnp.int32)
    b_per_w = idx.shape[0] // _NUM_WORKERS
    chunk = 1600
    out = _sc_gather(idx, embedding_matrix, chunk=chunk,
                     n_chunks=b_per_w // chunk)
    return out.reshape(batch, hist, _EMBED_DIM)

# --- scband reference (transcript-rebuilt; emitter-appended) ---
"""Pipeline reference for scband-word-embeddings-13262859010098 (READ-ONLY COPY).

The authoritative reference and input builder live on the scoring server;
editing this copy changes nothing except your own understanding.
"""

import jax, jax.numpy as jnp
import numpy as np

VOCAB = 1000000
EMBED_DIM = 32
BATCH = 4096
HIST_LEN = 200


def setup_inputs(seed: int = 0) -> dict:
    key = jax.random.key(seed)
    k_idx, k_tab = jax.random.split(key)
    inputs = jax.random.randint(k_idx, (BATCH, HIST_LEN), 0, VOCAB, dtype=jnp.int64 if jax.config.jax_enable_x64 else jnp.int32)
    embedding_matrix = jax.random.normal(k_tab, (VOCAB, EMBED_DIM), dtype=jnp.float32)
    return {"inputs": inputs, "embedding_matrix": embedding_matrix}


def reference(inputs, embedding_matrix):
    # Faithful to nn.Embedding.from_pretrained(...)(inputs): pure row gather.
    embeddings = jnp.take(embedding_matrix, inputs, axis=0)
    return embeddings

if __name__ == "__main__":
    import jax
    _d = setup_inputs()
    print(jax.jit(kernel)(*tuple(_d.values())))

</pallas_src>

<mosaic_0001>
#map = affine_map<(d0, d1) -> (0)>
#map1 = affine_map<(d0, d1) -> (0, 0)>
module attributes {stable_mosaic.version = 14 : i64} {
  func.func @k(%arg0: i32, %arg1: i32, %arg2: memref<819200xi32, #tpu.memory_space<hbm>>, %arg3: memref<1000000x32xf32, #tpu.memory_space<hbm>>, %arg4: memref<819200x32xf32, #tpu.memory_space<hbm>>, %arg5: memref<1600xi32, #tpu.memory_space<vmem>>, %arg6: memref<1600xi32, #tpu.memory_space<vmem>>, %arg7: memref<1600x32xf32, #tpu.memory_space<vmem>>, %arg8: memref<1600x32xf32, #tpu.memory_space<vmem>>, %arg9: memref<!tpu.dma_semaphore, #tpu.memory_space<semaphore_mem>>, %arg10: memref<!tpu.dma_semaphore, #tpu.memory_space<semaphore_mem>>, %arg11: memref<!tpu.dma_semaphore, #tpu.memory_space<semaphore_mem>>, %arg12: memref<!tpu.dma_semaphore, #tpu.memory_space<semaphore_mem>>, %arg13: memref<!tpu.dma_semaphore, #tpu.memory_space<semaphore_mem>>, %arg14: memref<!tpu.dma_semaphore, #tpu.memory_space<semaphore_mem>>) attributes {dimension_semantics = [#tpu.dimension_semantics<core_parallel>, #tpu.dimension_semantics<subcore_parallel>], iteration_bounds = array<i64: 2, 16>, scalar_prefetch = 0 : i64, scratch_operands = 10 : i64, tpu.core_type = #tpu.core_type<sc_vector_subcore>, window_params = [{transform_indices = #map}, {transform_indices = #map1}, {transform_indices = #map1}]} {
    %mul3A = arith.constant 2 : i32
    %mul3A_0 = arith.muli %arg1, %mul3A : i32
    %add3A = arith.addi %mul3A_0, %arg0 : i32
    %mul3A_1 = arith.constant 25600 : i32
    %mul3A_2 = arith.muli %add3A, %mul3A_1 : i32
    %add3A_3 = arith.constant 0 : i32
    %add3A_4 = arith.addi %mul3A_2, %add3A_3 : i32
    %dma_start3A = tpu.memref_slice %arg2[%add3A_4] : memref<819200xi32, #tpu.memory_space<hbm>> -> memref<1600xi32, #tpu.memory_space<hbm>>
    %dma_start3A_5 = tpu.memref_slice %arg2[%add3A_4] : memref<819200xi32, #tpu.memory_space<hbm>> -> memref<1600xi32, #tpu.memory_space<hbm>>
    tpu.enqueue_dma source(%dma_start3A_5 : memref<1600xi32, #tpu.memory_space<hbm>>) target(%arg5 : memref<1600xi32, #tpu.memory_space<vmem>>) target_semaphore(%arg9 : memref<!tpu.dma_semaphore, #tpu.memory_space<semaphore_mem>>)
    %add3A_6 = arith.constant 1600 : i32
    %add3A_7 = arith.addi %mul3A_2, %add3A_6 : i32
    %dma_start3A_8 = tpu.memref_slice %arg2[%add3A_7] : memref<819200xi32, #tpu.memory_space<hbm>> -> memref<1600xi32, #tpu.memory_space<hbm>>
    %dma_start3A_9 = tpu.memref_slice %arg2[%add3A_7] : memref<819200xi32, #tpu.memory_space<hbm>> -> memref<1600xi32, #tpu.memory_space<hbm>>
    tpu.enqueue_dma source(%dma_start3A_9 : memref<1600xi32, #tpu.memory_space<hbm>>) target(%arg6 : memref<1600xi32, #tpu.memory_space<vmem>>) target_semaphore(%arg10 : memref<!tpu.dma_semaphore, #tpu.memory_space<semaphore_mem>>)
    %add3A_10 = arith.constant 0 : i32
    %add3A_11 = arith.addi %mul3A_2, %add3A_10 : i32
    %dma_wait3A = tpu.memref_slice %arg2[%add3A_11] : memref<819200xi32, #tpu.memory_space<hbm>> -> memref<1600xi32, #tpu.memory_space<hbm>>
    %dma_wait3A_12 = tpu.memref_slice %arg2[%add3A_11] : memref<819200xi32, #tpu.memory_space<hbm>> -> memref<1600xi32, #tpu.memory_space<hbm>>
    tpu.wait_dma2 semaphore(%arg9 : memref<!tpu.dma_semaphore, #tpu.memory_space<semaphore_mem>>) src(%dma_wait3A_12 : memref<1600xi32, #tpu.memory_space<hbm>>) dst(%arg5 : memref<1600xi32, #tpu.memory_space<vmem>>)
    %dma_start3A_13 = arith.constant 0 : i32
    %dma_start3A_14 = arith.constant 0 : i32
    %dma_start3A_15 = tpu.memref_slice %arg7[%dma_start3A_13, %dma_start3A_14] : memref<1600x32xf32, #tpu.memory_space<vmem>> -> memref<400x32xf32, #tpu.memory_space<vmem>>
    %dma_start3A_16 = arith.constant 0 : i32
    %dma_start3A_17 = tpu.memref_slice %arg5[%dma_start3A_16] : memref<1600xi32, #tpu.memory_space<vmem>> -> memref<400xi32, #tpu.memory_space<vmem>>
    %dma_start3A_18 = arith.constant 0 : i32
    %dma_start3A_19 = arith.constant 0 : i32
    %dma_start3A_20 = tpu.memref_slice %arg3[%dma_start3A_18, %dma_start3A_19] : memref<1000000x32xf32, #tpu.memory_space<hbm>> -> memref<1000000x32xf32, #tpu.memory_space<hbm>>
    tpu.enqueue_indirect_dma source(%dma_start3A_20 : memref<1000000x32xf32, #tpu.memory_space<hbm>>) target(%dma_start3A_15 : memref<400x32xf32, #tpu.memory_space<vmem>>) offsets(%dma_start3A_17 : memref<400xi32, #tpu.memory_space<vmem>>) semaphore(%arg11 : memref<!tpu.dma_semaphore, #tpu.memory_space<semaphore_mem>>)
    %dma_start3A_21 = arith.constant 400 : i32
    %dma_start3A_22 = arith.constant 0 : i32
    %dma_start3A_23 = tpu.memref_slice %arg7[%dma_start3A_21, %dma_start3A_22] : memref<1600x32xf32, #tpu.memory_space<vmem>> -> memref<400x32xf32, #tpu.memory_space<vmem>>
    %dma_start3A_24 = arith.constant 400 : i32
    %dma_start3A_25 = tpu.memref_slice %arg5[%dma_start3A_24] : memref<1600xi32, #tpu.memory_space<vmem>> -> memref<400xi32, #tpu.memory_space<vmem>>
    %dma_start3A_26 = arith.constant 0 : i32
    %dma_start3A_27 = arith.constant 0 : i32
    %dma_start3A_28 = tpu.memref_slice %arg3[%dma_start3A_26, %dma_start3A_27] : memref<1000000x32xf32, #tpu.memory_space<hbm>> -> memref<1000000x32xf32, #tpu.memory_space<hbm>>
    tpu.enqueue_indirect_dma source(%dma_start3A_28 : memref<1000000x32xf32, #tpu.memory_space<hbm>>) target(%dma_start3A_23 : memref<400x32xf32, #tpu.memory_space<vmem>>) offsets(%dma_start3A_25 : memref<400xi32, #tpu.memory_space<vmem>>) semaphore(%arg11 : memref<!tpu.dma_semaphore, #tpu.memory_space<semaphore_mem>>)
    %dma_start3A_29 = arith.constant 800 : i32
    %dma_start3A_30 = arith.constant 0 : i32
    %dma_start3A_31 = tpu.memref_slice %arg7[%dma_start3A_29, %dma_start3A_30] : memref<1600x32xf32, #tpu.memory_space<vmem>> -> memref<400x32xf32, #tpu.memory_space<vmem>>
    %dma_start3A_32 = arith.constant 800 : i32
    %dma_start3A_33 = tpu.memref_slice %arg5[%dma_start3A_32] : memref<1600xi32, #tpu.memory_space<vmem>> -> memref<400xi32, #tpu.memory_space<vmem>>
    %dma_start3A_34 = arith.constant 0 : i32
    %dma_start3A_35 = arith.constant 0 : i32
    %dma_start3A_36 = tpu.memref_slice %arg3[%dma_start3A_34, %dma_start3A_35] : memref<1000000x32xf32, #tpu.memory_space<hbm>> -> memref<1000000x32xf32, #tpu.memory_space<hbm>>
    tpu.enqueue_indirect_dma source(%dma_start3A_36 : memref<1000000x32xf32, #tpu.memory_space<hbm>>) target(%dma_start3A_31 : memref<400x32xf32, #tpu.memory_space<vmem>>) offsets(%dma_start3A_33 : memref<400xi32, #tpu.memory_space<vmem>>) semaphore(%arg11 : memref<!tpu.dma_semaphore, #tpu.memory_space<semaphore_mem>>)
    %dma_start3A_37 = arith.constant 1200 : i32
    %dma_start3A_38 = arith.constant 0 : i32
    %dma_start3A_39 = tpu.memref_slice %arg7[%dma_start3A_37, %dma_start3A_38] : memref<1600x32xf32, #tpu.memory_space<vmem>> -> memref<400x32xf32, #tpu.memory_space<vmem>>
    %dma_start3A_40 = arith.constant 1200 : i32
    %dma_start3A_41 = tpu.memref_slice %arg5[%dma_start3A_40] : memref<1600xi32, #tpu.memory_space<vmem>> -> memref<400xi32, #tpu.memory_space<vmem>>
    %dma_start3A_42 = arith.constant 0 : i32
    %dma_start3A_43 = arith.constant 0 : i32
    %dma_start3A_44 = tpu.memref_slice %arg3[%dma_start3A_42, %dma_start3A_43] : memref<1000000x32xf32, #tpu.memory_space<hbm>> -> memref<1000000x32xf32, #tpu.memory_space<hbm>>
    tpu.enqueue_indirect_dma source(%dma_start3A_44 : memref<1000000x32xf32, #tpu.memory_space<hbm>>) target(%dma_start3A_39 : memref<400x32xf32, #tpu.memory_space<vmem>>) offsets(%dma_start3A_41 : memref<400xi32, #tpu.memory_space<vmem>>) semaphore(%arg11 : memref<!tpu.dma_semaphore, #tpu.memory_space<semaphore_mem>>)
    %dma_wait3A_45 = arith.constant 0 : i32
    %dma_wait3A_46 = arith.constant 0 : i32
    %dma_wait3A_47 = tpu.memref_slice %arg7[%dma_wait3A_45, %dma_wait3A_46] : memref<1600x32xf32, #tpu.memory_space<vmem>> -> memref<400x32xf32, #tpu.memory_space<vmem>>
    %dma_wait3A_48 = arith.constant 0 : i32
    %dma_wait3A_49 = tpu.memref_slice %arg5[%dma_wait3A_48] : memref<1600xi32, #tpu.memory_space<vmem>> -> memref<400xi32, #tpu.memory_space<vmem>>
    %dma_wait3A_50 = arith.constant 0 : i32
    %dma_wait3A_51 = arith.constant 0 : i32
    %dma_wait3A_52 = tpu.memref_slice %arg3[%dma_wait3A_50, %dma_wait3A_51] : memref<1000000x32xf32, #tpu.memory_space<hbm>> -> memref<1000000x32xf32, #tpu.memory_space<hbm>>
    tpu.wait_indirect_dma semaphore(%arg11 : memref<!tpu.dma_semaphore, #tpu.memory_space<semaphore_mem>>) src(%dma_wait3A_52 : memref<1000000x32xf32, #tpu.memory_space<hbm>>) dst(%dma_wait3A_47 : memref<400x32xf32, #tpu.memory_space<vmem>>)
    %dma_wait3A_53 = arith.constant 400 : i32
    %dma_wait3A_54 = arith.constant 0 : i32
    %dma_wait3A_55 = tpu.memref_slice %arg7[%dma_wait3A_53, %dma_wait3A_54] : memref<1600x32xf32, #tpu.memory_space<vmem>> -> memref<400x32xf32, #tpu.memory_space<vmem>>
    %dma_wait3A_56 = arith.constant 400 : i32
    %dma_wait3A_57 = tpu.memref_slice %arg5[%dma_wait3A_56] : memref<1600xi32, #tpu.memory_space<vmem>> -> memref<400xi32, #tpu.memory_space<vmem>>
    %dma_wait3A_58 = arith.constant 0 : i32
    %dma_wait3A_59 = arith.constant 0 : i32
    %dma_wait3A_60 = tpu.memref_slice %arg3[%dma_wait3A_58, %dma_wait3A_59] : memref<1000000x32xf32, #tpu.memory_space<hbm>> -> memref<1000000x32xf32, #tpu.memory_space<hbm>>
    tpu.wait_indirect_dma semaphore(%arg11 : memref<!tpu.dma_semaphore, #tpu.memory_space<semaphore_mem>>) src(%dma_wait3A_60 : memref<1000000x32xf32, #tpu.memory_space<hbm>>) dst(%dma_wait3A_55 : memref<400x32xf32, #tpu.memory_space<vmem>>)
    %dma_wait3A_61 = arith.constant 800 : i32
    %dma_wait3A_62 = arith.constant 0 : i32
    %dma_wait3A_63 = tpu.memref_slice %arg7[%dma_wait3A_61, %dma_wait3A_62] : memref<1600x32xf32, #tpu.memory_space<vmem>> -> memref<400x32xf32, #tpu.memory_space<vmem>>
    %dma_wait3A_64 = arith.constant 800 : i32
    %dma_wait3A_65 = tpu.memref_slice %arg5[%dma_wait3A_64] : memref<1600xi32, #tpu.memory_space<vmem>> -> memref<400xi32, #tpu.memory_space<vmem>>
    %dma_wait3A_66 = arith.constant 0 : i32
    %dma_wait3A_67 = arith.constant 0 : i32
    %dma_wait3A_68 = tpu.memref_slice %arg3[%dma_wait3A_66, %dma_wait3A_67] : memref<1000000x32xf32, #tpu.memory_space<hbm>> -> memref<1000000x32xf32, #tpu.memory_space<hbm>>
    tpu.wait_indirect_dma semaphore(%arg11 : memref<!tpu.dma_semaphore, #tpu.memory_space<semaphore_mem>>) src(%dma_wait3A_68 : memref<1000000x32xf32, #tpu.memory_space<hbm>>) dst(%dma_wait3A_63 : memref<400x32xf32, #tpu.memory_space<vmem>>)
    %dma_wait3A_69 = arith.constant 1200 : i32
    %dma_wait3A_70 = arith.constant 0 : i32
    %dma_wait3A_71 = tpu.memref_slice %arg7[%dma_wait3A_69, %dma_wait3A_70] : memref<1600x32xf32, #tpu.memory_space<vmem>> -> memref<400x32xf32, #tpu.memory_space<vmem>>
    %dma_wait3A_72 = arith.constant 1200 : i32
    %dma_wait3A_73 = tpu.memref_slice %arg5[%dma_wait3A_72] : memref<1600xi32, #tpu.memory_space<vmem>> -> memref<400xi32, #tpu.memory_space<vmem>>
    %dma_wait3A_74 = arith.constant 0 : i32
    %dma_wait3A_75 = arith.constant 0 : i32
    %dma_wait3A_76 = tpu.memref_slice %arg3[%dma_wait3A_74, %dma_wait3A_75] : memref<1000000x32xf32, #tpu.memory_space<hbm>> -> memref<1000000x32xf32, #tpu.memory_space<hbm>>
    tpu.wait_indirect_dma semaphore(%arg11 : memref<!tpu.dma_semaphore, #tpu.memory_space<semaphore_mem>>) src(%dma_wait3A_76 : memref<1000000x32xf32, #tpu.memory_space<hbm>>) dst(%dma_wait3A_71 : memref<400x32xf32, #tpu.memory_space<vmem>>)
    %add3A_77 = arith.constant 0 : i32
    %add3A_78 = arith.addi %mul3A_2, %add3A_77 : i32
    %dma_start3A_79 = arith.constant 0 : i32
    %dma_start3A_80 = tpu.memref_slice %arg4[%add3A_78, %dma_start3A_79] : memref<819200x32xf32, #tpu.memory_space<hbm>> -> memref<1600x32xf32, #tpu.memory_space<hbm>>
    %dma_start3A_81 = arith.constant 0 : i32
    %dma_start3A_82 = tpu.memref_slice %arg4[%add3A_78, %dma_start3A_81] : memref<819200x32xf32, #tpu.memory_space<hbm>> -> memref<1600x32xf32, #tpu.memory_space<hbm>>
    tpu.enqueue_dma source(%arg7 : memref<1600x32xf32, #tpu.memory_space<vmem>>) target(%dma_start3A_82 : memref<1600x32xf32, #tpu.memory_space<hbm>>) target_semaphore(%arg13 : memref<!tpu.dma_semaphore, #tpu.memory_space<semaphore_mem>>)
    %add3A_83 = arith.constant 3200 : i32
    %add3A_84 = arith.addi %mul3A_2, %add3A_83 : i32
    %dma_start3A_85 = tpu.memref_slice %arg2[%add3A_84] : memref<819200xi32, #tpu.memory_space<hbm>> -> memref<1600xi32, #tpu.memory_space<hbm>>
    %dma_start3A_86 = tpu.memref_slice %arg2[%add3A_84] : memref<819200xi32, #tpu.memory_space<hbm>> -> memref<1600xi32, #tpu.memory_space<hbm>>
    tpu.enqueue_dma source(%dma_start3A_86 : memref<1600xi32, #tpu.memory_space<hbm>>) target(%arg5 : memref<1600xi32, #tpu.memory_space<vmem>>) target_semaphore(%arg9 : memref<!tpu.dma_semaphore, #tpu.memory_space<semaphore_mem>>)
    %add3A_87 = arith.constant 1600 : i32
    %add3A_88 = arith.addi %mul3A_2, %add3A_87 : i32
    %dma_wait3A_89 = tpu.memref_slice %arg2[%add3A_88] : memref<819200xi32, #tpu.memory_space<hbm>> -> memref<1600xi32, #tpu.memory_space<hbm>>
    %dma_wait3A_90 = tpu.memref_slice %arg2[%add3A_88] : memref<819200xi32, #tpu.memory_space<hbm>> -> memref<1600xi32, #tpu.memory_space<hbm>>
    tpu.wait_dma2 semaphore(%arg10 : memref<!tpu.dma_semaphore, #tpu.memory_space<semaphore_mem>>) src(%dma_wait3A_90 : memref<1600xi32, #tpu.memory_space<hbm>>) dst(%arg6 : memref<1600xi32, #tpu.memory_space<vmem>>)
    %dma_start3A_91 = arith.constant 0 : i32
    %dma_start3A_92 = arith.constant 0 : i32
    %dma_start3A_93 = tpu.memref_slice %arg8[%dma_start3A_91, %dma_start3A_92] : memref<1600x32xf32, #tpu.memory_space<vmem>> -> memref<400x32xf32, #tpu.memory_space<vmem>>
    %dma_start3A_94 = arith.constant 0 : i32
    %dma_start3A_95 = tpu.memref_slice %arg6[%dma_start3A_94] : memref<1600xi32, #tpu.memory_space<vmem>> -> memref<400xi32, #tpu.memory_space<vmem>>
    %dma_start3A_96 = arith.constant 0 : i32
    %dma_start3A_97 = arith.constant 0 : i32
    %dma_start3A_98 = tpu.memref_slice %arg3[%dma_start3A_96, %dma_start3A_97] : memref<1000000x32xf32, #tpu.memory_space<hbm>> -> memref<1000000x32xf32, #tpu.memory_space<hbm>>
    tpu.enqueue_indirect_dma source(%dma_start3A_98 : memref<1000000x32xf32, #tpu.memory_space<hbm>>) target(%dma_start3A_93 : memref<400x32xf32, #tpu.memory_space<vmem>>) offsets(%dma_start3A_95 : memref<400xi32, #tpu.memory_space<vmem>>) semaphore(%arg12 : memref<!tpu.dma_semaphore, #tpu.memory_space<semaphore_mem>>)
    %dma_start3A_99 = arith.constant 400 : i32
    %dma_start3A_100 = arith.constant 0 : i32
    %dma_start3A_101 = tpu.memref_slice %arg8[%dma_start3A_99, %dma_start3A_100] : memref<1600x32xf32, #tpu.memory_space<vmem>> -> memref<400x32xf32, #tpu.memory_space<vmem>>
    %dma_start3A_102 = arith.constant 400 : i32
    %dma_start3A_103 = tpu.memref_slice %arg6[%dma_start3A_102] : memref<1600xi32, #tpu.memory_space<vmem>> -> memref<400xi32, #tpu.memory_space<vmem>>
    %dma_start3A_104 = arith.constant 0 : i32
    %dma_start3A_105 = arith.constant 0 : i32
    %dma_start3A_106 = tpu.memref_slice %arg3[%dma_start3A_104, %dma_start3A_105] : memref<1000000x32xf32, #tpu.memory_space<hbm>> -> memref<1000000x32xf32, #tpu.memory_space<hbm>>
    tpu.enqueue_indirect_dma source(%dma_start3A_106 : memref<1000000x32xf32, #tpu.memory_space<hbm>>) target(%dma_start3A_101 : memref<400x32xf32, #tpu.memory_space<vmem>>) offsets(%dma_start3A_103 : memref<400xi32, #tpu.memory_space<vmem>>) semaphore(%arg12 : memref<!tpu.dma_semaphore, #tpu.memory_space<semaphore_mem>>)
    %dma_start3A_107 = arith.constant 800 : i32
    %dma_start3A_108 = arith.constant 0 : i32
    %dma_start3A_109 = tpu.memref_slice %arg8[%dma_start3A_107, %dma_start3A_108] : memref<1600x32xf32, #tpu.memory_space<vmem>> -> memref<400x32xf32, #tpu.memory_space<vmem>>
    %dma_start3A_110 = arith.constant 800 : i32
    %dma_start3A_111 = tpu.memref_slice %arg6[%dma_start3A_110] : memref<1600xi32, #tpu.memory_space<vmem>> -> memref<400xi32, #tpu.memory_space<vmem>>
    %dma_start3A_112 = arith.constant 0 : i32
    %dma_start3A_113 = arith.constant 0 : i32
    %dma_start3A_114 = tpu.memref_slice %arg3[%dma_start3A_112, %dma_start3A_113] : memref<1000000x32xf32, #tpu.memory_space<hbm>> -> memref<1000000x32xf32, #tpu.memory_space<hbm>>
    tpu.enqueue_indirect_dma source(%dma_start3A_114 : memref<1000000x32xf32, #tpu.memory_space<hbm>>) target(%dma_start3A_109 : memref<400x32xf32, #tpu.memory_space<vmem>>) offsets(%dma_start3A_111 : memref<400xi32, #tpu.memory_space<vmem>>) semaphore(%arg12 : memref<!tpu.dma_semaphore, #tpu.memory_space<semaphore_mem>>)
    %dma_start3A_115 = arith.constant 1200 : i32
    %dma_start3A_116 = arith.constant 0 : i32
    %dma_start3A_117 = tpu.memref_slice %arg8[%dma_start3A_115, %dma_start3A_116] : memref<1600x32xf32, #tpu.memory_space<vmem>> -> memref<400x32xf32, #tpu.memory_space<vmem>>
    %dma_start3A_118 = arith.constant 1200 : i32
    %dma_start3A_119 = tpu.memref_slice %arg6[%dma_start3A_118] : memref<1600xi32, #tpu.memory_space<vmem>> -> memref<400xi32, #tpu.memory_space<vmem>>
    %dma_start3A_120 = arith.constant 0 : i32
    %dma_start3A_121 = arith.constant 0 : i32
    %dma_start3A_122 = tpu.memref_slice %arg3[%dma_start3A_120, %dma_start3A_121] : memref<1000000x32xf32, #tpu.memory_space<hbm>> -> memref<1000000x32xf32, #tpu.memory_space<hbm>>
    tpu.enqueue_indirect_dma source(%dma_start3A_122 : memref<1000000x32xf32, #tpu.memory_space<hbm>>) target(%dma_start3A_117 : memref<400x32xf32, #tpu.memory_space<vmem>>) offsets(%dma_start3A_119 : memref<400xi32, #tpu.memory_space<vmem>>) semaphore(%arg12 : memref<!tpu.dma_semaphore, #tpu.memory_space<semaphore_mem>>)
    %dma_wait3A_123 = arith.constant 0 : i32
    %dma_wait3A_124 = arith.constant 0 : i32
    %dma_wait3A_125 = tpu.memref_slice %arg8[%dma_wait3A_123, %dma_wait3A_124] : memref<1600x32xf32, #tpu.memory_space<vmem>> -> memref<400x32xf32, #tpu.memory_space<vmem>>
    %dma_wait3A_126 = arith.constant 0 : i32
    %dma_wait3A_127 = tpu.memref_slice %arg6[%dma_wait3A_126] : memref<1600xi32, #tpu.memory_space<vmem>> -> memref<400xi32, #tpu.memory_space<vmem>>
    %dma_wait3A_128 = arith.constant 0 : i32
    %dma_wait3A_129 = arith.constant 0 : i32
    %dma_wait3A_130 = tpu.memref_slice %arg3[%dma_wait3A_128, %dma_wait3A_129] : memref<1000000x32xf32, #tpu.memory_space<hbm>> -> memref<1000000x32xf32, #tpu.memory_space<hbm>>
    tpu.wait_indirect_dma semaphore(%arg12 : memref<!tpu.dma_semaphore, #tpu.memory_space<semaphore_mem>>) src(%dma_wait3A_130 : memref<1000000x32xf32, #tpu.memory_space<hbm>>) dst(%dma_wait3A_125 : memref<400x32xf32, #tpu.memory_space<vmem>>)
    %dma_wait3A_131 = arith.constant 400 : i32
    %dma_wait3A_132 = arith.constant 0 : i32
    %dma_wait3A_133 = tpu.memref_slice %arg8[%dma_wait3A_131, %dma_wait3A_132] : memref<1600x32xf32, #tpu.memory_space<vmem>> -> memref<400x32xf32, #tpu.memory_space<vmem>>
    %dma_wait3A_134 = arith.constant 400 : i32
    %dma_wait3A_135 = tpu.memref_slice %arg6[%dma_wait3A_134] : memref<1600xi32, #tpu.memory_space<vmem>> -> memref<400xi32, #tpu.memory_space<vmem>>
    %dma_wait3A_136 = arith.constant 0 : i32
    %dma_wait3A_137 = arith.constant 0 : i32
    %dma_wait3A_138 = tpu.memref_slice %arg3[%dma_wait3A_136, %dma_wait3A_137] : memref<1000000x32xf32, #tpu.memory_space<hbm>> -> memref<1000000x32xf32, #tpu.memory_space<hbm>>
    tpu.wait_indirect_dma semaphore(%arg12 : memref<!tpu.dma_semaphore, #tpu.memory_space<semaphore_mem>>) src(%dma_wait3A_138 : memref<1000000x32xf32, #tpu.memory_space<hbm>>) dst(%dma_wait3A_133 : memref<400x32xf32, #tpu.memory_space<vmem>>)
    %dma_wait3A_139 = arith.constant 800 : i32
    %dma_wait3A_140 = arith.constant 0 : i32
    %dma_wait3A_141 = tpu.memref_slice %arg8[%dma_wait3A_139, %dma_wait3A_140] : memref<1600x32xf32, #tpu.memory_space<vmem>> -> memref<400x32xf32, #tpu.memory_space<vmem>>
    %dma_wait3A_142 = arith.constant 800 : i32
    %dma_wait3A_143 = tpu.memref_slice %arg6[%dma_wait3A_142] : memref<1600xi32, #tpu.memory_space<vmem>> -> memref<400xi32, #tpu.memory_space<vmem>>
    %dma_wait3A_144 = arith.constant 0 : i32
    %dma_wait3A_145 = arith.constant 0 : i32
    %dma_wait3A_146 = tpu.memref_slice %arg3[%dma_wait3A_144, %dma_wait3A_145] : memref<1000000x32xf32, #tpu.memory_space<hbm>> -> memref<1000000x32xf32, #tpu.memory_space<hbm>>
    tpu.wait_indirect_dma semaphore(%arg12 : memref<!tpu.dma_semaphore, #tpu.memory_space<semaphore_mem>>) src(%dma_wait3A_146 : memref<1000000x32xf32, #tpu.memory_space<hbm>>) dst(%dma_wait3A_141 : memref<400x32xf32, #tpu.memory_space<vmem>>)
    %dma_wait3A_147 = arith.constant 1200 : i32
    %dma_wait3A_148 = arith.constant 0 : i32
    %dma_wait3A_149 = tpu.memref_slice %arg8[%dma_wait3A_147, %dma_wait3A_148] : memref<1600x32xf32, #tpu.memory_space<vmem>> -> memref<400x32xf32, #tpu.memory_space<vmem>>
    %dma_wait3A_150 = arith.constant 1200 : i32
    %dma_wait3A_151 = tpu.memref_slice %arg6[%dma_wait3A_150] : memref<1600xi32, #tpu.memory_space<vmem>> -> memref<400xi32, #tpu.memory_space<vmem>>
    %dma_wait3A_152 = arith.constant 0 : i32
    %dma_wait3A_153 = arith.constant 0 : i32
    %dma_wait3A_154 = tpu.memref_slice %arg3[%dma_wait3A_152, %dma_wait3A_153] : memref<1000000x32xf32, #tpu.memory_space<hbm>> -> memref<1000000x32xf32, #tpu.memory_space<hbm>>
    tpu.wait_indirect_dma semaphore(%arg12 : memref<!tpu.dma_semaphore, #tpu.memory_space<semaphore_mem>>) src(%dma_wait3A_154 : memref<1000000x32xf32, #tpu.memory_space<hbm>>) dst(%dma_wait3A_149 : memref<400x32xf32, #tpu.memory_space<vmem>>)
    %add3A_155 = arith.constant 1600 : i32
    %add3A_156 = arith.addi %mul3A_2, %add3A_155 : i32
    %dma_start3A_157 = arith.constant 0 : i32
    %dma_start3A_158 = tpu.memref_slice %arg4[%add3A_156, %dma_start3A_157] : memref<819200x32xf32, #tpu.memory_space<hbm>> -> memref<1600x32xf32, #tpu.memory_space<hbm>>
    %dma_start3A_159 = arith.constant 0 : i32
    %dma_start3A_160 = tpu.memref_slice %arg4[%add3A_156, %dma_start3A_159] : memref<819200x32xf32, #tpu.memory_space<hbm>> -> memref<1600x32xf32, #tpu.memory_space<hbm>>
    tpu.enqueue_dma source(%arg8 : memref<1600x32xf32, #tpu.memory_space<vmem>>) target(%dma_start3A_160 : memref<1600x32xf32, #tpu.memory_space<hbm>>) target_semaphore(%arg14 : memref<!tpu.dma_semaphore, #tpu.memory_space<semaphore_mem>>)
    %add3A_161 = arith.constant 4800 : i32
    %add3A_162 = arith.addi %mul3A_2, %add3A_161 : i32
    %dma_start3A_163 = tpu.memref_slice %arg2[%add3A_162] : memref<819200xi32, #tpu.memory_space<hbm>> -> memref<1600xi32, #tpu.memory_space<hbm>>
    %dma_start3A_164 = tpu.memref_slice %arg2[%add3A_162] : memref<819200xi32, #tpu.memory_space<hbm>> -> memref<1600xi32, #tpu.memory_space<hbm>>
    tpu.enqueue_dma source(%dma_start3A_164 : memref<1600xi32, #tpu.memory_space<hbm>>) target(%arg6 : memref<1600xi32, #tpu.memory_space<vmem>>) target_semaphore(%arg10 : memref<!tpu.dma_semaphore, #tpu.memory_space<semaphore_mem>>)
    %add3A_165 = arith.constant 3200 : i32
    %add3A_166 = arith.addi %mul3A_2, %add3A_165 : i32
    %dma_wait3A_167 = tpu.memref_slice %arg2[%add3A_166] : memref<819200xi32, #tpu.memory_space<hbm>> -> memref<1600xi32, #tpu.memory_space<hbm>>
    %dma_wait3A_168 = tpu.memref_slice %arg2[%add3A_166] : memref<819200xi32, #tpu.memory_space<hbm>> -> memref<1600xi32, #tpu.memory_space<hbm>>
    tpu.wait_dma2 semaphore(%arg9 : memref<!tpu.dma_semaphore, #tpu.memory_space<semaphore_mem>>) src(%dma_wait3A_168 : memref<1600xi32, #tpu.memory_space<hbm>>) dst(%arg5 : memref<1600xi32, #tpu.memory_space<vmem>>)
    %add3A_169 = arith.constant 0 : i32
    %add3A_170 = arith.addi %mul3A_2, %add3A_169 : i32
    %dma_wait3A_171 = arith.constant 0 : i32
    %dma_wait3A_172 = tpu.memref_slice %arg4[%add3A_170, %dma_wait3A_171] : memref<819200x32xf32, #tpu.memory_space<hbm>> -> memref<1600x32xf32, #tpu.memory_space<hbm>>
    %dma_wait3A_173 = arith.constant 0 : i32
    %dma_wait3A_174 = tpu.memref_slice %arg4[%add3A_170, %dma_wait3A_173] : memref<819200x32xf32, #tpu.memory_space<hbm>> -> memref<1600x32xf32, #tpu.memory_space<hbm>>
    tpu.wait_dma2 semaphore(%arg13 : memref<!tpu.dma_semaphore, #tpu.memory_space<semaphore_mem>>) src(%arg7 : memref<1600x32xf32, #tpu.memory_space<vmem>>) dst(%dma_wait3A_174 : memref<1600x32xf32, #tpu.memory_space<hbm>>)
    %dma_start3A_175 = arith.constant 0 : i32
    %dma_start3A_176 = arith.constant 0 : i32
    %dma_start3A_177 = tpu.memref_slice %arg7[%dma_start3A_175, %dma_start3A_176] : memref<1600x32xf32, #tpu.memory_space<vmem>> -> memref<400x32xf32, #tpu.memory_space<vmem>>
    %dma_start3A_178 = arith.constant 0 : i32
    %dma_start3A_179 = tpu.memref_slice %arg5[%dma_start3A_178] : memref<1600xi32, #tpu.memory_space<vmem>> -> memref<400xi32, #tpu.memory_space<vmem>>
    %dma_start3A_180 = arith.constant 0 : i32
    %dma_start3A_181 = arith.constant 0 : i32
    %dma_start3A_182 = tpu.memref_slice %arg3[%dma_start3A_180, %dma_start3A_181] : memref<1000000x32xf32, #tpu.memory_space<hbm>> -> memref<1000000x32xf32, #tpu.memory_space<hbm>>
    tpu.enqueue_indirect_dma source(%dma_start3A_182 : memref<1000000x32xf32, #tpu.memory_space<hbm>>) target(%dma_start3A_177 : memref<400x32xf32, #tpu.memory_space<vmem>>) offsets(%dma_start3A_179 : memref<400xi32, #tpu.memory_space<vmem>>) semaphore(%arg11 : memref<!tpu.dma_semaphore, #tpu.memory_space<semaphore_mem>>)
    %dma_start3A_183 = arith.constant 400 : i32
    %dma_start3A_184 = arith.constant 0 : i32
    %dma_start3A_185 = tpu.memref_slice %arg7[%dma_start3A_183, %dma_start3A_184] : memref<1600x32xf32, #tpu.memory_space<vmem>> -> memref<400x32xf32, #tpu.memory_space<vmem>>
    %dma_start3A_186 = arith.constant 400 : i32
    %dma_start3A_187 = tpu.memref_slice %arg5[%dma_start3A_186] : memref<1600xi32, #tpu.memory_space<vmem>> -> memref<400xi32, #tpu.memory_space<vmem>>
    %dma_start3A_188 = arith.constant 0 : i32
    %dma_start3A_189 = arith.constant 0 : i32
    %dma_start3A_190 = tpu.memref_slice %arg3[%dma_start3A_188, %dma_start3A_189] : memref<1000000x32xf32, #tpu.memory_space<hbm>> -> memref<1000000x32xf32, #tpu.memory_space<hbm>>
    tpu.enqueue_indirect_dma source(%dma_start3A_190 : memref<1000000x32xf32, #tpu.memory_space<hbm>>) target(%dma_start3A_185 : memref<400x32xf32, #tpu.memory_space<vmem>>) offsets(%dma_start3A_187 : memref<400xi32, #tpu.memory_space<vmem>>) semaphore(%arg11 : memref<!tpu.dma_semaphore, #tpu.memory_space<semaphore_mem>>)
    %dma_start3A_191 = arith.constant 800 : i32
    %dma_start3A_192 = arith.constant 0 : i32
    %dma_start3A_193 = tpu.memref_slice %arg7[%dma_start3A_191, %dma_start3A_192] : memref<1600x32xf32, #tpu.memory_space<vmem>> -> memref<400x32xf32, #tpu.memory_space<vmem>>
    %dma_start3A_194 = arith.constant 800 : i32
    %dma_start3A_195 = tpu.memref_slice %arg5[%dma_start3A_194] : memref<1600xi32, #tpu.memory_space<vmem>> -> memref<400xi32, #tpu.memory_space<vmem>>
    %dma_start3A_196 = arith.constant 0 : i32
    %dma_start3A_197 = arith.constant 0 : i32
    %dma_start3A_198 = tpu.memref_slice %arg3[%dma_start3A_196, %dma_start3A_197] : memref<1000000x32xf32, #tpu.memory_space<hbm>> -> memref<1000000x32xf32, #tpu.memory_space<hbm>>
    tpu.enqueue_indirect_dma source(%dma_start3A_198 : memref<1000000x32xf32, #tpu.memory_space<hbm>>) target(%dma_start3A_193 : memref<400x32xf32, #tpu.memory_space<vmem>>) offsets(%dma_start3A_195 : memref<400xi32, #tpu.memory_space<vmem>>) semaphore(%arg11 : memref<!tpu.dma_semaphore, #tpu.memory_space<semaphore_mem>>)
    %dma_start3A_199 = arith.constant 1200 : i32
    %dma_start3A_200 = arith.constant 0 : i32
    %dma_start3A_201 = tpu.memref_slice %arg7[%dma_start3A_199, %dma_start3A_200] : memref<1600x32xf32, #tpu.memory_space<vmem>> -> memref<400x32xf32, #tpu.memory_space<vmem>>
    %dma_start3A_202 = arith.constant 1200 : i32
    %dma_start3A_203 = tpu.memref_slice %arg5[%dma_start3A_202] : memref<1600xi32, #tpu.memory_space<vmem>> -> memref<400xi32, #tpu.memory_space<vmem>>
    %dma_start3A_204 = arith.constant 0 : i32
    %dma_start3A_205 = arith.constant 0 : i32
    %dma_start3A_206 = tpu.memref_slice %arg3[%dma_start3A_204, %dma_start3A_205] : memref<1000000x32xf32, #tpu.memory_space<hbm>> -> memref<1000000x32xf32, #tpu.memory_space<hbm>>
    tpu.enqueue_indirect_dma source(%dma_start3A_206 : memref<1000000x32xf32, #tpu.memory_space<hbm>>) target(%dma_start3A_201 : memref<400x32xf32, #tpu.memory_space<vmem>>) offsets(%dma_start3A_203 : memref<400xi32, #tpu.memory_space<vmem>>) semaphore(%arg11 : memref<!tpu.dma_semaphore, #tpu.memory_space<semaphore_mem>>)
    %dma_wait3A_207 = arith.constant 0 : i32
    %dma_wait3A_208 = arith.constant 0 : i32
    %dma_wait3A_209 = tpu.memref_slice %arg7[%dma_wait3A_207, %dma_wait3A_208] : memref<1600x32xf32, #tpu.memory_space<vmem>> -> memref<400x32xf32, #tpu.memory_space<vmem>>
    %dma_wait3A_210 = arith.constant 0 : i32
    %dma_wait3A_211 = tpu.memref_slice %arg5[%dma_wait3A_210] : memref<1600xi32, #tpu.memory_space<vmem>> -> memref<400xi32, #tpu.memory_space<vmem>>
    %dma_wait3A_212 = arith.constant 0 : i32
    %dma_wait3A_213 = arith.constant 0 : i32
    %dma_wait3A_214 = tpu.memref_slice %arg3[%dma_wait3A_212, %dma_wait3A_213] : memref<1000000x32xf32, #tpu.memory_space<hbm>> -> memref<1000000x32xf32, #tpu.memory_space<hbm>>
    tpu.wait_indirect_dma semaphore(%arg11 : memref<!tpu.dma_semaphore, #tpu.memory_space<semaphore_mem>>) src(%dma_wait3A_214 : memref<1000000x32xf32, #tpu.memory_space<hbm>>) dst(%dma_wait3A_209 : memref<400x32xf32, #tpu.memory_space<vmem>>)
    %dma_wait3A_215 = arith.constant 400 : i32
    %dma_wait3A_216 = arith.constant 0 : i32
    %dma_wait3A_217 = tpu.memref_slice %arg7[%dma_wait3A_215, %dma_wait3A_216] : memref<1600x32xf32, #tpu.memory_space<vmem>> -> memref<400x32xf32, #tpu.memory_space<vmem>>
    %dma_wait3A_218 = arith.constant 400 : i32
    %dma_wait3A_219 = tpu.memref_slice %arg5[%dma_wait3A_218] : memref<1600xi32, #tpu.memory_space<vmem>> -> memref<400xi32, #tpu.memory_space<vmem>>
    %dma_wait3A_220 = arith.constant 0 : i32
    %dma_wait3A_221 = arith.constant 0 : i32
    %dma_wait3A_222 = tpu.memref_slice %arg3[%dma_wait3A_220, %dma_wait3A_221] : memref<1000000x32xf32, #tpu.memory_space<hbm>> -> memref<1000000x32xf32, #tpu.memory_space<hbm>>
    tpu.wait_indirect_dma semaphore(%arg11 : memref<!tpu.dma_semaphore, #tpu.memory_space<semaphore_mem>>) src(%dma_wait3A_222 : memref<1000000x32xf32, #tpu.memory_space<hbm>>) dst(%dma_wait3A_217 : memref<400x32xf32, #tpu.memory_space<vmem>>)
    %dma_wait3A_223 = arith.constant 800 : i32
    %dma_wait3A_224 = arith.constant 0 : i32
    %dma_wait3A_225 = tpu.memref_slice %arg7[%dma_wait3A_223, %dma_wait3A_224] : memref<1600x32xf32, #tpu.memory_space<vmem>> -> memref<400x32xf32, #tpu.memory_space<vmem>>
    %dma_wait3A_226 = arith.constant 800 : i32
    %dma_wait3A_227 = tpu.memref_slice %arg5[%dma_wait3A_226] : memref<1600xi32, #tpu.memory_space<vmem>> -> memref<400xi32, #tpu.memory_space<vmem>>
    %dma_wait3A_228 = arith.constant 0 : i32
    %dma_wait3A_229 = arith.constant 0 : i32
    %dma_wait3A_230 = tpu.memref_slice %arg3[%dma_wait3A_228, %dma_wait3A_229] : memref<1000000x32xf32, #tpu.memory_space<hbm>> -> memref<1000000x32xf32, #tpu.memory_space<hbm>>
    tpu.wait_indirect_dma semaphore(%arg11 : memref<!tpu.dma_semaphore, #tpu.memory_space<semaphore_mem>>) src(%dma_wait3A_230 : memref<1000000x32xf32, #tpu.memory_space<hbm>>) dst(%dma_wait3A_225 : memref<400x32xf32, #tpu.memory_space<vmem>>)
    %dma_wait3A_231 = arith.constant 1200 : i32
    %dma_wait3A_232 = arith.constant 0 : i32
    %dma_wait3A_233 = tpu.memref_slice %arg7[%dma_wait3A_231, %dma_wait3A_232] : memref<1600x32xf32, #tpu.memory_space<vmem>> -> memref<400x32xf32, #tpu.memory_space<vmem>>
    %dma_wait3A_234 = arith.constant 1200 : i32
    %dma_wait3A_235 = tpu.memref_slice %arg5[%dma_wait3A_234] : memref<1600xi32, #tpu.memory_space<vmem>> -> memref<400xi32, #tpu.memory_space<vmem>>
    %dma_wait3A_236 = arith.constant 0 : i32
    %dma_wait3A_237 = arith.constant 0 : i32
    %dma_wait3A_238 = tpu.memref_slice %arg3[%dma_wait3A_236, %dma_wait3A_237] : memref<1000000x32xf32, #tpu.memory_space<hbm>> -> memref<1000000x32xf32, #tpu.memory_space<hbm>>
    tpu.wait_indirect_dma semaphore(%arg11 : memref<!tpu.dma_semaphore, #tpu.memory_space<semaphore_mem>>) src(%dma_wait3A_238 : memref<1000000x32xf32, #tpu.memory_space<hbm>>) dst(%dma_wait3A_233 : memref<400x32xf32, #tpu.memory_space<vmem>>)
    %add3A_239 = arith.constant 3200 : i32
    %add3A_240 = arith.addi %mul3A_2, %add3A_239 : i32
    %dma_start3A_241 = arith.constant 0 : i32
    %dma_start3A_242 = tpu.memref_slice %arg4[%add3A_240, %dma_start3A_241] : memref<819200x32xf32, #tpu.memory_space<hbm>> -> memref<1600x32xf32, #tpu.memory_space<hbm>>
    %dma_start3A_243 = arith.constant 0 : i32
    %dma_start3A_244 = tpu.memref_slice %arg4[%add3A_240, %dma_start3A_243] : memref<819200x32xf32, #tpu.memory_space<hbm>> -> memref<1600x32xf32, #tpu.memory_space<hbm>>
    tpu.enqueue_dma source(%arg7 : memref<1600x32xf32, #tpu.memory_space<vmem>>) target(%dma_start3A_244 : memref<1600x32xf32, #tpu.memory_space<hbm>>) target_semaphore(%arg13 : memref<!tpu.dma_semaphore, #tpu.memory_space<semaphore_mem>>)
    %add3A_245 = arith.constant 6400 : i32
    %add3A_246 = arith.addi %mul3A_2, %add3A_245 : i32
    %dma_start3A_247 = tpu.memref_slice %arg2[%add3A_246] : memref<819200xi32, #tpu.memory_space<hbm>> -> memref<1600xi32, #tpu.memory_space<hbm>>
    %dma_start3A_248 = tpu.memref_slice %arg2[%add3A_246] : memref<819200xi32, #tpu.memory_space<hbm>> -> memref<1600xi32, #tpu.memory_space<hbm>>
    tpu.enqueue_dma source(%dma_start3A_248 : memref<1600xi32, #tpu.memory_space<hbm>>) target(%arg5 : memref<1600xi32, #tpu.memory_space<vmem>>) target_semaphore(%arg9 : memref<!tpu.dma_semaphore, #tpu.memory_space<semaphore_mem>>)
    %add3A_249 = arith.constant 4800 : i32
    %add3A_250 = arith.addi %mul3A_2, %add3A_249 : i32
    %dma_wait3A_251 = tpu.memref_slice %arg2[%add3A_250] : memref<819200xi32, #tpu.memory_space<hbm>> -> memref<1600xi32, #tpu.memory_space<hbm>>
    %dma_wait3A_252 = tpu.memref_slice %arg2[%add3A_250] : memref<819200xi32, #tpu.memory_space<hbm>> -> memref<1600xi32, #tpu.memory_space<hbm>>
    tpu.wait_dma2 semaphore(%arg10 : memref<!tpu.dma_semaphore, #tpu.memory_space<semaphore_mem>>) src(%dma_wait3A_252 : memref<1600xi32, #tpu.memory_space<hbm>>) dst(%arg6 : memref<1600xi32, #tpu.memory_space<vmem>>)
    %add3A_253 = arith.constant 1600 : i32
    %add3A_254 = arith.addi %mul3A_2, %add3A_253 : i32
    %dma_wait3A_255 = arith.constant 0 : i32
    %dma_wait3A_256 = tpu.memref_slice %arg4[%add3A_254, %dma_wait3A_255] : memref<819200x32xf32, #tpu.memory_space<hbm>> -> memref<1600x32xf32, #tpu.memory_space<hbm>>
    %dma_wait3A_257 = arith.constant 0 : i32
    %dma_wait3A_258 = tpu.memref_slice %arg4[%add3A_254, %dma_wait3A_257] : memref<819200x32xf32, #tpu.memory_space<hbm>> -> memref<1600x32xf32, #tpu.memory_space<hbm>>
    tpu.wait_dma2 semaphore(%arg14 : memref<!tpu.dma_semaphore, #tpu.memory_space<semaphore_mem>>) src(%arg8 : memref<1600x32xf32, #tpu.memory_space<vmem>>) dst(%dma_wait3A_258 : memref<1600x32xf32, #tpu.memory_space<hbm>>)
    %dma_start3A_259 = arith.constant 0 : i32
    %dma_start3A_260 = arith.constant 0 : i32
    %dma_start3A_261 = tpu.memref_slice %arg8[%dma_start3A_259, %dma_start3A_260] : memref<1600x32xf32, #tpu.memory_space<vmem>> -> memref<400x32xf32, #tpu.memory_space<vmem>>
    %dma_start3A_262 = arith.constant 0 : i32
    %dma_start3A_263 = tpu.memref_slice %arg6[%dma_start3A_262] : memref<1600xi32, #tpu.memory_space<vmem>> -> memref<400xi32, #tpu.memory_space<vmem>>
    %dma_start3A_264 = arith.constant 0 : i32
    %dma_start3A_265 = arith.constant 0 : i32
    %dma_start3A_266 = tpu.memref_slice %arg3[%dma_start3A_264, %dma_start3A_265] : memref<1000000x32xf32, #tpu.memory_space<hbm>> -> memref<1000000x32xf32, #tpu.memory_space<hbm>>
    tpu.enqueue_indirect_dma source(%dma_start3A_266 : memref<1000000x32xf32, #tpu.memory_space<hbm>>) target(%dma_start3A_261 : memref<400x32xf32, #tpu.memory_space<vmem>>) offsets(%dma_start3A_263 : memref<400xi32, #tpu.memory_space<vmem>>) semaphore(%arg12 : memref<!tpu.dma_semaphore, #tpu.memory_space<semaphore_mem>>)
    %dma_start3A_267 = arith.constant 400 : i32
    %dma_start3A_268 = arith.constant 0 : i32
    %dma_start3A_269 = tpu.memref_slice %arg8[%dma_start3A_267, %dma_start3A_268] : memref<1600x32xf32, #tpu.memory_space<vmem>> -> memref<400x32xf32, #tpu.memory_space<vmem>>
    %dma_start3A_270 = arith.constant 400 : i32
    %dma_start3A_271 = tpu.memref_slice %arg6[%dma_start3A_270] : memref<1600xi32, #tpu.memory_space<vmem>> -> memref<400xi32, #tpu.memory_space<vmem>>
    %dma_start3A_272 = arith.constant 0 : i32
    %dma_start3A_273 = arith.constant 0 : i32
    %dma_start3A_274 = tpu.memref_slice %arg3[%dma_start3A_272, %dma_start3A_273] : memref<1000000x32xf32, #tpu.memory_space<hbm>> -> memref<1000000x32xf32, #tpu.memory_space<hbm>>
    tpu.enqueue_indirect_dma source(%dma_start3A_274 : memref<1000000x32xf32, #tpu.memory_space<hbm>>) target(%dma_start3A_269 : memref<400x32xf32, #tpu.memory_space<vmem>>) offsets(%dma_start3A_271 : memref<400xi32, #tpu.memory_space<vmem>>) semaphore(%arg12 : memref<!tpu.dma_semaphore, #tpu.memory_space<semaphore_mem>>)
    %dma_start3A_275 = arith.constant 800 : i32
    %dma_start3A_276 = arith.constant 0 : i32
    %dma_start3A_277 = tpu.memref_slice %arg8[%dma_start3A_275, %dma_start3A_276] : memref<1600x32xf32, #tpu.memory_space<vmem>> -> memref<400x32xf32, #tpu.memory_space<vmem>>
    %dma_start3A_278 = arith.constant 800 : i32
    %dma_start3A_279 = tpu.memref_slice %arg6[%dma_start3A_278] : memref<1600xi32, #tpu.memory_space<vmem>> -> memref<400xi32, #tpu.memory_space<vmem>>
    %dma_start3A_280 = arith.constant 0 : i32
    %dma_start3A_281 = arith.constant 0 : i32
    %dma_start3A_282 = tpu.memref_slice %arg3[%dma_start3A_280, %dma_start3A_281] : memref<1000000x32xf32, #tpu.memory_space<hbm>> -> memref<1000000x32xf32, #tpu.memory_space<hbm>>
    tpu.enqueue_indirect_dma source(%dma_start3A_282 : memref<1000000x32xf32, #tpu.memory_space<hbm>>) target(%dma_start3A_277 : memref<400x32xf32, #tpu.memory_space<vmem>>) offsets(%dma_start3A_279 : memref<400xi32, #tpu.memory_space<vmem>>) semaphore(%arg12 : memref<!tpu.dma_semaphore, #tpu.memory_space<semaphore_mem>>)
    %dma_start3A_283 = arith.constant 1200 : i32
    %dma_start3A_284 = arith.constant 0 : i32
    %dma_start3A_285 = tpu.memref_slice %arg8[%dma_start3A_283, %dma_start3A_284] : memref<1600x32xf32, #tpu.memory_space<vmem>> -> memref<400x32xf32, #tpu.memory_space<vmem>>
    %dma_start3A_286 = arith.constant 1200 : i32
    %dma_start3A_287 = tpu.memref_slice %arg6[%dma_start3A_286] : memref<1600xi32, #tpu.memory_space<vmem>> -> memref<400xi32, #tpu.memory_space<vmem>>
    %dma_start3A_288 = arith.constant 0 : i32
    %dma_start3A_289 = arith.constant 0 : i32
    %dma_start3A_290 = tpu.memref_slice %arg3[%dma_start3A_288, %dma_start3A_289] : memref<1000000x32xf32, #tpu.memory_space<hbm>> -> memref<1000000x32xf32, #tpu.memory_space<hbm>>
    tpu.enqueue_indirect_dma source(%dma_start3A_290 : memref<1000000x32xf32, #tpu.memory_space<hbm>>) target(%dma_start3A_285 : memref<400x32xf32, #tpu.memory_space<vmem>>) offsets(%dma_start3A_287 : memref<400xi32, #tpu.memory_space<vmem>>) semaphore(%arg12 : memref<!tpu.dma_semaphore, #tpu.memory_space<semaphore_mem>>)
    %dma_wait3A_291 = arith.constant 0 : i32
    %dma_wait3A_292 = arith.constant 0 : i32
    %dma_wait3A_293 = tpu.memref_slice %arg8[%dma_wait3A_291, %dma_wait3A_292] : memref<1600x32xf32, #tpu.memory_space<vmem>> -> memref<400x32xf32, #tpu.memory_space<vmem>>
    %dma_wait3A_294 = arith.constant 0 : i32
    %dma_wait3A_295 = tpu.memref_slice %arg6[%dma_wait3A_294] : memref<1600xi32, #tpu.memory_space<vmem>> -> memref<400xi32, #tpu.memory_space<vmem>>
    %dma_wait3A_296 = arith.constant 0 : i32
    %dma_wait3A_297 = arith.constant 0 : i32
    %dma_wait3A_298 = tpu.memref_slice %arg3[%dma_wait3A_296, %dma_wait3A_297] : memref<1000000x32xf32, #tpu.memory_space<hbm>> -> memref<1000000x32xf32, #tpu.memory_space<hbm>>
    tpu.wait_indirect_dma semaphore(%arg12 : memref<!tpu.dma_semaphore, #tpu.memory_space<semaphore_mem>>) src(%dma_wait3A_298 : memref<1000000x32xf32, #tpu.memory_space<hbm>>) dst(%dma_wait3A_293 : memref<400x32xf32, #tpu.memory_space<vmem>>)
    %dma_wait3A_299 = arith.constant 400 : i32
    %dma_wait3A_300 = arith.constant 0 : i32
    %dma_wait3A_301 = tpu.memref_slice %arg8[%dma_wait3A_299, %dma_wait3A_300] : memref<1600x32xf32, #tpu.memory_space<vmem>> -> memref<400x32xf32, #tpu.memory_space<vmem>>
    %dma_wait3A_302 = arith.constant 400 : i32
    %dma_wait3A_303 = tpu.memref_slice %arg6[%dma_wait3A_302] : memref<1600xi32, #tpu.memory_space<vmem>> -> memref<400xi32, #tpu.memory_space<vmem>>
    %dma_wait3A_304 = arith.constant 0 : i32
    %dma_wait3A_305 = arith.constant 0 : i32
    %dma_wait3A_306 = tpu.memref_slice %arg3[%dma_wait3A_304, %dma_wait3A_305] : memref<1000000x32xf32, #tpu.memory_space<hbm>> -> memref<1000000x32xf32, #tpu.memory_space<hbm>>
    tpu.wait_indirect_dma semaphore(%arg12 : memref<!tpu.dma_semaphore, #tpu.memory_space<semaphore_mem>>) src(%dma_wait3A_306 : memref<1000000x32xf32, #tpu.memory_space<hbm>>) dst(%dma_wait3A_301 : memref<400x32xf32, #tpu.memory_space<vmem>>)
    %dma_wait3A_307 = arith.constant 800 : i32
    %dma_wait3A_308 = arith.constant 0 : i32
    %dma_wait3A_309 = tpu.memref_slice %arg8[%dma_wait3A_307, %dma_wait3A_308] : memref<1600x32xf32, #tpu.memory_space<vmem>> -> memref<400x32xf32, #tpu.memory_space<vmem>>
    %dma_wait3A_310 = arith.constant 800 : i32
    %dma_wait3A_311 = tpu.memref_slice %arg6[%dma_wait3A_310] : memref<1600xi32, #tpu.memory_space<vmem>> -> memref<400xi32, #tpu.memory_space<vmem>>
    %dma_wait3A_312 = arith.constant 0 : i32
    %dma_wait3A_313 = arith.constant 0 : i32
    %dma_wait3A_314 = tpu.memref_slice %arg3[%dma_wait3A_312, %dma_wait3A_313] : memref<1000000x32xf32, #tpu.memory_space<hbm>> -> memref<1000000x32xf32, #tpu.memory_space<hbm>>
    tpu.wait_indirect_dma semaphore(%arg12 : memref<!tpu.dma_semaphore, #tpu.memory_space<semaphore_mem>>) src(%dma_wait3A_314 : memref<1000000x32xf32, #tpu.memory_space<hbm>>) dst(%dma_wait3A_309 : memref<400x32xf32, #tpu.memory_space<vmem>>)
    %dma_wait3A_315 = arith.constant 1200 : i32
    %dma_wait3A_316 = arith.constant 0 : i32
    %dma_wait3A_317 = tpu.memref_slice %arg8[%dma_wait3A_315, %dma_wait3A_316] : memref<1600x32xf32, #tpu.memory_space<vmem>> -> memref<400x32xf32, #tpu.memory_space<vmem>>
    %dma_wait3A_318 = arith.constant 1200 : i32
    %dma_wait3A_319 = tpu.memref_slice %arg6[%dma_wait3A_318] : memref<1600xi32, #tpu.memory_space<vmem>> -> memref<400xi32, #tpu.memory_space<vmem>>
    %dma_wait3A_320 = arith.constant 0 : i32
    %dma_wait3A_321 = arith.constant 0 : i32
    %dma_wait3A_322 = tpu.memref_slice %arg3[%dma_wait3A_320, %dma_wait3A_321] : memref<1000000x32xf32, #tpu.memory_space<hbm>> -> memref<1000000x32xf32, #tpu.memory_space<hbm>>
    tpu.wait_indirect_dma semaphore(%arg12 : memref<!tpu.dma_semaphore, #tpu.memory_space<semaphore_mem>>) src(%dma_wait3A_322 : memref<1000000x32xf32, #tpu.memory_space<hbm>>) dst(%dma_wait3A_317 : memref<400x32xf32, #tpu.memory_space<vmem>>)
    %add3A_323 = arith.constant 4800 : i32
    %add3A_324 = arith.addi %mul3A_2, %add3A_323 : i32
    %dma_start3A_325 = arith.constant 0 : i32
    %dma_start3A_326 = tpu.memref_slice %arg4[%add3A_324, %dma_start3A_325] : memref<819200x32xf32, #tpu.memory_space<hbm>> -> memref<1600x32xf32, #tpu.memory_space<hbm>>
    %dma_start3A_327 = arith.constant 0 : i32
    %dma_start3A_328 = tpu.memref_slice %arg4[%add3A_324, %dma_start3A_327] : memref<819200x32xf32, #tpu.memory_space<hbm>> -> memref<1600x32xf32, #tpu.memory_space<hbm>>
    tpu.enqueue_dma source(%arg8 : memref<1600x32xf32, #tpu.memory_space<vmem>>) target(%dma_start3A_328 : memref<1600x32xf32, #tpu.memory_space<hbm>>) target_semaphore(%arg14 : memref<!tpu.dma_semaphore, #tpu.memory_space<semaphore_mem>>)
    %add3A_329 = arith.constant 8000 : i32
    %add3A_330 = arith.addi %mul3A_2, %add3A_329 : i32
    %dma_start3A_331 = tpu.memref_slice %arg2[%add3A_330] : memref<819200xi32, #tpu.memory_space<hbm>> -> memref<1600xi32, #tpu.memory_space<hbm>>
    %dma_start3A_332 = tpu.memref_slice %arg2[%add3A_330] : memref<819200xi32, #tpu.memory_space<hbm>> -> memref<1600xi32, #tpu.memory_space<hbm>>
    tpu.enqueue_dma source(%dma_start3A_332 : memref<1600xi32, #tpu.memory_space<hbm>>) target(%arg6 : memref<1600xi32, #tpu.memory_space<vmem>>) target_semaphore(%arg10 : memref<!tpu.dma_semaphore, #tpu.memory_space<semaphore_mem>>)
    %add3A_333 = arith.constant 6400 : i32
    %add3A_334 = arith.addi %mul3A_2, %add3A_333 : i32
    %dma_wait3A_335 = tpu.memref_slice %arg2[%add3A_334] : memref<819200xi32, #tpu.memory_space<hbm>> -> memref<1600xi32, #tpu.memory_space<hbm>>
    %dma_wait3A_336 = tpu.memref_slice %arg2[%add3A_334] : memref<819200xi32, #tpu.memory_space<hbm>> -> memref<1600xi32, #tpu.memory_space<hbm>>
    tpu.wait_dma2 semaphore(%arg9 : memref<!tpu.dma_semaphore, #tpu.memory_space<semaphore_mem>>) src(%dma_wait3A_336 : memref<1600xi32, #tpu.memory_space<hbm>>) dst(%arg5 : memref<1600xi32, #tpu.memory_space<vmem>>)
    %add3A_337 = arith.constant 3200 : i32
    %add3A_338 = arith.addi %mul3A_2, %add3A_337 : i32
    %dma_wait3A_339 = arith.constant 0 : i32
    %dma_wait3A_340 = tpu.memref_slice %arg4[%add3A_338, %dma_wait3A_339] : memref<819200x32xf32, #tpu.memory_space<hbm>> -> memref<1600x32xf32, #tpu.memory_space<hbm>>
    %dma_wait3A_341 = arith.constant 0 : i32
    %dma_wait3A_342 = tpu.memref_slice %arg4[%add3A_338, %dma_wait3A_341] : memref<819200x32xf32, #tpu.memory_space<hbm>> -> memref<1600x32xf32, #tpu.memory_space<hbm>>
    tpu.wait_dma2 semaphore(%arg13 : memref<!tpu.dma_semaphore, #tpu.memory_space<semaphore_mem>>) src(%arg7 : memref<1600x32xf32, #tpu.memory_space<vmem>>) dst(%dma_wait3A_342 : memref<1600x32xf32, #tpu.memory_space<hbm>>)
    %dma_start3A_343 = arith.constant 0 : i32
    %dma_start3A_344 = arith.constant 0 : i32
    %dma_start3A_345 = tpu.memref_slice %arg7[%dma_start3A_343, %dma_start3A_344] : memref<1600x32xf32, #tpu.memory_space<vmem>> -> memref<400x32xf32, #tpu.memory_space<vmem>>
    %dma_start3A_346 = arith.constant 0 : i32
    %dma_start3A_347 = tpu.memref_slice %arg5[%dma_start3A_346] : memref<1600xi32, #tpu.memory_space<vmem>> -> memref<400xi32, #tpu.memory_space<vmem>>
    %dma_start3A_348 = arith.constant 0 : i32
    %dma_start3A_349 = arith.constant 0 : i32
    %dma_start3A_350 = tpu.memref_slice %arg3[%dma_start3A_348, %dma_start3A_349] : memref<1000000x32xf32, #tpu.memory_space<hbm>> -> memref<1000000x32xf32, #tpu.memory_space<hbm>>
    tpu.enqueue_indirect_dma source(%dma_start3A_350 : memref<1000000x32xf32, #tpu.memory_space<hbm>>) target(%dma_start3A_345 : memref<400x32xf32, #tpu.memory_space<vmem>>) offsets(%dma_start3A_347 : memref<400xi32, #tpu.memory_space<vmem>>) semaphore(%arg11 : memref<!tpu.dma_semaphore, #tpu.memory_space<semaphore_mem>>)
    %dma_start3A_351 = arith.constant 400 : i32
    %dma_start3A_352 = arith.constant 0 : i32
    %dma_start3A_353 = tpu.memref_slice %arg7[%dma_start3A_351, %dma_start3A_352] : memref<1600x32xf32, #tpu.memory_space<vmem>> -> memref<400x32xf32, #tpu.memory_space<vmem>>
    %dma_start3A_354 = arith.constant 400 : i32
    %dma_start3A_355 = tpu.memref_slice %arg5[%dma_start3A_354] : memref<1600xi32, #tpu.memory_space<vmem>> -> memref<400xi32, #tpu.memory_space<vmem>>
    %dma_start3A_356 = arith.constant 0 : i32
    %dma_start3A_357 = arith.constant 0 : i32
    %dma_start3A_358 = tpu.memref_slice %arg3[%dma_start3A_356, %dma_start3A_357] : memref<1000000x32xf32, #tpu.memory_space<hbm>> -> memref<1000000x32xf32, #tpu.memory_space<hbm>>
    tpu.enqueue_indirect_dma source(%dma_start3A_358 : memref<1000000x32xf32, #tpu.memory_space<hbm>>) target(%dma_start3A_353 : memref<400x32xf32, #tpu.memory_space<vmem>>) offsets(%dma_start3A_355 : memref<400xi32, #tpu.memory_space<vmem>>) semaphore(%arg11 : memref<!tpu.dma_semaphore, #tpu.memory_space<semaphore_mem>>)
    %dma_start3A_359 = arith.constant 800 : i32
    %dma_start3A_360 = arith.constant 0 : i32
    %dma_start3A_361 = tpu.memref_slice %arg7[%dma_start3A_359, %dma_start3A_360] : memref<1600x32xf32, #tpu.memory_space<vmem>> -> memref<400x32xf32, #tpu.memory_space<vmem>>
    %dma_start3A_362 = arith.constant 800 : i32
    %dma_start3A_363 = tpu.memref_slice %arg5[%dma_start3A_362] : memref<1600xi32, #tpu.memory_space<vmem>> -> memref<400xi32, #tpu.memory_space<vmem>>
    %dma_start3A_364 = arith.constant 0 : i32
    %dma_start3A_365 = arith.constant 0 : i32
    %dma_start3A_366 = tpu.memref_slice %arg3[%dma_start3A_364, %dma_start3A_365] : memref<1000000x32xf32, #tpu.memory_space<hbm>> -> memref<1000000x32xf32, #tpu.memory_space<hbm>>
    tpu.enqueue_indirect_dma source(%dma_start3A_366 : memref<1000000x32xf32, #tpu.memory_space<hbm>>) target(%dma_start3A_361 : memref<400x32xf32, #tpu.memory_space<vmem>>) offsets(%dma_start3A_363 : memref<400xi32, #tpu.memory_space<vmem>>) semaphore(%arg11 : memref<!tpu.dma_semaphore, #tpu.memory_space<semaphore_mem>>)
    %dma_start3A_367 = arith.constant 1200 : i32
    %dma_start3A_368 = arith.constant 0 : i32
    %dma_start3A_369 = tpu.memref_slice %arg7[%dma_start3A_367, %dma_start3A_368] : memref<1600x32xf32, #tpu.memory_space<vmem>> -> memref<400x32xf32, #tpu.memory_space<vmem>>
    %dma_start3A_370 = arith.constant 1200 : i32
    %dma_start3A_371 = tpu.memref_slice %arg5[%dma_start3A_370] : memref<1600xi32, #tpu.memory_space<vmem>> -> memref<400xi32, #tpu.memory_space<vmem>>
    %dma_start3A_372 = arith.constant 0 : i32
    %dma_start3A_373 = arith.constant 0 : i32
    %dma_start3A_374 = tpu.memref_slice %arg3[%dma_start3A_372, %dma_start3A_373] : memref<1000000x32xf32, #tpu.memory_space<hbm>> -> memref<1000000x32xf32, #tpu.memory_space<hbm>>
    tpu.enqueue_indirect_dma source(%dma_start3A_374 : memref<1000000x32xf32, #tpu.memory_space<hbm>>) target(%dma_start3A_369 : memref<400x32xf32, #tpu.memory_space<vmem>>) offsets(%dma_start3A_371 : memref<400xi32, #tpu.memory_space<vmem>>) semaphore(%arg11 : memref<!tpu.dma_semaphore, #tpu.memory_space<semaphore_mem>>)
    %dma_wait3A_375 = arith.constant 0 : i32
    %dma_wait3A_376 = arith.constant 0 : i32
    %dma_wait3A_377 = tpu.memref_slice %arg7[%dma_wait3A_375, %dma_wait3A_376] : memref<1600x32xf32, #tpu.memory_space<vmem>> -> memref<400x32xf32, #tpu.memory_space<vmem>>
    %dma_wait3A_378 = arith.constant 0 : i32
    %dma_wait3A_379 = tpu.memref_slice %arg5[%dma_wait3A_378] : memref<1600xi32, #tpu.memory_space<vmem>> -> memref<400xi32, #tpu.memory_space<vmem>>
    %dma_wait3A_380 = arith.constant 0 : i32
    %dma_wait3A_381 = arith.constant 0 : i32
    %dma_wait3A_382 = tpu.memref_slice %arg3[%dma_wait3A_380, %dma_wait3A_381] : memref<1000000x32xf32, #tpu.memory_space<hbm>> -> memref<1000000x32xf32, #tpu.memory_space<hbm>>
    tpu.wait_indirect_dma semaphore(%arg11 : memref<!tpu.dma_semaphore, #tpu.memory_space<semaphore_mem>>) src(%dma_wait3A_382 : memref<1000000x32xf32, #tpu.memory_space<hbm>>) dst(%dma_wait3A_377 : memref<400x32xf32, #tpu.memory_space<vmem>>)
    %dma_wait3A_383 = arith.constant 400 : i32
    %dma_wait3A_384 = arith.constant 0 : i32
    %dma_wait3A_385 = tpu.memref_slice %arg7[%dma_wait3A_383, %dma_wait3A_384] : memref<1600x32xf32, #tpu.memory_space<vmem>> -> memref<400x32xf32, #tpu.memory_space<vmem>>
    %dma_wait3A_386 = arith.constant 400 : i32
    %dma_wait3A_387 = tpu.memref_slice %arg5[%dma_wait3A_386] : memref<1600xi32, #tpu.memory_space<vmem>> -> memref<400xi32, #tpu.memory_space<vmem>>
    %dma_wait3A_388 = arith.constant 0 : i32
    %dma_wait3A_389 = arith.constant 0 : i32
    %dma_wait3A_390 = tpu.memref_slice %arg3[%dma_wait3A_388, %dma_wait3A_389] : memref<1000000x32xf32, #tpu.memory_space<hbm>> -> memref<1000000x32xf32, #tpu.memory_space<hbm>>
    tpu.wait_indirect_dma semaphore(%arg11 : memref<!tpu.dma_semaphore, #tpu.memory_space<semaphore_mem>>) src(%dma_wait3A_390 : memref<1000000x32xf32, #tpu.memory_space<hbm>>) dst(%dma_wait3A_385 : memref<400x32xf32, #tpu.memory_space<vmem>>)
    %dma_wait3A_391 = arith.constant 800 : i32
    %dma_wait3A_392 = arith.constant 0 : i32
    %dma_wait3A_393 = tpu.memref_slice %arg7[%dma_wait3A_391, %dma_wait3A_392] : memref<1600x32xf32, #tpu.memory_space<vmem>> -> memref<400x32xf32, #tpu.memory_space<vmem>>
    %dma_wait3A_394 = arith.constant 800 : i32
    %dma_wait3A_395 = tpu.memref_slice %arg5[%dma_wait3A_394] : memref<1600xi32, #tpu.memory_space<vmem>> -> memref<400xi32, #tpu.memory_space<vmem>>
    %dma_wait3A_396 = arith.constant 0 : i32
    %dma_wait3A_397 = arith.constant 0 : i32
    %dma_wait3A_398 = tpu.memref_slice %arg3[%dma_wait3A_396, %dma_wait3A_397] : memref<1000000x32xf32, #tpu.memory_space<hbm>> -> memref<1000000x32xf32, #tpu.memory_space<hbm>>
    tpu.wait_indirect_dma semaphore(%arg11 : memref<!tpu.dma_semaphore, #tpu.memory_space<semaphore_mem>>) src(%dma_wait3A_398 : memref<1000000x32xf32, #tpu.memory_space<hbm>>) dst(%dma_wait3A_393 : memref<400x32xf32, #tpu.memory_space<vmem>>)
    %dma_wait3A_399 = arith.constant 1200 : i32
    %dma_wait3A_400 = arith.constant 0 : i32
    %dma_wait3A_401 = tpu.memref_slice %arg7[%dma_wait3A_399, %dma_wait3A_400] : memref<1600x32xf32, #tpu.memory_space<vmem>> -> memref<400x32xf32, #tpu.memory_space<vmem>>
    %dma_wait3A_402 = arith.constant 1200 : i32
    %dma_wait3A_403 = tpu.memref_slice %arg5[%dma_wait3A_402] : memref<1600xi32, #tpu.memory_space<vmem>> -> memref<400xi32, #tpu.memory_space<vmem>>
    %dma_wait3A_404 = arith.constant 0 : i32
    %dma_wait3A_405 = arith.constant 0 : i32
    %dma_wait3A_406 = tpu.memref_slice %arg3[%dma_wait3A_404, %dma_wait3A_405] : memref<1000000x32xf32, #tpu.memory_space<hbm>> -> memref<1000000x32xf32, #tpu.memory_space<hbm>>
    tpu.wait_indirect_dma semaphore(%arg11 : memref<!tpu.dma_semaphore, #tpu.memory_space<semaphore_mem>>) src(%dma_wait3A_406 : memref<1000000x32xf32, #tpu.memory_space<hbm>>) dst(%dma_wait3A_401 : memref<400x32xf32, #tpu.memory_space<vmem>>)
    %add3A_407 = arith.constant 6400 : i32
    %add3A_408 = arith.addi %mul3A_2, %add3A_407 : i32
    %dma_start3A_409 = arith.constant 0 : i32
    %dma_start3A_410 = tpu.memref_slice %arg4[%add3A_408, %dma_start3A_409] : memref<819200x32xf32, #tpu.memory_space<hbm>> -> memref<1600x32xf32, #tpu.memory_space<hbm>>
    %dma_start3A_411 = arith.constant 0 : i32
    %dma_start3A_412 = tpu.memref_slice %arg4[%add3A_408, %dma_start3A_411] : memref<819200x32xf32, #tpu.memory_space<hbm>> -> memref<1600x32xf32, #tpu.memory_space<hbm>>
    tpu.enqueue_dma source(%arg7 : memref<1600x32xf32, #tpu.memory_space<vmem>>) target(%dma_start3A_412 : memref<1600x32xf32, #tpu.memory_space<hbm>>) target_semaphore(%arg13 : memref<!tpu.dma_semaphore, #tpu.memory_space<semaphore_mem>>)
    %add3A_413 = arith.constant 9600 : i32
    %add3A_414 = arith.addi %mul3A_2, %add3A_413 : i32
    %dma_start3A_415 = tpu.memref_slice %arg2[%add3A_414] : memref<819200xi32, #tpu.memory_space<hbm>> -> memref<1600xi32, #tpu.memory_space<hbm>>
    %dma_start3A_416 = tpu.memref_slice %arg2[%add3A_414] : memref<819200xi32, #tpu.memory_space<hbm>> -> memref<1600xi32, #tpu.memory_space<hbm>>
    tpu.enqueue_dma source(%dma_start3A_416 : memref<1600xi32, #tpu.memory_space<hbm>>) target(%arg5 : memref<1600xi32, #tpu.memory_space<vmem>>) target_semaphore(%arg9 : memref<!tpu.dma_semaphore, #tpu.memory_space<semaphore_mem>>)
    %add3A_417 = arith.constant 8000 : i32
    %add3A_418 = arith.addi %mul3A_2, %add3A_417 : i32
    %dma_wait3A_419 = tpu.memref_slice %arg2[%add3A_418] : memref<819200xi32, #tpu.memory_space<hbm>> -> memref<1600xi32, #tpu.memory_space<hbm>>
    %dma_wait3A_420 = tpu.memref_slice %arg2[%add3A_418] : memref<819200xi32, #tpu.memory_space<hbm>> -> memref<1600xi32, #tpu.memory_space<hbm>>
    tpu.wait_dma2 semaphore(%arg10 : memref<!tpu.dma_semaphore, #tpu.memory_space<semaphore_mem>>) src(%dma_wait3A_420 : memref<1600xi32, #tpu.memory_space<hbm>>) dst(%arg6 : memref<1600xi32, #tpu.memory_space<vmem>>)
    %add3A_421 = arith.constant 4800 : i32
    %add3A_422 = arith.addi %mul3A_2, %add3A_421 : i32
    %dma_wait3A_423 = arith.constant 0 : i32
    %dma_wait3A_424 = tpu.memref_slice %arg4[%add3A_422, %dma_wait3A_423] : memref<819200x32xf32, #tpu.memory_space<hbm>> -> memref<1600x32xf32, #tpu.memory_space<hbm>>
    %dma_wait3A_425 = arith.constant 0 : i32
    %dma_wait3A_426 = tpu.memref_slice %arg4[%add3A_422, %dma_wait3A_425] : memref<819200x32xf32, #tpu.memory_space<hbm>> -> memref<1600x32xf32, #tpu.memory_space<hbm>>
    tpu.wait_dma2 semaphore(%arg14 : memref<!tpu.dma_semaphore, #tpu.memory_space<semaphore_mem>>) src(%arg8 : memref<1600x32xf32, #tpu.memory_space<vmem>>) dst(%dma_wait3A_426 : memref<1600x32xf32, #tpu.memory_space<hbm>>)
    %dma_start3A_427 = arith.constant 0 : i32
    %dma_start3A_428 = arith.constant 0 : i32
    %dma_start3A_429 = tpu.memref_slice %arg8[%dma_start3A_427, %dma_start3A_428] : memref<1600x32xf32, #tpu.memory_space<vmem>> -> memref<400x32xf32, #tpu.memory_space<vmem>>
    %dma_start3A_430 = arith.constant 0 : i32
    %dma_start3A_431 = tpu.memref_slice %arg6[%dma_start3A_430] : memref<1600xi32, #tpu.memory_space<vmem>> -> memref<400xi32, #tpu.memory_space<vmem>>
    %dma_start3A_432 = arith.constant 0 : i32
    %dma_start3A_433 = arith.constant 0 : i32
    %dma_start3A_434 = tpu.memref_slice %arg3[%dma_start3A_432, %dma_start3A_433] : memref<1000000x32xf32, #tpu.memory_space<hbm>> -> memref<1000000x32xf32, #tpu.memory_space<hbm>>
    tpu.enqueue_indirect_dma source(%dma_start3A_434 : memref<1000000x32xf32, #tpu.memory_space<hbm>>) target(%dma_start3A_429 : memref<400x32xf32, #tpu.memory_space<vmem>>) offsets(%dma_start3A_431 : memref<400xi32, #tpu.memory_space<vmem>>) semaphore(%arg12 : memref<!tpu.dma_semaphore, #tpu.memory_space<semaphore_mem>>)
    %dma_start3A_435 = arith.constant 400 : i32
    %dma_start3A_436 = arith.constant 0 : i32
    %dma_start3A_437 = tpu.memref_slice %arg8[%dma_start3A_435, %dma_start3A_436] : memref<1600x32xf32, #tpu.memory_space<vmem>> -> memref<400x32xf32, #tpu.memory_space<vmem>>
    %dma_start3A_438 = arith.constant 400 : i32
    %dma_start3A_439 = tpu.memref_slice %arg6[%dma_start3A_438] : memref<1600xi32, #tpu.memory_space<vmem>> -> memref<400xi32, #tpu.memory_space<vmem>>
    %dma_start3A_440 = arith.constant 0 : i32
    %dma_start3A_441 = arith.constant 0 : i32
    %dma_start3A_442 = tpu.memref_slice %arg3[%dma_start3A_440, %dma_start3A_441] : memref<1000000x32xf32, #tpu.memory_space<hbm>> -> memref<1000000x32xf32, #tpu.memory_space<hbm>>
    tpu.enqueue_indirect_dma source(%dma_start3A_442 : memref<1000000x32xf32, #tpu.memory_space<hbm>>) target(%dma_start3A_437 : memref<400x32xf32, #tpu.memory_space<vmem>>) offsets(%dma_start3A_439 : memref<400xi32, #tpu.memory_space<vmem>>) semaphore(%arg12 : memref<!tpu.dma_semaphore, #tpu.memory_space<semaphore_mem>>)
    %dma_start3A_443 = arith.constant 800 : i32
    %dma_start3A_444 = arith.constant 0 : i32
    %dma_start3A_445 = tpu.memref_slice %arg8[%dma_start3A_443, %dma_start3A_444] : memref<1600x32xf32, #tpu.memory_space<vmem>> -> memref<400x32xf32, #tpu.memory_space<vmem>>
    %dma_start3A_446 = arith.constant 800 : i32
    %dma_start3A_447 = tpu.memref_slice %arg6[%dma_start3A_446] : memref<1600xi32, #tpu.memory_space<vmem>> -> memref<400xi32, #tpu.memory_space<vmem>>
    %dma_start3A_448 = arith.constant 0 : i32
    %dma_start3A_449 = arith.constant 0 : i32
    %dma_start3A_450 = tpu.memref_slice %arg3[%dma_start3A_448, %dma_start3A_449] : memref<1000000x32xf32, #tpu.memory_space<hbm>> -> memref<1000000x32xf32, #tpu.memory_space<hbm>>
    tpu.enqueue_indirect_dma source(%dma_start3A_450 : memref<1000000x32xf32, #tpu.memory_space<hbm>>) target(%dma_start3A_445 : memref<400x32xf32, #tpu.memory_space<vmem>>) offsets(%dma_start3A_447 : memref<400xi32, #tpu.memory_space<vmem>>) semaphore(%arg12 : memref<!tpu.dma_semaphore, #tpu.memory_space<semaphore_mem>>)
    %dma_start3A_451 = arith.constant 1200 : i32
    %dma_start3A_452 = arith.constant 0 : i32
    %dma_start3A_453 = tpu.memref_slice %arg8[%dma_start3A_451, %dma_start3A_452] : memref<1600x32xf32, #tpu.memory_space<vmem>> -> memref<400x32xf32, #tpu.memory_space<vmem>>
    %dma_start3A_454 = arith.constant 1200 : i32
    %dma_start3A_455 = tpu.memref_slice %arg6[%dma_start3A_454] : memref<1600xi32, #tpu.memory_space<vmem>> -> memref<400xi32, #tpu.memory_space<vmem>>
    %dma_start3A_456 = arith.constant 0 : i32
    %dma_start3A_457 = arith.constant 0 : i32
    %dma_start3A_458 = tpu.memref_slice %arg3[%dma_start3A_456, %dma_start3A_457] : memref<1000000x32xf32, #tpu.memory_space<hbm>> -> memref<1000000x32xf32, #tpu.memory_space<hbm>>
    tpu.enqueue_indirect_dma source(%dma_start3A_458 : memref<1000000x32xf32, #tpu.memory_space<hbm>>) target(%dma_start3A_453 : memref<400x32xf32, #tpu.memory_space<vmem>>) offsets(%dma_start3A_455 : memref<400xi32, #tpu.memory_space<vmem>>) semaphore(%arg12 : memref<!tpu.dma_semaphore, #tpu.memory_space<semaphore_mem>>)
    %dma_wait3A_459 = arith.constant 0 : i32
    %dma_wait3A_460 = arith.constant 0 : i32
    %dma_wait3A_461 = tpu.memref_slice %arg8[%dma_wait3A_459, %dma_wait3A_460] : memref<1600x32xf32, #tpu.memory_space<vmem>> -> memref<400x32xf32, #tpu.memory_space<vmem>>
    %dma_wait3A_462 = arith.constant 0 : i32
    %dma_wait3A_463 = tpu.memref_slice %arg6[%dma_wait3A_462] : memref<1600xi32, #tpu.memory_space<vmem>> -> memref<400xi32, #tpu.memory_space<vmem>>
    %dma_wait3A_464 = arith.constant 0 : i32
    %dma_wait3A_465 = arith.constant 0 : i32
    %dma_wait3A_466 = tpu.memref_slice %arg3[%dma_wait3A_464, %dma_wait3A_465] : memref<1000000x32xf32, #tpu.memory_space<hbm>> -> memref<1000000x32xf32, #tpu.memory_space<hbm>>
    tpu.wait_indirect_dma semaphore(%arg12 : memref<!tpu.dma_semaphore, #tpu.memory_space<semaphore_mem>>) src(%dma_wait3A_466 : memref<1000000x32xf32, #tpu.memory_space<hbm>>) dst(%dma_wait3A_461 : memref<400x32xf32, #tpu.memory_space<vmem>>)
    %dma_wait3A_467 = arith.constant 400 : i32
    %dma_wait3A_468 = arith.constant 0 : i32
    %dma_wait3A_469 = tpu.memref_slice %arg8[%dma_wait3A_467, %dma_wait3A_468] : memref<1600x32xf32, #tpu.memory_space<vmem>> -> memref<400x32xf32, #tpu.memory_space<vmem>>
    %dma_wait3A_470 = arith.constant 400 : i32
    %dma_wait3A_471 = tpu.memref_slice %arg6[%dma_wait3A_470] : memref<1600xi32, #tpu.memory_space<vmem>> -> memref<400xi32, #tpu.memory_space<vmem>>
    %dma_wait3A_472 = arith.constant 0 : i32
    %dma_wait3A_473 = arith.constant 0 : i32
    %dma_wait3A_474 = tpu.memref_slice %arg3[%dma_wait3A_472, %dma_wait3A_473] : memref<1000000x32xf32, #tpu.memory_space<hbm>> -> memref<1000000x32xf32, #tpu.memory_space<hbm>>
    tpu.wait_indirect_dma semaphore(%arg12 : memref<!tpu.dma_semaphore, #tpu.memory_space<semaphore_mem>>) src(%dma_wait3A_474 : memref<1000000x32xf32, #tpu.memory_space<hbm>>) dst(%dma_wait3A_469 : memref<400x32xf32, #tpu.memory_space<vmem>>)
    %dma_wait3A_475 = arith.constant 800 : i32
    %dma_wait3A_476 = arith.constant 0 : i32
    %dma_wait3A_477 = tpu.memref_slice %arg8[%dma_wait3A_475, %dma_wait3A_476] : memref<1600x32xf32, #tpu.memory_space<vmem>> -> memref<400x32xf32, #tpu.memory_space<vmem>>
    %dma_wait3A_478 = arith.constant 800 : i32
    %dma_wait3A_479 = tpu.memref_slice %arg6[%dma_wait3A_478] : memref<1600xi32, #tpu.memory_space<vmem>> -> memref<400xi32, #tpu.memory_space<vmem>>
    %dma_wait3A_480 = arith.constant 0 : i32
    %dma_wait3A_481 = arith.constant 0 : i32
    %dma_wait3A_482 = tpu.memref_slice %arg3[%dma_wait3A_480, %dma_wait3A_481] : memref<1000000x32xf32, #tpu.memory_space<hbm>> -> memref<1000000x32xf32, #tpu.memory_space<hbm>>
    tpu.wait_indirect_dma semaphore(%arg12 : memref<!tpu.dma_semaphore, #tpu.memory_space<semaphore_mem>>) src(%dma_wait3A_482 : memref<1000000x32xf32, #tpu.memory_space<hbm>>) dst(%dma_wait3A_477 : memref<400x32xf32, #tpu.memory_space<vmem>>)
    %dma_wait3A_483 = arith.constant 1200 : i32
    %dma_wait3A_484 = arith.constant 0 : i32
    %dma_wait3A_485 = tpu.memref_slice %arg8[%dma_wait3A_483, %dma_wait3A_484] : memref<1600x32xf32, #tpu.memory_space<vmem>> -> memref<400x32xf32, #tpu.memory_space<vmem>>
    %dma_wait3A_486 = arith.constant 1200 : i32
    %dma_wait3A_487 = tpu.memref_slice %arg6[%dma_wait3A_486] : memref<1600xi32, #tpu.memory_space<vmem>> -> memref<400xi32, #tpu.memory_space<vmem>>
    %dma_wait3A_488 = arith.constant 0 : i32
    %dma_wait3A_489 = arith.constant 0 : i32
    %dma_wait3A_490 = tpu.memref_slice %arg3[%dma_wait3A_488, %dma_wait3A_489] : memref<1000000x32xf32, #tpu.memory_space<hbm>> -> memref<1000000x32xf32, #tpu.memory_space<hbm>>
    tpu.wait_indirect_dma semaphore(%arg12 : memref<!tpu.dma_semaphore, #tpu.memory_space<semaphore_mem>>) src(%dma_wait3A_490 : memref<1000000x32xf32, #tpu.memory_space<hbm>>) dst(%dma_wait3A_485 : memref<400x32xf32, #tpu.memory_space<vmem>>)
    %add3A_491 = arith.constant 8000 : i32
    %add3A_492 = arith.addi %mul3A_2, %add3A_491 : i32
    %dma_start3A_493 = arith.constant 0 : i32
    %dma_start3A_494 = tpu.memref_slice %arg4[%add3A_492, %dma_start3A_493] : memref<819200x32xf32, #tpu.memory_space<hbm>> -> memref<1600x32xf32, #tpu.memory_space<hbm>>
    %dma_start3A_495 = arith.constant 0 : i32
    %dma_start3A_496 = tpu.memref_slice %arg4[%add3A_492, %dma_start3A_495] : memref<819200x32xf32, #tpu.memory_space<hbm>> -> memref<1600x32xf32, #tpu.memory_space<hbm>>
    tpu.enqueue_dma source(%arg8 : memref<1600x32xf32, #tpu.memory_space<vmem>>) target(%dma_start3A_496 : memref<1600x32xf32, #tpu.memory_space<hbm>>) target_semaphore(%arg14 : memref<!tpu.dma_semaphore, #tpu.memory_space<semaphore_mem>>)
    %add3A_497 = arith.constant 11200 : i32
    %add3A_498 = arith.addi %mul3A_2, %add3A_497 : i32
    %dma_start3A_499 = tpu.memref_slice %arg2[%add3A_498] : memref<819200xi32, #tpu.memory_space<hbm>> -> memref<1600xi32, #tpu.memory_space<hbm>>
    %dma_start3A_500 = tpu.memref_slice %arg2[%add3A_498] : memref<819200xi32, #tpu.memory_space<hbm>> -> memref<1600xi32, #tpu.memory_space<hbm>>
    tpu.enqueue_dma source(%dma_start3A_500 : memref<1600xi32, #tpu.memory_space<hbm>>) target(%arg6 : memref<1600xi32, #tpu.memory_space<vmem>>) target_semaphore(%arg10 : memref<!tpu.dma_semaphore, #tpu.memory_space<semaphore_mem>>)
    %add3A_501 = arith.constant 9600 : i32
    %add3A_502 = arith.addi %mul3A_2, %add3A_501 : i32
    %dma_wait3A_503 = tpu.memref_slice %arg2[%add3A_502] : memref<819200xi32, #tpu.memory_space<hbm>> -> memref<1600xi32, #tpu.memory_space<hbm>>
    %dma_wait3A_504 = tpu.memref_slice %arg2[%add3A_502] : memref<819200xi32, #tpu.memory_space<hbm>> -> memref<1600xi32, #tpu.memory_space<hbm>>
    tpu.wait_dma2 semaphore(%arg9 : memref<!tpu.dma_semaphore, #tpu.memory_space<semaphore_mem>>) src(%dma_wait3A_504 : memref<1600xi32, #tpu.memory_space<hbm>>) dst(%arg5 : memref<1600xi32, #tpu.memory_space<vmem>>)
    %add3A_505 = arith.constant 6400 : i32
    %add3A_506 = arith.addi %mul3A_2, %add3A_505 : i32
    %dma_wait3A_507 = arith.constant 0 : i32
    %dma_wait3A_508 = tpu.memref_slice %arg4[%add3A_506, %dma_wait3A_507] : memref<819200x32xf32, #tpu.memory_space<hbm>> -> memref<1600x32xf32, #tpu.memory_space<hbm>>
    %dma_wait3A_509 = arith.constant 0 : i32
    %dma_wait3A_510 = tpu.memref_slice %arg4[%add3A_506, %dma_wait3A_509] : memref<819200x32xf32, #tpu.memory_space<hbm>> -> memref<1600x32xf32, #tpu.memory_space<hbm>>
    tpu.wait_dma2 semaphore(%arg13 : memref<!tpu.dma_semaphore, #tpu.memory_space<semaphore_mem>>) src(%arg7 : memref<1600x32xf32, #tpu.memory_space<vmem>>) dst(%dma_wait3A_510 : memref<1600x32xf32, #tpu.memory_space<hbm>>)
    %dma_start3A_511 = arith.constant 0 : i32
    %dma_start3A_512 = arith.constant 0 : i32
    %dma_start3A_513 = tpu.memref_slice %arg7[%dma_start3A_511, %dma_start3A_512] : memref<1600x32xf32, #tpu.memory_space<vmem>> -> memref<400x32xf32, #tpu.memory_space<vmem>>
    %dma_start3A_514 = arith.constant 0 : i32
    %dma_start3A_515 = tpu.memref_slice %arg5[%dma_start3A_514] : memref<1600xi32, #tpu.memory_space<vmem>> -> memref<400xi32, #tpu.memory_space<vmem>>
    %dma_start3A_516 = arith.constant 0 : i32
    %dma_start3A_517 = arith.constant 0 : i32
    %dma_start3A_518 = tpu.memref_slice %arg3[%dma_start3A_516, %dma_start3A_517] : memref<1000000x32xf32, #tpu.memory_space<hbm>> -> memref<1000000x32xf32, #tpu.memory_space<hbm>>
    tpu.enqueue_indirect_dma source(%dma_start3A_518 : memref<1000000x32xf32, #tpu.memory_space<hbm>>) target(%dma_start3A_513 : memref<400x32xf32, #tpu.memory_space<vmem>>) offsets(%dma_start3A_515 : memref<400xi32, #tpu.memory_space<vmem>>) semaphore(%arg11 : memref<!tpu.dma_semaphore, #tpu.memory_space<semaphore_mem>>)
    %dma_start3A_519 = arith.constant 400 : i32
    %dma_start3A_520 = arith.constant 0 : i32
    %dma_start3A_521 = tpu.memref_slice %arg7[%dma_start3A_519, %dma_start3A_520] : memref<1600x32xf32, #tpu.memory_space<vmem>> -> memref<400x32xf32, #tpu.memory_space<vmem>>
    %dma_start3A_522 = arith.constant 400 : i32
    %dma_start3A_523 = tpu.memref_slice %arg5[%dma_start3A_522] : memref<1600xi32, #tpu.memory_space<vmem>> -> memref<400xi32, #tpu.memory_space<vmem>>
    %dma_start3A_524 = arith.constant 0 : i32
    %dma_start3A_525 = arith.constant 0 : i32
    %dma_start3A_526 = tpu.memref_slice %arg3[%dma_start3A_524, %dma_start3A_525] : memref<1000000x32xf32, #tpu.memory_space<hbm>> -> memref<1000000x32xf32, #tpu.memory_space<hbm>>
    tpu.enqueue_indirect_dma source(%dma_start3A_526 : memref<1000000x32xf32, #tpu.memory_space<hbm>>) target(%dma_start3A_521 : memref<400x32xf32, #tpu.memory_space<vmem>>) offsets(%dma_start3A_523 : memref<400xi32, #tpu.memory_space<vmem>>) semaphore(%arg11 : memref<!tpu.dma_semaphore, #tpu.memory_space<semaphore_mem>>)
    %dma_start3A_527 = arith.constant 800 : i32
    %dma_start3A_528 = arith.constant 0 : i32
    %dma_start3A_529 = tpu.memref_slice %arg7[%dma_start3A_527, %dma_start3A_528] : memref<1600x32xf32, #tpu.memory_space<vmem>> -> memref<400x32xf32, #tpu.memory_space<vmem>>
    %dma_start3A_530 = arith.constant 800 : i32
    %dma_start3A_531 = tpu.memref_slice %arg5[%dma_start3A_530] : memref<1600xi32, #tpu.memory_space<vmem>> -> memref<400xi32, #tpu.memory_space<vmem>>
    %dma_start3A_532 = arith.constant 0 : i32
    %dma_start3A_533 = arith.constant 0 : i32
    %dma_start3A_534 = tpu.memref_slice %arg3[%dma_start3A_532, %dma_start3A_533] : memref<1000000x32xf32, #tpu.memory_space<hbm>> -> memref<1000000x32xf32, #tpu.memory_space<hbm>>
    tpu.enqueue_indirect_dma source(%dma_start3A_534 : memref<1000000x32xf32, #tpu.memory_space<hbm>>) target(%dma_start3A_529 : memref<400x32xf32, #tpu.memory_space<vmem>>) offsets(%dma_start3A_531 : memref<400xi32, #tpu.memory_space<vmem>>) semaphore(%arg11 : memref<!tpu.dma_semaphore, #tpu.memory_space<semaphore_mem>>)
    %dma_start3A_535 = arith.constant 1200 : i32
    %dma_start3A_536 = arith.constant 0 : i32
    %dma_start3A_537 = tpu.memref_slice %arg7[%dma_start3A_535, %dma_start3A_536] : memref<1600x32xf32, #tpu.memory_space<vmem>> -> memref<400x32xf32, #tpu.memory_space<vmem>>
    %dma_start3A_538 = arith.constant 1200 : i32
    %dma_start3A_539 = tpu.memref_slice %arg5[%dma_start3A_538] : memref<1600xi32, #tpu.memory_space<vmem>> -> memref<400xi32, #tpu.memory_space<vmem>>
    %dma_start3A_540 = arith.constant 0 : i32
    %dma_start3A_541 = arith.constant 0 : i32
    %dma_start3A_542 = tpu.memref_slice %arg3[%dma_start3A_540, %dma_start3A_541] : memref<1000000x32xf32, #tpu.memory_space<hbm>> -> memref<1000000x32xf32, #tpu.memory_space<hbm>>
    tpu.enqueue_indirect_dma source(%dma_start3A_542 : memref<1000000x32xf32, #tpu.memory_space<hbm>>) target(%dma_start3A_537 : memref<400x32xf32, #tpu.memory_space<vmem>>) offsets(%dma_start3A_539 : memref<400xi32, #tpu.memory_space<vmem>>) semaphore(%arg11 : memref<!tpu.dma_semaphore, #tpu.memory_space<semaphore_mem>>)
    %dma_wait3A_543 = arith.constant 0 : i32
    %dma_wait3A_544 = arith.constant 0 : i32
    %dma_wait3A_545 = tpu.memref_slice %arg7[%dma_wait3A_543, %dma_wait3A_544] : memref<1600x32xf32, #tpu.memory_space<vmem>> -> memref<400x32xf32, #tpu.memory_space<vmem>>
    %dma_wait3A_546 = arith.constant 0 : i32
    %dma_wait3A_547 = tpu.memref_slice %arg5[%dma_wait3A_546] : memref<1600xi32, #tpu.memory_space<vmem>> -> memref<400xi32, #tpu.memory_space<vmem>>
    %dma_wait3A_548 = arith.constant 0 : i32
    %dma_wait3A_549 = arith.constant 0 : i32
    %dma_wait3A_550 = tpu.memref_slice %arg3[%dma_wait3A_548, %dma_wait3A_549] : memref<1000000x32xf32, #tpu.memory_space<hbm>> -> memref<1000000x32xf32, #tpu.memory_space<hbm>>
    tpu.wait_indirect_dma semaphore(%arg11 : memref<!tpu.dma_semaphore, #tpu.memory_space<semaphore_mem>>) src(%dma_wait3A_550 : memref<1000000x32xf32, #tpu.memory_space<hbm>>) dst(%dma_wait3A_545 : memref<400x32xf32, #tpu.memory_space<vmem>>)
    %dma_wait3A_551 = arith.constant 400 : i32
    %dma_wait3A_552 = arith.constant 0 : i32
    %dma_wait3A_553 = tpu.memref_slice %arg7[%dma_wait3A_551, %dma_wait3A_552] : memref<1600x32xf32, #tpu.memory_space<vmem>> -> memref<400x32xf32, #tpu.memory_space<vmem>>
    %dma_wait3A_554 = arith.constant 400 : i32
    %dma_wait3A_555 = tpu.memref_slice %arg5[%dma_wait3A_554] : memref<1600xi32, #tpu.memory_space<vmem>> -> memref<400xi32, #tpu.memory_space<vmem>>
    %dma_wait3A_556 = arith.constant 0 : i32
    %dma_wait3A_557 = arith.constant 0 : i32
    %dma_wait3A_558 = tpu.memref_slice %arg3[%dma_wait3A_556, %dma_wait3A_557] : memref<1000000x32xf32, #tpu.memory_space<hbm>> -> memref<1000000x32xf32, #tpu.memory_space<hbm>>
    tpu.wait_indirect_dma semaphore(%arg11 : memref<!tpu.dma_semaphore, #tpu.memory_space<semaphore_mem>>) src(%dma_wait3A_558 : memref<1000000x32xf32, #tpu.memory_space<hbm>>) dst(%dma_wait3A_553 : memref<400x32xf32, #tpu.memory_space<vmem>>)
    %dma_wait3A_559 = arith.constant 800 : i32
    %dma_wait3A_560 = arith.constant 0 : i32
    %dma_wait3A_561 = tpu.memref_slice %arg7[%dma_wait3A_559, %dma_wait3A_560] : memref<1600x32xf32, #tpu.memory_space<vmem>> -> memref<400x32xf32, #tpu.memory_space<vmem>>
    %dma_wait3A_562 = arith.constant 800 : i32
    %dma_wait3A_563 = tpu.memref_slice %arg5[%dma_wait3A_562] : memref<1600xi32, #tpu.memory_space<vmem>> -> memref<400xi32, #tpu.memory_space<vmem>>
    %dma_wait3A_564 = arith.constant 0 : i32
    %dma_wait3A_565 = arith.constant 0 : i32
    %dma_wait3A_566 = tpu.memref_slice %arg3[%dma_wait3A_564, %dma_wait3A_565] : memref<1000000x32xf32, #tpu.memory_space<hbm>> -> memref<1000000x32xf32, #tpu.memory_space<hbm>>
    tpu.wait_indirect_dma semaphore(%arg11 : memref<!tpu.dma_semaphore, #tpu.memory_space<semaphore_mem>>) src(%dma_wait3A_566 : memref<1000000x32xf32, #tpu.memory_space<hbm>>) dst(%dma_wait3A_561 : memref<400x32xf32, #tpu.memory_space<vmem>>)
    %dma_wait3A_567 = arith.constant 1200 : i32
    %dma_wait3A_568 = arith.constant 0 : i32
    %dma_wait3A_569 = tpu.memref_slice %arg7[%dma_wait3A_567, %dma_wait3A_568] : memref<1600x32xf32, #tpu.memory_space<vmem>> -> memref<400x32xf32, #tpu.memory_space<vmem>>
    %dma_wait3A_570 = arith.constant 1200 : i32
    %dma_wait3A_571 = tpu.memref_slice %arg5[%dma_wait3A_570] : memref<1600xi32, #tpu.memory_space<vmem>> -> memref<400xi32, #tpu.memory_space<vmem>>
    %dma_wait3A_572 = arith.constant 0 : i32
    %dma_wait3A_573 = arith.constant 0 : i32
    %dma_wait3A_574 = tpu.memref_slice %arg3[%dma_wait3A_572, %dma_wait3A_573] : memref<1000000x32xf32, #tpu.memory_space<hbm>> -> memref<1000000x32xf32, #tpu.memory_space<hbm>>
    tpu.wait_indirect_dma semaphore(%arg11 : memref<!tpu.dma_semaphore, #tpu.memory_space<semaphore_mem>>) src(%dma_wait3A_574 : memref<1000000x32xf32, #tpu.memory_space<hbm>>) dst(%dma_wait3A_569 : memref<400x32xf32, #tpu.memory_space<vmem>>)
    %add3A_575 = arith.constant 9600 : i32
    %add3A_576 = arith.addi %mul3A_2, %add3A_575 : i32
    %dma_start3A_577 = arith.constant 0 : i32
    %dma_start3A_578 = tpu.memref_slice %arg4[%add3A_576, %dma_start3A_577] : memref<819200x32xf32, #tpu.memory_space<hbm>> -> memref<1600x32xf32, #tpu.memory_space<hbm>>
    %dma_start3A_579 = arith.constant 0 : i32
    %dma_start3A_580 = tpu.memref_slice %arg4[%add3A_576, %dma_start3A_579] : memref<819200x32xf32, #tpu.memory_space<hbm>> -> memref<1600x32xf32, #tpu.memory_space<hbm>>
    tpu.enqueue_dma source(%arg7 : memref<1600x32xf32, #tpu.memory_space<vmem>>) target(%dma_start3A_580 : memref<1600x32xf32, #tpu.memory_space<hbm>>) target_semaphore(%arg13 : memref<!tpu.dma_semaphore, #tpu.memory_space<semaphore_mem>>)
    %add3A_581 = arith.constant 12800 : i32
    %add3A_582 = arith.addi %mul3A_2, %add3A_581 : i32
    %dma_start3A_583 = tpu.memref_slice %arg2[%add3A_582] : memref<819200xi32, #tpu.memory_space<hbm>> -> memref<1600xi32, #tpu.memory_space<hbm>>
    %dma_start3A_584 = tpu.memref_slice %arg2[%add3A_582] : memref<819200xi32, #tpu.memory_space<hbm>> -> memref<1600xi32, #tpu.memory_space<hbm>>
    tpu.enqueue_dma source(%dma_start3A_584 : memref<1600xi32, #tpu.memory_space<hbm>>) target(%arg5 : memref<1600xi32, #tpu.memory_space<vmem>>) target_semaphore(%arg9 : memref<!tpu.dma_semaphore, #tpu.memory_space<semaphore_mem>>)
    %add3A_585 = arith.constant 11200 : i32
    %add3A_586 = arith.addi %mul3A_2, %add3A_585 : i32
    %dma_wait3A_587 = tpu.memref_slice %arg2[%add3A_586] : memref<819200xi32, #tpu.memory_space<hbm>> -> memref<1600xi32, #tpu.memory_space<hbm>>
    %dma_wait3A_588 = tpu.memref_slice %arg2[%add3A_586] : memref<819200xi32, #tpu.memory_space<hbm>> -> memref<1600xi32, #tpu.memory_space<hbm>>
    tpu.wait_dma2 semaphore(%arg10 : memref<!tpu.dma_semaphore, #tpu.memory_space<semaphore_mem>>) src(%dma_wait3A_588 : memref<1600xi32, #tpu.memory_space<hbm>>) dst(%arg6 : memref<1600xi32, #tpu.memory_space<vmem>>)
    %add3A_589 = arith.constant 8000 : i32
    %add3A_590 = arith.addi %mul3A_2, %add3A_589 : i32
    %dma_wait3A_591 = arith.constant 0 : i32
    %dma_wait3A_592 = tpu.memref_slice %arg4[%add3A_590, %dma_wait3A_591] : memref<819200x32xf32, #tpu.memory_space<hbm>> -> memref<1600x32xf32, #tpu.memory_space<hbm>>
    %dma_wait3A_593 = arith.constant 0 : i32
    %dma_wait3A_594 = tpu.memref_slice %arg4[%add3A_590, %dma_wait3A_593] : memref<819200x32xf32, #tpu.memory_space<hbm>> -> memref<1600x32xf32, #tpu.memory_space<hbm>>
    tpu.wait_dma2 semaphore(%arg14 : memref<!tpu.dma_semaphore, #tpu.memory_space<semaphore_mem>>) src(%arg8 : memref<1600x32xf32, #tpu.memory_space<vmem>>) dst(%dma_wait3A_594 : memref<1600x32xf32, #tpu.memory_space<hbm>>)
    %dma_start3A_595 = arith.constant 0 : i32
    %dma_start3A_596 = arith.constant 0 : i32
    %dma_start3A_597 = tpu.memref_slice %arg8[%dma_start3A_595, %dma_start3A_596] : memref<1600x32xf32, #tpu.memory_space<vmem>> -> memref<400x32xf32, #tpu.memory_space<vmem>>
    %dma_start3A_598 = arith.constant 0 : i32
    %dma_start3A_599 = tpu.memref_slice %arg6[%dma_start3A_598] : memref<1600xi32, #tpu.memory_space<vmem>> -> memref<400xi32, #tpu.memory_space<vmem>>
    %dma_start3A_600 = arith.constant 0 : i32
    %dma_start3A_601 = arith.constant 0 : i32
    %dma_start3A_602 = tpu.memref_slice %arg3[%dma_start3A_600, %dma_start3A_601] : memref<1000000x32xf32, #tpu.memory_space<hbm>> -> memref<1000000x32xf32, #tpu.memory_space<hbm>>
    tpu.enqueue_indirect_dma source(%dma_start3A_602 : memref<1000000x32xf32, #tpu.memory_space<hbm>>) target(%dma_start3A_597 : memref<400x32xf32, #tpu.memory_space<vmem>>) offsets(%dma_start3A_599 : memref<400xi32, #tpu.memory_space<vmem>>) semaphore(%arg12 : memref<!tpu.dma_semaphore, #tpu.memory_space<semaphore_mem>>)
    %dma_start3A_603 = arith.constant 400 : i32
    %dma_start3A_604 = arith.constant 0 : i32
    %dma_start3A_605 = tpu.memref_slice %arg8[%dma_start3A_603, %dma_start3A_604] : memref<1600x32xf32, #tpu.memory_space<vmem>> -> memref<400x32xf32, #tpu.memory_space<vmem>>
    %dma_start3A_606 = arith.constant 400 : i32
    %dma_start3A_607 = tpu.memref_slice %arg6[%dma_start3A_606] : memref<1600xi32, #tpu.memory_space<vmem>> -> memref<400xi32, #tpu.memory_space<vmem>>
    %dma_start3A_608 = arith.constant 0 : i32
    %dma_start3A_609 = arith.constant 0 : i32
    %dma_start3A_610 = tpu.memref_slice %arg3[%dma_start3A_608, %dma_start3A_609] : memref<1000000x32xf32, #tpu.memory_space<hbm>> -> memref<1000000x32xf32, #tpu.memory_space<hbm>>
    tpu.enqueue_indirect_dma source(%dma_start3A_610 : memref<1000000x32xf32, #tpu.memory_space<hbm>>) target(%dma_start3A_605 : memref<400x32xf32, #tpu.memory_space<vmem>>) offsets(%dma_start3A_607 : memref<400xi32, #tpu.memory_space<vmem>>) semaphore(%arg12 : memref<!tpu.dma_semaphore, #tpu.memory_space<semaphore_mem>>)
    %dma_start3A_611 = arith.constant 800 : i32
    %dma_start3A_612 = arith.constant 0 : i32
    %dma_start3A_613 = tpu.memref_slice %arg8[%dma_start3A_611, %dma_start3A_612] : memref<1600x32xf32, #tpu.memory_space<vmem>> -> memref<400x32xf32, #tpu.memory_space<vmem>>
    %dma_start3A_614 = arith.constant 800 : i32
    %dma_start3A_615 = tpu.memref_slice %arg6[%dma_start3A_614] : memref<1600xi32, #tpu.memory_space<vmem>> -> memref<400xi32, #tpu.memory_space<vmem>>
    %dma_start3A_616 = arith.constant 0 : i32
    %dma_start3A_617 = arith.constant 0 : i32
    %dma_start3A_618 = tpu.memref_slice %arg3[%dma_start3A_616, %dma_start3A_617] : memref<1000000x32xf32, #tpu.memory_space<hbm>> -> memref<1000000x32xf32, #tpu.memory_space<hbm>>
    tpu.enqueue_indirect_dma source(%dma_start3A_618 : memref<1000000x32xf32, #tpu.memory_space<hbm>>) target(%dma_start3A_613 : memref<400x32xf32, #tpu.memory_space<vmem>>) offsets(%dma_start3A_615 : memref<400xi32, #tpu.memory_space<vmem>>) semaphore(%arg12 : memref<!tpu.dma_semaphore, #tpu.memory_space<semaphore_mem>>)
    %dma_start3A_619 = arith.constant 1200 : i32
    %dma_start3A_620 = arith.constant 0 : i32
    %dma_start3A_621 = tpu.memref_slice %arg8[%dma_start3A_619, %dma_start3A_620] : memref<1600x32xf32, #tpu.memory_space<vmem>> -> memref<400x32xf32, #tpu.memory_space<vmem>>
    %dma_start3A_622 = arith.constant 1200 : i32
    %dma_start3A_623 = tpu.memref_slice %arg6[%dma_start3A_622] : memref<1600xi32, #tpu.memory_space<vmem>> -> memref<400xi32, #tpu.memory_space<vmem>>
    %dma_start3A_624 = arith.constant 0 : i32
    %dma_start3A_625 = arith.constant 0 : i32
    %dma_start3A_626 = tpu.memref_slice %arg3[%dma_start3A_624, %dma_start3A_625] : memref<1000000x32xf32, #tpu.memory_space<hbm>> -> memref<1000000x32xf32, #tpu.memory_space<hbm>>
    tpu.enqueue_indirect_dma source(%dma_start3A_626 : memref<1000000x32xf32, #tpu.memory_space<hbm>>) target(%dma_start3A_621 : memref<400x32xf32, #tpu.memory_space<vmem>>) offsets(%dma_start3A_623 : memref<400xi32, #tpu.memory_space<vmem>>) semaphore(%arg12 : memref<!tpu.dma_semaphore, #tpu.memory_space<semaphore_mem>>)
    %dma_wait3A_627 = arith.constant 0 : i32
    %dma_wait3A_628 = arith.constant 0 : i32
    %dma_wait3A_629 = tpu.memref_slice %arg8[%dma_wait3A_627, %dma_wait3A_628] : memref<1600x32xf32, #tpu.memory_space<vmem>> -> memref<400x32xf32, #tpu.memory_space<vmem>>
    %dma_wait3A_630 = arith.constant 0 : i32
    %dma_wait3A_631 = tpu.memref_slice %arg6[%dma_wait3A_630] : memref<1600xi32, #tpu.memory_space<vmem>> -> memref<400xi32, #tpu.memory_space<vmem>>
    %dma_wait3A_632 = arith.constant 0 : i32
    %dma_wait3A_633 = arith.constant 0 : i32
    %dma_wait3A_634 = tpu.memref_slice %arg3[%dma_wait3A_632, %dma_wait3A_633] : memref<1000000x32xf32, #tpu.memory_space<hbm>> -> memref<1000000x32xf32, #tpu.memory_space<hbm>>
    tpu.wait_indirect_dma semaphore(%arg12 : memref<!tpu.dma_semaphore, #tpu.memory_space<semaphore_mem>>) src(%dma_wait3A_634 : memref<1000000x32xf32, #tpu.memory_space<hbm>>) dst(%dma_wait3A_629 : memref<400x32xf32, #tpu.memory_space<vmem>>)
    %dma_wait3A_635 = arith.constant 400 : i32
    %dma_wait3A_636 = arith.constant 0 : i32
    %dma_wait3A_637 = tpu.memref_slice %arg8[%dma_wait3A_635, %dma_wait3A_636] : memref<1600x32xf32, #tpu.memory_space<vmem>> -> memref<400x32xf32, #tpu.memory_space<vmem>>
    %dma_wait3A_638 = arith.constant 400 : i32
    %dma_wait3A_639 = tpu.memref_slice %arg6[%dma_wait3A_638] : memref<1600xi32, #tpu.memory_space<vmem>> -> memref<400xi32, #tpu.memory_space<vmem>>
    %dma_wait3A_640 = arith.constant 0 : i32
    %dma_wait3A_641 = arith.constant 0 : i32
    %dma_wait3A_642 = tpu.memref_slice %arg3[%dma_wait3A_640, %dma_wait3A_641] : memref<1000000x32xf32, #tpu.memory_space<hbm>> -> memref<1000000x32xf32, #tpu.memory_space<hbm>>
    tpu.wait_indirect_dma semaphore(%arg12 : memref<!tpu.dma_semaphore, #tpu.memory_space<semaphore_mem>>) src(%dma_wait3A_642 : memref<1000000x32xf32, #tpu.memory_space<hbm>>) dst(%dma_wait3A_637 : memref<400x32xf32, #tpu.memory_space<vmem>>)
    %dma_wait3A_643 = arith.constant 800 : i32
    %dma_wait3A_644 = arith.constant 0 : i32
    %dma_wait3A_645 = tpu.memref_slice %arg8[%dma_wait3A_643, %dma_wait3A_644] : memref<1600x32xf32, #tpu.memory_space<vmem>> -> memref<400x32xf32, #tpu.memory_space<vmem>>
    %dma_wait3A_646 = arith.constant 800 : i32
    %dma_wait3A_647 = tpu.memref_slice %arg6[%dma_wait3A_646] : memref<1600xi32, #tpu.memory_space<vmem>> -> memref<400xi32, #tpu.memory_space<vmem>>
    %dma_wait3A_648 = arith.constant 0 : i32
    %dma_wait3A_649 = arith.constant 0 : i32
    %dma_wait3A_650 = tpu.memref_slice %arg3[%dma_wait3A_648, %dma_wait3A_649] : memref<1000000x32xf32, #tpu.memory_space<hbm>> -> memref<1000000x32xf32, #tpu.memory_space<hbm>>
    tpu.wait_indirect_dma semaphore(%arg12 : memref<!tpu.dma_semaphore, #tpu.memory_space<semaphore_mem>>) src(%dma_wait3A_650 : memref<1000000x32xf32, #tpu.memory_space<hbm>>) dst(%dma_wait3A_645 : memref<400x32xf32, #tpu.memory_space<vmem>>)
    %dma_wait3A_651 = arith.constant 1200 : i32
    %dma_wait3A_652 = arith.constant 0 : i32
    %dma_wait3A_653 = tpu.memref_slice %arg8[%dma_wait3A_651, %dma_wait3A_652] : memref<1600x32xf32, #tpu.memory_space<vmem>> -> memref<400x32xf32, #tpu.memory_space<vmem>>
    %dma_wait3A_654 = arith.constant 1200 : i32
    %dma_wait3A_655 = tpu.memref_slice %arg6[%dma_wait3A_654] : memref<1600xi32, #tpu.memory_space<vmem>> -> memref<400xi32, #tpu.memory_space<vmem>>
    %dma_wait3A_656 = arith.constant 0 : i32
    %dma_wait3A_657 = arith.constant 0 : i32
    %dma_wait3A_658 = tpu.memref_slice %arg3[%dma_wait3A_656, %dma_wait3A_657] : memref<1000000x32xf32, #tpu.memory_space<hbm>> -> memref<1000000x32xf32, #tpu.memory_space<hbm>>
    tpu.wait_indirect_dma semaphore(%arg12 : memref<!tpu.dma_semaphore, #tpu.memory_space<semaphore_mem>>) src(%dma_wait3A_658 : memref<1000000x32xf32, #tpu.memory_space<hbm>>) dst(%dma_wait3A_653 : memref<400x32xf32, #tpu.memory_space<vmem>>)
    %add3A_659 = arith.constant 11200 : i32
    %add3A_660 = arith.addi %mul3A_2, %add3A_659 : i32
    %dma_start3A_661 = arith.constant 0 : i32
    %dma_start3A_662 = tpu.memref_slice %arg4[%add3A_660, %dma_start3A_661] : memref<819200x32xf32, #tpu.memory_space<hbm>> -> memref<1600x32xf32, #tpu.memory_space<hbm>>
    %dma_start3A_663 = arith.constant 0 : i32
    %dma_start3A_664 = tpu.memref_slice %arg4[%add3A_660, %dma_start3A_663] : memref<819200x32xf32, #tpu.memory_space<hbm>> -> memref<1600x32xf32, #tpu.memory_space<hbm>>
    tpu.enqueue_dma source(%arg8 : memref<1600x32xf32, #tpu.memory_space<vmem>>) target(%dma_start3A_664 : memref<1600x32xf32, #tpu.memory_space<hbm>>) target_semaphore(%arg14 : memref<!tpu.dma_semaphore, #tpu.memory_space<semaphore_mem>>)
    %add3A_665 = arith.constant 14400 : i32
    %add3A_666 = arith.addi %mul3A_2, %add3A_665 : i32
    %dma_start3A_667 = tpu.memref_slice %arg2[%add3A_666] : memref<819200xi32, #tpu.memory_space<hbm>> -> memref<1600xi32, #tpu.memory_space<hbm>>
    %dma_start3A_668 = tpu.memref_slice %arg2[%add3A_666] : memref<819200xi32, #tpu.memory_space<hbm>> -> memref<1600xi32, #tpu.memory_space<hbm>>
    tpu.enqueue_dma source(%dma_start3A_668 : memref<1600xi32, #tpu.memory_space<hbm>>) target(%arg6 : memref<1600xi32, #tpu.memory_space<vmem>>) target_semaphore(%arg10 : memref<!tpu.dma_semaphore, #tpu.memory_space<semaphore_mem>>)
    %add3A_669 = arith.constant 12800 : i32
    %add3A_670 = arith.addi %mul3A_2, %add3A_669 : i32
    %dma_wait3A_671 = tpu.memref_slice %arg2[%add3A_670] : memref<819200xi32, #tpu.memory_space<hbm>> -> memref<1600xi32, #tpu.memory_space<hbm>>
    %dma_wait3A_672 = tpu.memref_slice %arg2[%add3A_670] : memref<819200xi32, #tpu.memory_space<hbm>> -> memref<1600xi32, #tpu.memory_space<hbm>>
    tpu.wait_dma2 semaphore(%arg9 : memref<!tpu.dma_semaphore, #tpu.memory_space<semaphore_mem>>) src(%dma_wait3A_672 : memref<1600xi32, #tpu.memory_space<hbm>>) dst(%arg5 : memref<1600xi32, #tpu.memory_space<vmem>>)
    %add3A_673 = arith.constant 9600 : i32
    %add3A_674 = arith.addi %mul3A_2, %add3A_673 : i32
    %dma_wait3A_675 = arith.constant 0 : i32
    %dma_wait3A_676 = tpu.memref_slice %arg4[%add3A_674, %dma_wait3A_675] : memref<819200x32xf32, #tpu.memory_space<hbm>> -> memref<1600x32xf32, #tpu.memory_space<hbm>>
    %dma_wait3A_677 = arith.constant 0 : i32
    %dma_wait3A_678 = tpu.memref_slice %arg4[%add3A_674, %dma_wait3A_677] : memref<819200x32xf32, #tpu.memory_space<hbm>> -> memref<1600x32xf32, #tpu.memory_space<hbm>>
    tpu.wait_dma2 semaphore(%arg13 : memref<!tpu.dma_semaphore, #tpu.memory_space<semaphore_mem>>) src(%arg7 : memref<1600x32xf32, #tpu.memory_space<vmem>>) dst(%dma_wait3A_678 : memref<1600x32xf32, #tpu.memory_space<hbm>>)
    %dma_start3A_679 = arith.constant 0 : i32
    %dma_start3A_680 = arith.constant 0 : i32
    %dma_start3A_681 = tpu.memref_slice %arg7[%dma_start3A_679, %dma_start3A_680] : memref<1600x32xf32, #tpu.memory_space<vmem>> -> memref<400x32xf32, #tpu.memory_space<vmem>>
    %dma_start3A_682 = arith.constant 0 : i32
    %dma_start3A_683 = tpu.memref_slice %arg5[%dma_start3A_682] : memref<1600xi32, #tpu.memory_space<vmem>> -> memref<400xi32, #tpu.memory_space<vmem>>
    %dma_start3A_684 = arith.constant 0 : i32
    %dma_start3A_685 = arith.constant 0 : i32
    %dma_start3A_686 = tpu.memref_slice %arg3[%dma_start3A_684, %dma_start3A_685] : memref<1000000x32xf32, #tpu.memory_space<hbm>> -> memref<1000000x32xf32, #tpu.memory_space<hbm>>
    tpu.enqueue_indirect_dma source(%dma_start3A_686 : memref<1000000x32xf32, #tpu.memory_space<hbm>>) target(%dma_start3A_681 : memref<400x32xf32, #tpu.memory_space<vmem>>) offsets(%dma_start3A_683 : memref<400xi32, #tpu.memory_space<vmem>>) semaphore(%arg11 : memref<!tpu.dma_semaphore, #tpu.memory_space<semaphore_mem>>)
    %dma_start3A_687 = arith.constant 400 : i32
    %dma_start3A_688 = arith.constant 0 : i32
    %dma_start3A_689 = tpu.memref_slice %arg7[%dma_start3A_687, %dma_start3A_688] : memref<1600x32xf32, #tpu.memory_space<vmem>> -> memref<400x32xf32, #tpu.memory_space<vmem>>
    %dma_start3A_690 = arith.constant 400 : i32
    %dma_start3A_691 = tpu.memref_slice %arg5[%dma_start3A_690] : memref<1600xi32, #tpu.memory_space<vmem>> -> memref<400xi32, #tpu.memory_space<vmem>>
    %dma_start3A_692 = arith.constant 0 : i32
    %dma_start3A_693 = arith.constant 0 : i32
    %dma_start3A_694 = tpu.memref_slice %arg3[%dma_start3A_692, %dma_start3A_693] : memref<1000000x32xf32, #tpu.memory_space<hbm>> -> memref<1000000x32xf32, #tpu.memory_space<hbm>>
    tpu.enqueue_indirect_dma source(%dma_start3A_694 : memref<1000000x32xf32, #tpu.memory_space<hbm>>) target(%dma_start3A_689 : memref<400x32xf32, #tpu.memory_space<vmem>>) offsets(%dma_start3A_691 : memref<400xi32, #tpu.memory_space<vmem>>) semaphore(%arg11 : memref<!tpu.dma_semaphore, #tpu.memory_space<semaphore_mem>>)
    %dma_start3A_695 = arith.constant 800 : i32
    %dma_start3A_696 = arith.constant 0 : i32
    %dma_start3A_697 = tpu.memref_slice %arg7[%dma_start3A_695, %dma_start3A_696] : memref<1600x32xf32, #tpu.memory_space<vmem>> -> memref<400x32xf32, #tpu.memory_space<vmem>>
    %dma_start3A_698 = arith.constant 800 : i32
    %dma_start3A_699 = tpu.memref_slice %arg5[%dma_start3A_698] : memref<1600xi32, #tpu.memory_space<vmem>> -> memref<400xi32, #tpu.memory_space<vmem>>
    %dma_start3A_700 = arith.constant 0 : i32
    %dma_start3A_701 = arith.constant 0 : i32
    %dma_start3A_702 = tpu.memref_slice %arg3[%dma_start3A_700, %dma_start3A_701] : memref<1000000x32xf32, #tpu.memory_space<hbm>> -> memref<1000000x32xf32, #tpu.memory_space<hbm>>
    tpu.enqueue_indirect_dma source(%dma_start3A_702 : memref<1000000x32xf32, #tpu.memory_space<hbm>>) target(%dma_start3A_697 : memref<400x32xf32, #tpu.memory_space<vmem>>) offsets(%dma_start3A_699 : memref<400xi32, #tpu.memory_space<vmem>>) semaphore(%arg11 : memref<!tpu.dma_semaphore, #tpu.memory_space<semaphore_mem>>)
    %dma_start3A_703 = arith.constant 1200 : i32
    %dma_start3A_704 = arith.constant 0 : i32
    %dma_start3A_705 = tpu.memref_slice %arg7[%dma_start3A_703, %dma_start3A_704] : memref<1600x32xf32, #tpu.memory_space<vmem>> -> memref<400x32xf32, #tpu.memory_space<vmem>>
    %dma_start3A_706 = arith.constant 1200 : i32
    %dma_start3A_707 = tpu.memref_slice %arg5[%dma_start3A_706] : memref<1600xi32, #tpu.memory_space<vmem>> -> memref<400xi32, #tpu.memory_space<vmem>>
    %dma_start3A_708 = arith.constant 0 : i32
    %dma_start3A_709 = arith.constant 0 : i32
    %dma_start3A_710 = tpu.memref_slice %arg3[%dma_start3A_708, %dma_start3A_709] : memref<1000000x32xf32, #tpu.memory_space<hbm>> -> memref<1000000x32xf32, #tpu.memory_space<hbm>>
    tpu.enqueue_indirect_dma source(%dma_start3A_710 : memref<1000000x32xf32, #tpu.memory_space<hbm>>) target(%dma_start3A_705 : memref<400x32xf32, #tpu.memory_space<vmem>>) offsets(%dma_start3A_707 : memref<400xi32, #tpu.memory_space<vmem>>) semaphore(%arg11 : memref<!tpu.dma_semaphore, #tpu.memory_space<semaphore_mem>>)
    %dma_wait3A_711 = arith.constant 0 : i32
    %dma_wait3A_712 = arith.constant 0 : i32
    %dma_wait3A_713 = tpu.memref_slice %arg7[%dma_wait3A_711, %dma_wait3A_712] : memref<1600x32xf32, #tpu.memory_space<vmem>> -> memref<400x32xf32, #tpu.memory_space<vmem>>
    %dma_wait3A_714 = arith.constant 0 : i32
    %dma_wait3A_715 = tpu.memref_slice %arg5[%dma_wait3A_714] : memref<1600xi32, #tpu.memory_space<vmem>> -> memref<400xi32, #tpu.memory_space<vmem>>
    %dma_wait3A_716 = arith.constant 0 : i32
    %dma_wait3A_717 = arith.constant 0 : i32
    %dma_wait3A_718 = tpu.memref_slice %arg3[%dma_wait3A_716, %dma_wait3A_717] : memref<1000000x32xf32, #tpu.memory_space<hbm>> -> memref<1000000x32xf32, #tpu.memory_space<hbm>>
    tpu.wait_indirect_dma semaphore(%arg11 : memref<!tpu.dma_semaphore, #tpu.memory_space<semaphore_mem>>) src(%dma_wait3A_718 : memref<1000000x32xf32, #tpu.memory_space<hbm>>) dst(%dma_wait3A_713 : memref<400x32xf32, #tpu.memory_space<vmem>>)
    %dma_wait3A_719 = arith.constant 400 : i32
    %dma_wait3A_720 = arith.constant 0 : i32
    %dma_wait3A_721 = tpu.memref_slice %arg7[%dma_wait3A_719, %dma_wait3A_720] : memref<1600x32xf32, #tpu.memory_space<vmem>> -> memref<400x32xf32, #tpu.memory_space<vmem>>
    %dma_wait3A_722 = arith.constant 400 : i32
    %dma_wait3A_723 = tpu.memref_slice %arg5[%dma_wait3A_722] : memref<1600xi32, #tpu.memory_space<vmem>> -> memref<400xi32, #tpu.memory_space<vmem>>
    %dma_wait3A_724 = arith.constant 0 : i32
    %dma_wait3A_725 = arith.constant 0 : i32
    %dma_wait3A_726 = tpu.memref_slice %arg3[%dma_wait3A_724, %dma_wait3A_725] : memref<1000000x32xf32, #tpu.memory_space<hbm>> -> memref<1000000x32xf32, #tpu.memory_space<hbm>>
    tpu.wait_indirect_dma semaphore(%arg11 : memref<!tpu.dma_semaphore, #tpu.memory_space<semaphore_mem>>) src(%dma_wait3A_726 : memref<1000000x32xf32, #tpu.memory_space<hbm>>) dst(%dma_wait3A_721 : memref<400x32xf32, #tpu.memory_space<vmem>>)
    %dma_wait3A_727 = arith.constant 800 : i32
    %dma_wait3A_728 = arith.constant 0 : i32
    %dma_wait3A_729 = tpu.memref_slice %arg7[%dma_wait3A_727, %dma_wait3A_728] : memref<1600x32xf32, #tpu.memory_space<vmem>> -> memref<400x32xf32, #tpu.memory_space<vmem>>
    %dma_wait3A_730 = arith.constant 800 : i32
    %dma_wait3A_731 = tpu.memref_slice %arg5[%dma_wait3A_730] : memref<1600xi32, #tpu.memory_space<vmem>> -> memref<400xi32, #tpu.memory_space<vmem>>
    %dma_wait3A_732 = arith.constant 0 : i32
    %dma_wait3A_733 = arith.constant 0 : i32
    %dma_wait3A_734 = tpu.memref_slice %arg3[%dma_wait3A_732, %dma_wait3A_733] : memref<1000000x32xf32, #tpu.memory_space<hbm>> -> memref<1000000x32xf32, #tpu.memory_space<hbm>>
    tpu.wait_indirect_dma semaphore(%arg11 : memref<!tpu.dma_semaphore, #tpu.memory_space<semaphore_mem>>) src(%dma_wait3A_734 : memref<1000000x32xf32, #tpu.memory_space<hbm>>) dst(%dma_wait3A_729 : memref<400x32xf32, #tpu.memory_space<vmem>>)
    %dma_wait3A_735 = arith.constant 1200 : i32
    %dma_wait3A_736 = arith.constant 0 : i32
    %dma_wait3A_737 = tpu.memref_slice %arg7[%dma_wait3A_735, %dma_wait3A_736] : memref<1600x32xf32, #tpu.memory_space<vmem>> -> memref<400x32xf32, #tpu.memory_space<vmem>>
    %dma_wait3A_738 = arith.constant 1200 : i32
    %dma_wait3A_739 = tpu.memref_slice %arg5[%dma_wait3A_738] : memref<1600xi32, #tpu.memory_space<vmem>> -> memref<400xi32, #tpu.memory_space<vmem>>
    %dma_wait3A_740 = arith.constant 0 : i32
    %dma_wait3A_741 = arith.constant 0 : i32
    %dma_wait3A_742 = tpu.memref_slice %arg3[%dma_wait3A_740, %dma_wait3A_741] : memref<1000000x32xf32, #tpu.memory_space<hbm>> -> memref<1000000x32xf32, #tpu.memory_space<hbm>>
    tpu.wait_indirect_dma semaphore(%arg11 : memref<!tpu.dma_semaphore, #tpu.memory_space<semaphore_mem>>) src(%dma_wait3A_742 : memref<1000000x32xf32, #tpu.memory_space<hbm>>) dst(%dma_wait3A_737 : memref<400x32xf32, #tpu.memory_space<vmem>>)
    %add3A_743 = arith.constant 12800 : i32
    %add3A_744 = arith.addi %mul3A_2, %add3A_743 : i32
    %dma_start3A_745 = arith.constant 0 : i32
    %dma_start3A_746 = tpu.memref_slice %arg4[%add3A_744, %dma_start3A_745] : memref<819200x32xf32, #tpu.memory_space<hbm>> -> memref<1600x32xf32, #tpu.memory_space<hbm>>
    %dma_start3A_747 = arith.constant 0 : i32
    %dma_start3A_748 = tpu.memref_slice %arg4[%add3A_744, %dma_start3A_747] : memref<819200x32xf32, #tpu.memory_space<hbm>> -> memref<1600x32xf32, #tpu.memory_space<hbm>>
    tpu.enqueue_dma source(%arg7 : memref<1600x32xf32, #tpu.memory_space<vmem>>) target(%dma_start3A_748 : memref<1600x32xf32, #tpu.memory_space<hbm>>) target_semaphore(%arg13 : memref<!tpu.dma_semaphore, #tpu.memory_space<semaphore_mem>>)
    %add3A_749 = arith.constant 16000 : i32
    %add3A_750 = arith.addi %mul3A_2, %add3A_749 : i32
    %dma_start3A_751 = tpu.memref_slice %arg2[%add3A_750] : memref<819200xi32, #tpu.memory_space<hbm>> -> memref<1600xi32, #tpu.memory_space<hbm>>
    %dma_start3A_752 = tpu.memref_slice %arg2[%add3A_750] : memref<819200xi32, #tpu.memory_space<hbm>> -> memref<1600xi32, #tpu.memory_space<hbm>>
    tpu.enqueue_dma source(%dma_start3A_752 : memref<1600xi32, #tpu.memory_space<hbm>>) target(%arg5 : memref<1600xi32, #tpu.memory_space<vmem>>) target_semaphore(%arg9 : memref<!tpu.dma_semaphore, #tpu.memory_space<semaphore_mem>>)
    %add3A_753 = arith.constant 14400 : i32
    %add3A_754 = arith.addi %mul3A_2, %add3A_753 : i32
    %dma_wait3A_755 = tpu.memref_slice %arg2[%add3A_754] : memref<819200xi32, #tpu.memory_space<hbm>> -> memref<1600xi32, #tpu.memory_space<hbm>>
    %dma_wait3A_756 = tpu.memref_slice %arg2[%add3A_754] : memref<819200xi32, #tpu.memory_space<hbm>> -> memref<1600xi32, #tpu.memory_space<hbm>>
    tpu.wait_dma2 semaphore(%arg10 : memref<!tpu.dma_semaphore, #tpu.memory_space<semaphore_mem>>) src(%dma_wait3A_756 : memref<1600xi32, #tpu.memory_space<hbm>>) dst(%arg6 : memref<1600xi32, #tpu.memory_space<vmem>>)
    %add3A_757 = arith.constant 11200 : i32
    %add3A_758 = arith.addi %mul3A_2, %add3A_757 : i32
    %dma_wait3A_759 = arith.constant 0 : i32
    %dma_wait3A_760 = tpu.memref_slice %arg4[%add3A_758, %dma_wait3A_759] : memref<819200x32xf32, #tpu.memory_space<hbm>> -> memref<1600x32xf32, #tpu.memory_space<hbm>>
    %dma_wait3A_761 = arith.constant 0 : i32
    %dma_wait3A_762 = tpu.memref_slice %arg4[%add3A_758, %dma_wait3A_761] : memref<819200x32xf32, #tpu.memory_space<hbm>> -> memref<1600x32xf32, #tpu.memory_space<hbm>>
    tpu.wait_dma2 semaphore(%arg14 : memref<!tpu.dma_semaphore, #tpu.memory_space<semaphore_mem>>) src(%arg8 : memref<1600x32xf32, #tpu.memory_space<vmem>>) dst(%dma_wait3A_762 : memref<1600x32xf32, #tpu.memory_space<hbm>>)
    %dma_start3A_763 = arith.constant 0 : i32
    %dma_start3A_764 = arith.constant 0 : i32
    %dma_start3A_765 = tpu.memref_slice %arg8[%dma_start3A_763, %dma_start3A_764] : memref<1600x32xf32, #tpu.memory_space<vmem>> -> memref<400x32xf32, #tpu.memory_space<vmem>>
    %dma_start3A_766 = arith.constant 0 : i32
    %dma_start3A_767 = tpu.memref_slice %arg6[%dma_start3A_766] : memref<1600xi32, #tpu.memory_space<vmem>> -> memref<400xi32, #tpu.memory_space<vmem>>
    %dma_start3A_768 = arith.constant 0 : i32
    %dma_start3A_769 = arith.constant 0 : i32
    %dma_start3A_770 = tpu.memref_slice %arg3[%dma_start3A_768, %dma_start3A_769] : memref<1000000x32xf32, #tpu.memory_space<hbm>> -> memref<1000000x32xf32, #tpu.memory_space<hbm>>
    tpu.enqueue_indirect_dma source(%dma_start3A_770 : memref<1000000x32xf32, #tpu.memory_space<hbm>>) target(%dma_start3A_765 : memref<400x32xf32, #tpu.memory_space<vmem>>) offsets(%dma_start3A_767 : memref<400xi32, #tpu.memory_space<vmem>>) semaphore(%arg12 : memref<!tpu.dma_semaphore, #tpu.memory_space<semaphore_mem>>)
    %dma_start3A_771 = arith.constant 400 : i32
    %dma_start3A_772 = arith.constant 0 : i32
    %dma_start3A_773 = tpu.memref_slice %arg8[%dma_start3A_771, %dma_start3A_772] : memref<1600x32xf32, #tpu.memory_space<vmem>> -> memref<400x32xf32, #tpu.memory_space<vmem>>
    %dma_start3A_774 = arith.constant 400 : i32
    %dma_start3A_775 = tpu.memref_slice %arg6[%dma_start3A_774] : memref<1600xi32, #tpu.memory_space<vmem>> -> memref<400xi32, #tpu.memory_space<vmem>>
    %dma_start3A_776 = arith.constant 0 : i32
    %dma_start3A_777 = arith.constant 0 : i32
    %dma_start3A_778 = tpu.memref_slice %arg3[%dma_start3A_776, %dma_start3A_777] : memref<1000000x32xf32, #tpu.memory_space<hbm>> -> memref<1000000x32xf32, #tpu.memory_space<hbm>>
    tpu.enqueue_indirect_dma source(%dma_start3A_778 : memref<1000000x32xf32, #tpu.memory_space<hbm>>) target(%dma_start3A_773 : memref<400x32xf32, #tpu.memory_space<vmem>>) offsets(%dma_start3A_775 : memref<400xi32, #tpu.memory_space<vmem>>) semaphore(%arg12 : memref<!tpu.dma_semaphore, #tpu.memory_space<semaphore_mem>>)
    %dma_start3A_779 = arith.constant 800 : i32
    %dma_start3A_780 = arith.constant 0 : i32
    %dma_start3A_781 = tpu.memref_slice %arg8[%dma_start3A_779, %dma_start3A_780] : memref<1600x32xf32, #tpu.memory_space<vmem>> -> memref<400x32xf32, #tpu.memory_space<vmem>>
    %dma_start3A_782 = arith.constant 800 : i32
    %dma_start3A_783 = tpu.memref_slice %arg6[%dma_start3A_782] : memref<1600xi32, #tpu.memory_space<vmem>> -> memref<400xi32, #tpu.memory_space<vmem>>
    %dma_start3A_784 = arith.constant 0 : i32
    %dma_start3A_785 = arith.constant 0 : i32
    %dma_start3A_786 = tpu.memref_slice %arg3[%dma_start3A_784, %dma_start3A_785] : memref<1000000x32xf32, #tpu.memory_space<hbm>> -> memref<1000000x32xf32, #tpu.memory_space<hbm>>
    tpu.enqueue_indirect_dma source(%dma_start3A_786 : memref<1000000x32xf32, #tpu.memory_space<hbm>>) target(%dma_start3A_781 : memref<400x32xf32, #tpu.memory_space<vmem>>) offsets(%dma_start3A_783 : memref<400xi32, #tpu.memory_space<vmem>>) semaphore(%arg12 : memref<!tpu.dma_semaphore, #tpu.memory_space<semaphore_mem>>)
    %dma_start3A_787 = arith.constant 1200 : i32
    %dma_start3A_788 = arith.constant 0 : i32
    %dma_start3A_789 = tpu.memref_slice %arg8[%dma_start3A_787, %dma_start3A_788] : memref<1600x32xf32, #tpu.memory_space<vmem>> -> memref<400x32xf32, #tpu.memory_space<vmem>>
    %dma_start3A_790 = arith.constant 1200 : i32
    %dma_start3A_791 = tpu.memref_slice %arg6[%dma_start3A_790] : memref<1600xi32, #tpu.memory_space<vmem>> -> memref<400xi32, #tpu.memory_space<vmem>>
    %dma_start3A_792 = arith.constant 0 : i32
    %dma_start3A_793 = arith.constant 0 : i32
    %dma_start3A_794 = tpu.memref_slice %arg3[%dma_start3A_792, %dma_start3A_793] : memref<1000000x32xf32, #tpu.memory_space<hbm>> -> memref<1000000x32xf32, #tpu.memory_space<hbm>>
    tpu.enqueue_indirect_dma source(%dma_start3A_794 : memref<1000000x32xf32, #tpu.memory_space<hbm>>) target(%dma_start3A_789 : memref<400x32xf32, #tpu.memory_space<vmem>>) offsets(%dma_start3A_791 : memref<400xi32, #tpu.memory_space<vmem>>) semaphore(%arg12 : memref<!tpu.dma_semaphore, #tpu.memory_space<semaphore_mem>>)
    %dma_wait3A_795 = arith.constant 0 : i32
    %dma_wait3A_796 = arith.constant 0 : i32
    %dma_wait3A_797 = tpu.memref_slice %arg8[%dma_wait3A_795, %dma_wait3A_796] : memref<1600x32xf32, #tpu.memory_space<vmem>> -> memref<400x32xf32, #tpu.memory_space<vmem>>
    %dma_wait3A_798 = arith.constant 0 : i32
    %dma_wait3A_799 = tpu.memref_slice %arg6[%dma_wait3A_798] : memref<1600xi32, #tpu.memory_space<vmem>> -> memref<400xi32, #tpu.memory_space<vmem>>
    %dma_wait3A_800 = arith.constant 0 : i32
    %dma_wait3A_801 = arith.constant 0 : i32
    %dma_wait3A_802 = tpu.memref_slice %arg3[%dma_wait3A_800, %dma_wait3A_801] : memref<1000000x32xf32, #tpu.memory_space<hbm>> -> memref<1000000x32xf32, #tpu.memory_space<hbm>>
    tpu.wait_indirect_dma semaphore(%arg12 : memref<!tpu.dma_semaphore, #tpu.memory_space<semaphore_mem>>) src(%dma_wait3A_802 : memref<1000000x32xf32, #tpu.memory_space<hbm>>) dst(%dma_wait3A_797 : memref<400x32xf32, #tpu.memory_space<vmem>>)
    %dma_wait3A_803 = arith.constant 400 : i32
    %dma_wait3A_804 = arith.constant 0 : i32
    %dma_wait3A_805 = tpu.memref_slice %arg8[%dma_wait3A_803, %dma_wait3A_804] : memref<1600x32xf32, #tpu.memory_space<vmem>> -> memref<400x32xf32, #tpu.memory_space<vmem>>
    %dma_wait3A_806 = arith.constant 400 : i32
    %dma_wait3A_807 = tpu.memref_slice %arg6[%dma_wait3A_806] : memref<1600xi32, #tpu.memory_space<vmem>> -> memref<400xi32, #tpu.memory_space<vmem>>
    %dma_wait3A_808 = arith.constant 0 : i32
    %dma_wait3A_809 = arith.constant 0 : i32
    %dma_wait3A_810 = tpu.memref_slice %arg3[%dma_wait3A_808, %dma_wait3A_809] : memref<1000000x32xf32, #tpu.memory_space<hbm>> -> memref<1000000x32xf32, #tpu.memory_space<hbm>>
    tpu.wait_indirect_dma semaphore(%arg12 : memref<!tpu.dma_semaphore, #tpu.memory_space<semaphore_mem>>) src(%dma_wait3A_810 : memref<1000000x32xf32, #tpu.memory_space<hbm>>) dst(%dma_wait3A_805 : memref<400x32xf32, #tpu.memory_space<vmem>>)
    %dma_wait3A_811 = arith.constant 800 : i32
    %dma_wait3A_812 = arith.constant 0 : i32
    %dma_wait3A_813 = tpu.memref_slice %arg8[%dma_wait3A_811, %dma_wait3A_812] : memref<1600x32xf32, #tpu.memory_space<vmem>> -> memref<400x32xf32, #tpu.memory_space<vmem>>
    %dma_wait3A_814 = arith.constant 800 : i32
    %dma_wait3A_815 = tpu.memref_slice %arg6[%dma_wait3A_814] : memref<1600xi32, #tpu.memory_space<vmem>> -> memref<400xi32, #tpu.memory_space<vmem>>
    %dma_wait3A_816 = arith.constant 0 : i32
    %dma_wait3A_817 = arith.constant 0 : i32
    %dma_wait3A_818 = tpu.memref_slice %arg3[%dma_wait3A_816, %dma_wait3A_817] : memref<1000000x32xf32, #tpu.memory_space<hbm>> -> memref<1000000x32xf32, #tpu.memory_space<hbm>>
    tpu.wait_indirect_dma semaphore(%arg12 : memref<!tpu.dma_semaphore, #tpu.memory_space<semaphore_mem>>) src(%dma_wait3A_818 : memref<1000000x32xf32, #tpu.memory_space<hbm>>) dst(%dma_wait3A_813 : memref<400x32xf32, #tpu.memory_space<vmem>>)
    %dma_wait3A_819 = arith.constant 1200 : i32
    %dma_wait3A_820 = arith.constant 0 : i32
    %dma_wait3A_821 = tpu.memref_slice %arg8[%dma_wait3A_819, %dma_wait3A_820] : memref<1600x32xf32, #tpu.memory_space<vmem>> -> memref<400x32xf32, #tpu.memory_space<vmem>>
    %dma_wait3A_822 = arith.constant 1200 : i32
    %dma_wait3A_823 = tpu.memref_slice %arg6[%dma_wait3A_822] : memref<1600xi32, #tpu.memory_space<vmem>> -> memref<400xi32, #tpu.memory_space<vmem>>
    %dma_wait3A_824 = arith.constant 0 : i32
    %dma_wait3A_825 = arith.constant 0 : i32
    %dma_wait3A_826 = tpu.memref_slice %arg3[%dma_wait3A_824, %dma_wait3A_825] : memref<1000000x32xf32, #tpu.memory_space<hbm>> -> memref<1000000x32xf32, #tpu.memory_space<hbm>>
    tpu.wait_indirect_dma semaphore(%arg12 : memref<!tpu.dma_semaphore, #tpu.memory_space<semaphore_mem>>) src(%dma_wait3A_826 : memref<1000000x32xf32, #tpu.memory_space<hbm>>) dst(%dma_wait3A_821 : memref<400x32xf32, #tpu.memory_space<vmem>>)
    %add3A_827 = arith.constant 14400 : i32
    %add3A_828 = arith.addi %mul3A_2, %add3A_827 : i32
    %dma_start3A_829 = arith.constant 0 : i32
    %dma_start3A_830 = tpu.memref_slice %arg4[%add3A_828, %dma_start3A_829] : memref<819200x32xf32, #tpu.memory_space<hbm>> -> memref<1600x32xf32, #tpu.memory_space<hbm>>
    %dma_start3A_831 = arith.constant 0 : i32
    %dma_start3A_832 = tpu.memref_slice %arg4[%add3A_828, %dma_start3A_831] : memref<819200x32xf32, #tpu.memory_space<hbm>> -> memref<1600x32xf32, #tpu.memory_space<hbm>>
    tpu.enqueue_dma source(%arg8 : memref<1600x32xf32, #tpu.memory_space<vmem>>) target(%dma_start3A_832 : memref<1600x32xf32, #tpu.memory_space<hbm>>) target_semaphore(%arg14 : memref<!tpu.dma_semaphore, #tpu.memory_space<semaphore_mem>>)
    %add3A_833 = arith.constant 17600 : i32
    %add3A_834 = arith.addi %mul3A_2, %add3A_833 : i32
    %dma_start3A_835 = tpu.memref_slice %arg2[%add3A_834] : memref<819200xi32, #tpu.memory_space<hbm>> -> memref<1600xi32, #tpu.memory_space<hbm>>
    %dma_start3A_836 = tpu.memref_slice %arg2[%add3A_834] : memref<819200xi32, #tpu.memory_space<hbm>> -> memref<1600xi32, #tpu.memory_space<hbm>>
    tpu.enqueue_dma source(%dma_start3A_836 : memref<1600xi32, #tpu.memory_space<hbm>>) target(%arg6 : memref<1600xi32, #tpu.memory_space<vmem>>) target_semaphore(%arg10 : memref<!tpu.dma_semaphore, #tpu.memory_space<semaphore_mem>>)
    %add3A_837 = arith.constant 16000 : i32
    %add3A_838 = arith.addi %mul3A_2, %add3A_837 : i32
    %dma_wait3A_839 = tpu.memref_slice %arg2[%add3A_838] : memref<819200xi32, #tpu.memory_space<hbm>> -> memref<1600xi32, #tpu.memory_space<hbm>>
    %dma_wait3A_840 = tpu.memref_slice %arg2[%add3A_838] : memref<819200xi32, #tpu.memory_space<hbm>> -> memref<1600xi32, #tpu.memory_space<hbm>>
    tpu.wait_dma2 semaphore(%arg9 : memref<!tpu.dma_semaphore, #tpu.memory_space<semaphore_mem>>) src(%dma_wait3A_840 : memref<1600xi32, #tpu.memory_space<hbm>>) dst(%arg5 : memref<1600xi32, #tpu.memory_space<vmem>>)
    %add3A_841 = arith.constant 12800 : i32
    %add3A_842 = arith.addi %mul3A_2, %add3A_841 : i32
    %dma_wait3A_843 = arith.constant 0 : i32
    %dma_wait3A_844 = tpu.memref_slice %arg4[%add3A_842, %dma_wait3A_843] : memref<819200x32xf32, #tpu.memory_space<hbm>> -> memref<1600x32xf32, #tpu.memory_space<hbm>>
    %dma_wait3A_845 = arith.constant 0 : i32
    %dma_wait3A_846 = tpu.memref_slice %arg4[%add3A_842, %dma_wait3A_845] : memref<819200x32xf32, #tpu.memory_space<hbm>> -> memref<1600x32xf32, #tpu.memory_space<hbm>>
    tpu.wait_dma2 semaphore(%arg13 : memref<!tpu.dma_semaphore, #tpu.memory_space<semaphore_mem>>) src(%arg7 : memref<1600x32xf32, #tpu.memory_space<vmem>>) dst(%dma_wait3A_846 : memref<1600x32xf32, #tpu.memory_space<hbm>>)
    %dma_start3A_847 = arith.constant 0 : i32
    %dma_start3A_848 = arith.constant 0 : i32
    %dma_start3A_849 = tpu.memref_slice %arg7[%dma_start3A_847, %dma_start3A_848] : memref<1600x32xf32, #tpu.memory_space<vmem>> -> memref<400x32xf32, #tpu.memory_space<vmem>>
    %dma_start3A_850 = arith.constant 0 : i32
    %dma_start3A_851 = tpu.memref_slice %arg5[%dma_start3A_850] : memref<1600xi32, #tpu.memory_space<vmem>> -> memref<400xi32, #tpu.memory_space<vmem>>
    %dma_start3A_852 = arith.constant 0 : i32
    %dma_start3A_853 = arith.constant 0 : i32
    %dma_start3A_854 = tpu.memref_slice %arg3[%dma_start3A_852, %dma_start3A_853] : memref<1000000x32xf32, #tpu.memory_space<hbm>> -> memref<1000000x32xf32, #tpu.memory_space<hbm>>
    tpu.enqueue_indirect_dma source(%dma_start3A_854 : memref<1000000x32xf32, #tpu.memory_space<hbm>>) target(%dma_start3A_849 : memref<400x32xf32, #tpu.memory_space<vmem>>) offsets(%dma_start3A_851 : memref<400xi32, #tpu.memory_space<vmem>>) semaphore(%arg11 : memref<!tpu.dma_semaphore, #tpu.memory_space<semaphore_mem>>)
    %dma_start3A_855 = arith.constant 400 : i32
    %dma_start3A_856 = arith.constant 0 : i32
    %dma_start3A_857 = tpu.memref_slice %arg7[%dma_start3A_855, %dma_start3A_856] : memref<1600x32xf32, #tpu.memory_space<vmem>> -> memref<400x32xf32, #tpu.memory_space<vmem>>
    %dma_start3A_858 = arith.constant 400 : i32
    %dma_start3A_859 = tpu.memref_slice %arg5[%dma_start3A_858] : memref<1600xi32, #tpu.memory_space<vmem>> -> memref<400xi32, #tpu.memory_space<vmem>>
    %dma_start3A_860 = arith.constant 0 : i32
    %dma_start3A_861 = arith.constant 0 : i32
    %dma_start3A_862 = tpu.memref_slice %arg3[%dma_start3A_860, %dma_start3A_861] : memref<1000000x32xf32, #tpu.memory_space<hbm>> -> memref<1000000x32xf32, #tpu.memory_space<hbm>>
    tpu.enqueue_indirect_dma source(%dma_start3A_862 : memref<1000000x32xf32, #tpu.memory_space<hbm>>) target(%dma_start3A_857 : memref<400x32xf32, #tpu.memory_space<vmem>>) offsets(%dma_start3A_859 : memref<400xi32, #tpu.memory_space<vmem>>) semaphore(%arg11 : memref<!tpu.dma_semaphore, #tpu.memory_space<semaphore_mem>>)
    %dma_start3A_863 = arith.constant 800 : i32
    %dma_start3A_864 = arith.constant 0 : i32
    %dma_start3A_865 = tpu.memref_slice %arg7[%dma_start3A_863, %dma_start3A_864] : memref<1600x32xf32, #tpu.memory_space<vmem>> -> memref<400x32xf32, #tpu.memory_space<vmem>>
    %dma_start3A_866 = arith.constant 800 : i32
    %dma_start3A_867 = tpu.memref_slice %arg5[%dma_start3A_866] : memref<1600xi32, #tpu.memory_space<vmem>> -> memref<400xi32, #tpu.memory_space<vmem>>
    %dma_start3A_868 = arith.constant 0 : i32
    %dma_start3A_869 = arith.constant 0 : i32
    %dma_start3A_870 = tpu.memref_slice %arg3[%dma_start3A_868, %dma_start3A_869] : memref<1000000x32xf32, #tpu.memory_space<hbm>> -> memref<1000000x32xf32, #tpu.memory_space<hbm>>
    tpu.enqueue_indirect_dma source(%dma_start3A_870 : memref<1000000x32xf32, #tpu.memory_space<hbm>>) target(%dma_start3A_865 : memref<400x32xf32, #tpu.memory_space<vmem>>) offsets(%dma_start3A_867 : memref<400xi32, #tpu.memory_space<vmem>>) semaphore(%arg11 : memref<!tpu.dma_semaphore, #tpu.memory_space<semaphore_mem>>)
    %dma_start3A_871 = arith.constant 1200 : i32
    %dma_start3A_872 = arith.constant 0 : i32
    %dma_start3A_873 = tpu.memref_slice %arg7[%dma_start3A_871, %dma_start3A_872] : memref<1600x32xf32, #tpu.memory_space<vmem>> -> memref<400x32xf32, #tpu.memory_space<vmem>>
    %dma_start3A_874 = arith.constant 1200 : i32
    %dma_start3A_875 = tpu.memref_slice %arg5[%dma_start3A_874] : memref<1600xi32, #tpu.memory_space<vmem>> -> memref<400xi32, #tpu.memory_space<vmem>>
    %dma_start3A_876 = arith.constant 0 : i32
    %dma_start3A_877 = arith.constant 0 : i32
    %dma_start3A_878 = tpu.memref_slice %arg3[%dma_start3A_876, %dma_start3A_877] : memref<1000000x32xf32, #tpu.memory_space<hbm>> -> memref<1000000x32xf32, #tpu.memory_space<hbm>>
    tpu.enqueue_indirect_dma source(%dma_start3A_878 : memref<1000000x32xf32, #tpu.memory_space<hbm>>) target(%dma_start3A_873 : memref<400x32xf32, #tpu.memory_space<vmem>>) offsets(%dma_start3A_875 : memref<400xi32, #tpu.memory_space<vmem>>) semaphore(%arg11 : memref<!tpu.dma_semaphore, #tpu.memory_space<semaphore_mem>>)
    %dma_wait3A_879 = arith.constant 0 : i32
    %dma_wait3A_880 = arith.constant 0 : i32
    %dma_wait3A_881 = tpu.memref_slice %arg7[%dma_wait3A_879, %dma_wait3A_880] : memref<1600x32xf32, #tpu.memory_space<vmem>> -> memref<400x32xf32, #tpu.memory_space<vmem>>
    %dma_wait3A_882 = arith.constant 0 : i32
    %dma_wait3A_883 = tpu.memref_slice %arg5[%dma_wait3A_882] : memref<1600xi32, #tpu.memory_space<vmem>> -> memref<400xi32, #tpu.memory_space<vmem>>
    %dma_wait3A_884 = arith.constant 0 : i32
    %dma_wait3A_885 = arith.constant 0 : i32
    %dma_wait3A_886 = tpu.memref_slice %arg3[%dma_wait3A_884, %dma_wait3A_885] : memref<1000000x32xf32, #tpu.memory_space<hbm>> -> memref<1000000x32xf32, #tpu.memory_space<hbm>>
    tpu.wait_indirect_dma semaphore(%arg11 : memref<!tpu.dma_semaphore, #tpu.memory_space<semaphore_mem>>) src(%dma_wait3A_886 : memref<1000000x32xf32, #tpu.memory_space<hbm>>) dst(%dma_wait3A_881 : memref<400x32xf32, #tpu.memory_space<vmem>>)
    %dma_wait3A_887 = arith.constant 400 : i32
    %dma_wait3A_888 = arith.constant 0 : i32
    %dma_wait3A_889 = tpu.memref_slice %arg7[%dma_wait3A_887, %dma_wait3A_888] : memref<1600x32xf32, #tpu.memory_space<vmem>> -> memref<400x32xf32, #tpu.memory_space<vmem>>
    %dma_wait3A_890 = arith.constant 400 : i32
    %dma_wait3A_891 = tpu.memref_slice %arg5[%dma_wait3A_890] : memref<1600xi32, #tpu.memory_space<vmem>> -> memref<400xi32, #tpu.memory_space<vmem>>
    %dma_wait3A_892 = arith.constant 0 : i32
    %dma_wait3A_893 = arith.constant 0 : i32
    %dma_wait3A_894 = tpu.memref_slice %arg3[%dma_wait3A_892, %dma_wait3A_893] : memref<1000000x32xf32, #tpu.memory_space<hbm>> -> memref<1000000x32xf32, #tpu.memory_space<hbm>>
    tpu.wait_indirect_dma semaphore(%arg11 : memref<!tpu.dma_semaphore, #tpu.memory_space<semaphore_mem>>) src(%dma_wait3A_894 : memref<1000000x32xf32, #tpu.memory_space<hbm>>) dst(%dma_wait3A_889 : memref<400x32xf32, #tpu.memory_space<vmem>>)
    %dma_wait3A_895 = arith.constant 800 : i32
    %dma_wait3A_896 = arith.constant 0 : i32
    %dma_wait3A_897 = tpu.memref_slice %arg7[%dma_wait3A_895, %dma_wait3A_896] : memref<1600x32xf32, #tpu.memory_space<vmem>> -> memref<400x32xf32, #tpu.memory_space<vmem>>
    %dma_wait3A_898 = arith.constant 800 : i32
    %dma_wait3A_899 = tpu.memref_slice %arg5[%dma_wait3A_898] : memref<1600xi32, #tpu.memory_space<vmem>> -> memref<400xi32, #tpu.memory_space<vmem>>
    %dma_wait3A_900 = arith.constant 0 : i32
    %dma_wait3A_901 = arith.constant 0 : i32
    %dma_wait3A_902 = tpu.memref_slice %arg3[%dma_wait3A_900, %dma_wait3A_901] : memref<1000000x32xf32, #tpu.memory_space<hbm>> -> memref<1000000x32xf32, #tpu.memory_space<hbm>>
    tpu.wait_indirect_dma semaphore(%arg11 : memref<!tpu.dma_semaphore, #tpu.memory_space<semaphore_mem>>) src(%dma_wait3A_902 : memref<1000000x32xf32, #tpu.memory_space<hbm>>) dst(%dma_wait3A_897 : memref<400x32xf32, #tpu.memory_space<vmem>>)
    %dma_wait3A_903 = arith.constant 1200 : i32
    %dma_wait3A_904 = arith.constant 0 : i32
    %dma_wait3A_905 = tpu.memref_slice %arg7[%dma_wait3A_903, %dma_wait3A_904] : memref<1600x32xf32, #tpu.memory_space<vmem>> -> memref<400x32xf32, #tpu.memory_space<vmem>>
    %dma_wait3A_906 = arith.constant 1200 : i32
    %dma_wait3A_907 = tpu.memref_slice %arg5[%dma_wait3A_906] : memref<1600xi32, #tpu.memory_space<vmem>> -> memref<400xi32, #tpu.memory_space<vmem>>
    %dma_wait3A_908 = arith.constant 0 : i32
    %dma_wait3A_909 = arith.constant 0 : i32
    %dma_wait3A_910 = tpu.memref_slice %arg3[%dma_wait3A_908, %dma_wait3A_909] : memref<1000000x32xf32, #tpu.memory_space<hbm>> -> memref<1000000x32xf32, #tpu.memory_space<hbm>>
    tpu.wait_indirect_dma semaphore(%arg11 : memref<!tpu.dma_semaphore, #tpu.memory_space<semaphore_mem>>) src(%dma_wait3A_910 : memref<1000000x32xf32, #tpu.memory_space<hbm>>) dst(%dma_wait3A_905 : memref<400x32xf32, #tpu.memory_space<vmem>>)
    %add3A_911 = arith.constant 16000 : i32
    %add3A_912 = arith.addi %mul3A_2, %add3A_911 : i32
    %dma_start3A_913 = arith.constant 0 : i32
    %dma_start3A_914 = tpu.memref_slice %arg4[%add3A_912, %dma_start3A_913] : memref<819200x32xf32, #tpu.memory_space<hbm>> -> memref<1600x32xf32, #tpu.memory_space<hbm>>
    %dma_start3A_915 = arith.constant 0 : i32
    %dma_start3A_916 = tpu.memref_slice %arg4[%add3A_912, %dma_start3A_915] : memref<819200x32xf32, #tpu.memory_space<hbm>> -> memref<1600x32xf32, #tpu.memory_space<hbm>>
    tpu.enqueue_dma source(%arg7 : memref<1600x32xf32, #tpu.memory_space<vmem>>) target(%dma_start3A_916 : memref<1600x32xf32, #tpu.memory_space<hbm>>) target_semaphore(%arg13 : memref<!tpu.dma_semaphore, #tpu.memory_space<semaphore_mem>>)
    %add3A_917 = arith.constant 19200 : i32
    %add3A_918 = arith.addi %mul3A_2, %add3A_917 : i32
    %dma_start3A_919 = tpu.memref_slice %arg2[%add3A_918] : memref<819200xi32, #tpu.memory_space<hbm>> -> memref<1600xi32, #tpu.memory_space<hbm>>
    %dma_start3A_920 = tpu.memref_slice %arg2[%add3A_918] : memref<819200xi32, #tpu.memory_space<hbm>> -> memref<1600xi32, #tpu.memory_space<hbm>>
    tpu.enqueue_dma source(%dma_start3A_920 : memref<1600xi32, #tpu.memory_space<hbm>>) target(%arg5 : memref<1600xi32, #tpu.memory_space<vmem>>) target_semaphore(%arg9 : memref<!tpu.dma_semaphore, #tpu.memory_space<semaphore_mem>>)
    %add3A_921 = arith.constant 17600 : i32
    %add3A_922 = arith.addi %mul3A_2, %add3A_921 : i32
    %dma_wait3A_923 = tpu.memref_slice %arg2[%add3A_922] : memref<819200xi32, #tpu.memory_space<hbm>> -> memref<1600xi32, #tpu.memory_space<hbm>>
    %dma_wait3A_924 = tpu.memref_slice %arg2[%add3A_922] : memref<819200xi32, #tpu.memory_space<hbm>> -> memref<1600xi32, #tpu.memory_space<hbm>>
    tpu.wait_dma2 semaphore(%arg10 : memref<!tpu.dma_semaphore, #tpu.memory_space<semaphore_mem>>) src(%dma_wait3A_924 : memref<1600xi32, #tpu.memory_space<hbm>>) dst(%arg6 : memref<1600xi32, #tpu.memory_space<vmem>>)
    %add3A_925 = arith.constant 14400 : i32
    %add3A_926 = arith.addi %mul3A_2, %add3A_925 : i32
    %dma_wait3A_927 = arith.constant 0 : i32
    %dma_wait3A_928 = tpu.memref_slice %arg4[%add3A_926, %dma_wait3A_927] : memref<819200x32xf32, #tpu.memory_space<hbm>> -> memref<1600x32xf32, #tpu.memory_space<hbm>>
    %dma_wait3A_929 = arith.constant 0 : i32
    %dma_wait3A_930 = tpu.memref_slice %arg4[%add3A_926, %dma_wait3A_929] : memref<819200x32xf32, #tpu.memory_space<hbm>> -> memref<1600x32xf32, #tpu.memory_space<hbm>>
    tpu.wait_dma2 semaphore(%arg14 : memref<!tpu.dma_semaphore, #tpu.memory_space<semaphore_mem>>) src(%arg8 : memref<1600x32xf32, #tpu.memory_space<vmem>>) dst(%dma_wait3A_930 : memref<1600x32xf32, #tpu.memory_space<hbm>>)
    %dma_start3A_931 = arith.constant 0 : i32
    %dma_start3A_932 = arith.constant 0 : i32
    %dma_start3A_933 = tpu.memref_slice %arg8[%dma_start3A_931, %dma_start3A_932] : memref<1600x32xf32, #tpu.memory_space<vmem>> -> memref<400x32xf32, #tpu.memory_space<vmem>>
    %dma_start3A_934 = arith.constant 0 : i32
    %dma_start3A_935 = tpu.memref_slice %arg6[%dma_start3A_934] : memref<1600xi32, #tpu.memory_space<vmem>> -> memref<400xi32, #tpu.memory_space<vmem>>
    %dma_start3A_936 = arith.constant 0 : i32
    %dma_start3A_937 = arith.constant 0 : i32
    %dma_start3A_938 = tpu.memref_slice %arg3[%dma_start3A_936, %dma_start3A_937] : memref<1000000x32xf32, #tpu.memory_space<hbm>> -> memref<1000000x32xf32, #tpu.memory_space<hbm>>
    tpu.enqueue_indirect_dma source(%dma_start3A_938 : memref<1000000x32xf32, #tpu.memory_space<hbm>>) target(%dma_start3A_933 : memref<400x32xf32, #tpu.memory_space<vmem>>) offsets(%dma_start3A_935 : memref<400xi32, #tpu.memory_space<vmem>>) semaphore(%arg12 : memref<!tpu.dma_semaphore, #tpu.memory_space<semaphore_mem>>)
    %dma_start3A_939 = arith.constant 400 : i32
    %dma_start3A_940 = arith.constant 0 : i32
    %dma_start3A_941 = tpu.memref_slice %arg8[%dma_start3A_939, %dma_start3A_940] : memref<1600x32xf32, #tpu.memory_space<vmem>> -> memref<400x32xf32, #tpu.memory_space<vmem>>
    %dma_start3A_942 = arith.constant 400 : i32
    %dma_start3A_943 = tpu.memref_slice %arg6[%dma_start3A_942] : memref<1600xi32, #tpu.memory_space<vmem>> -> memref<400xi32, #tpu.memory_space<vmem>>
    %dma_start3A_944 = arith.constant 0 : i32
    %dma_start3A_945 = arith.constant 0 : i32
    %dma_start3A_946 = tpu.memref_slice %arg3[%dma_start3A_944, %dma_start3A_945] : memref<1000000x32xf32, #tpu.memory_space<hbm>> -> memref<1000000x32xf32, #tpu.memory_space<hbm>>
    tpu.enqueue_indirect_dma source(%dma_start3A_946 : memref<1000000x32xf32, #tpu.memory_space<hbm>>) target(%dma_start3A_941 : memref<400x32xf32, #tpu.memory_space<vmem>>) offsets(%dma_start3A_943 : memref<400xi32, #tpu.memory_space<vmem>>) semaphore(%arg12 : memref<!tpu.dma_semaphore, #tpu.memory_space<semaphore_mem>>)
    %dma_start3A_947 = arith.constant 800 : i32
    %dma_start3A_948 = arith.constant 0 : i32
    %dma_start3A_949 = tpu.memref_slice %arg8[%dma_start3A_947, %dma_start3A_948] : memref<1600x32xf32, #tpu.memory_space<vmem>> -> memref<400x32xf32, #tpu.memory_space<vmem>>
    %dma_start3A_950 = arith.constant 800 : i32
    %dma_start3A_951 = tpu.memref_slice %arg6[%dma_start3A_950] : memref<1600xi32, #tpu.memory_space<vmem>> -> memref<400xi32, #tpu.memory_space<vmem>>
    %dma_start3A_952 = arith.constant 0 : i32
    %dma_start3A_953 = arith.constant 0 : i32
    %dma_start3A_954 = tpu.memref_slice %arg3[%dma_start3A_952, %dma_start3A_953] : memref<1000000x32xf32, #tpu.memory_space<hbm>> -> memref<1000000x32xf32, #tpu.memory_space<hbm>>
    tpu.enqueue_indirect_dma source(%dma_start3A_954 : memref<1000000x32xf32, #tpu.memory_space<hbm>>) target(%dma_start3A_949 : memref<400x32xf32, #tpu.memory_space<vmem>>) offsets(%dma_start3A_951 : memref<400xi32, #tpu.memory_space<vmem>>) semaphore(%arg12 : memref<!tpu.dma_semaphore, #tpu.memory_space<semaphore_mem>>)
    %dma_start3A_955 = arith.constant 1200 : i32
    %dma_start3A_956 = arith.constant 0 : i32
    %dma_start3A_957 = tpu.memref_slice %arg8[%dma_start3A_955, %dma_start3A_956] : memref<1600x32xf32, #tpu.memory_space<vmem>> -> memref<400x32xf32, #tpu.memory_space<vmem>>
    %dma_start3A_958 = arith.constant 1200 : i32
    %dma_start3A_959 = tpu.memref_slice %arg6[%dma_start3A_958] : memref<1600xi32, #tpu.memory_space<vmem>> -> memref<400xi32, #tpu.memory_space<vmem>>
    %dma_start3A_960 = arith.constant 0 : i32
    %dma_start3A_961 = arith.constant 0 : i32
    %dma_start3A_962 = tpu.memref_slice %arg3[%dma_start3A_960, %dma_start3A_961] : memref<1000000x32xf32, #tpu.memory_space<hbm>> -> memref<1000000x32xf32, #tpu.memory_space<hbm>>
    tpu.enqueue_indirect_dma source(%dma_start3A_962 : memref<1000000x32xf32, #tpu.memory_space<hbm>>) target(%dma_start3A_957 : memref<400x32xf32, #tpu.memory_space<vmem>>) offsets(%dma_start3A_959 : memref<400xi32, #tpu.memory_space<vmem>>) semaphore(%arg12 : memref<!tpu.dma_semaphore, #tpu.memory_space<semaphore_mem>>)
    %dma_wait3A_963 = arith.constant 0 : i32
    %dma_wait3A_964 = arith.constant 0 : i32
    %dma_wait3A_965 = tpu.memref_slice %arg8[%dma_wait3A_963, %dma_wait3A_964] : memref<1600x32xf32, #tpu.memory_space<vmem>> -> memref<400x32xf32, #tpu.memory_space<vmem>>
    %dma_wait3A_966 = arith.constant 0 : i32
    %dma_wait3A_967 = tpu.memref_slice %arg6[%dma_wait3A_966] : memref<1600xi32, #tpu.memory_space<vmem>> -> memref<400xi32, #tpu.memory_space<vmem>>
    %dma_wait3A_968 = arith.constant 0 : i32
    %dma_wait3A_969 = arith.constant 0 : i32
    %dma_wait3A_970 = tpu.memref_slice %arg3[%dma_wait3A_968, %dma_wait3A_969] : memref<1000000x32xf32, #tpu.memory_space<hbm>> -> memref<1000000x32xf32, #tpu.memory_space<hbm>>
    tpu.wait_indirect_dma semaphore(%arg12 : memref<!tpu.dma_semaphore, #tpu.memory_space<semaphore_mem>>) src(%dma_wait3A_970 : memref<1000000x32xf32, #tpu.memory_space<hbm>>) dst(%dma_wait3A_965 : memref<400x32xf32, #tpu.memory_space<vmem>>)
    %dma_wait3A_971 = arith.constant 400 : i32
    %dma_wait3A_972 = arith.constant 0 : i32
    %dma_wait3A_973 = tpu.memref_slice %arg8[%dma_wait3A_971, %dma_wait3A_972] : memref<1600x32xf32, #tpu.memory_space<vmem>> -> memref<400x32xf32, #tpu.memory_space<vmem>>
    %dma_wait3A_974 = arith.constant 400 : i32
    %dma_wait3A_975 = tpu.memref_slice %arg6[%dma_wait3A_974] : memref<1600xi32, #tpu.memory_space<vmem>> -> memref<400xi32, #tpu.memory_space<vmem>>
    %dma_wait3A_976 = arith.constant 0 : i32
    %dma_wait3A_977 = arith.constant 0 : i32
    %dma_wait3A_978 = tpu.memref_slice %arg3[%dma_wait3A_976, %dma_wait3A_977] : memref<1000000x32xf32, #tpu.memory_space<hbm>> -> memref<1000000x32xf32, #tpu.memory_space<hbm>>
    tpu.wait_indirect_dma semaphore(%arg12 : memref<!tpu.dma_semaphore, #tpu.memory_space<semaphore_mem>>) src(%dma_wait3A_978 : memref<1000000x32xf32, #tpu.memory_space<hbm>>) dst(%dma_wait3A_973 : memref<400x32xf32, #tpu.memory_space<vmem>>)
    %dma_wait3A_979 = arith.constant 800 : i32
    %dma_wait3A_980 = arith.constant 0 : i32
    %dma_wait3A_981 = tpu.memref_slice %arg8[%dma_wait3A_979, %dma_wait3A_980] : memref<1600x32xf32, #tpu.memory_space<vmem>> -> memref<400x32xf32, #tpu.memory_space<vmem>>
    %dma_wait3A_982 = arith.constant 800 : i32
    %dma_wait3A_983 = tpu.memref_slice %arg6[%dma_wait3A_982] : memref<1600xi32, #tpu.memory_space<vmem>> -> memref<400xi32, #tpu.memory_space<vmem>>
    %dma_wait3A_984 = arith.constant 0 : i32
    %dma_wait3A_985 = arith.constant 0 : i32
    %dma_wait3A_986 = tpu.memref_slice %arg3[%dma_wait3A_984, %dma_wait3A_985] : memref<1000000x32xf32, #tpu.memory_space<hbm>> -> memref<1000000x32xf32, #tpu.memory_space<hbm>>
    tpu.wait_indirect_dma semaphore(%arg12 : memref<!tpu.dma_semaphore, #tpu.memory_space<semaphore_mem>>) src(%dma_wait3A_986 : memref<1000000x32xf32, #tpu.memory_space<hbm>>) dst(%dma_wait3A_981 : memref<400x32xf32, #tpu.memory_space<vmem>>)
    %dma_wait3A_987 = arith.constant 1200 : i32
    %dma_wait3A_988 = arith.constant 0 : i32
    %dma_wait3A_989 = tpu.memref_slice %arg8[%dma_wait3A_987, %dma_wait3A_988] : memref<1600x32xf32, #tpu.memory_space<vmem>> -> memref<400x32xf32, #tpu.memory_space<vmem>>
    %dma_wait3A_990 = arith.constant 1200 : i32
    %dma_wait3A_991 = tpu.memref_slice %arg6[%dma_wait3A_990] : memref<1600xi32, #tpu.memory_space<vmem>> -> memref<400xi32, #tpu.memory_space<vmem>>
    %dma_wait3A_992 = arith.constant 0 : i32
    %dma_wait3A_993 = arith.constant 0 : i32
    %dma_wait3A_994 = tpu.memref_slice %arg3[%dma_wait3A_992, %dma_wait3A_993] : memref<1000000x32xf32, #tpu.memory_space<hbm>> -> memref<1000000x32xf32, #tpu.memory_space<hbm>>
    tpu.wait_indirect_dma semaphore(%arg12 : memref<!tpu.dma_semaphore, #tpu.memory_space<semaphore_mem>>) src(%dma_wait3A_994 : memref<1000000x32xf32, #tpu.memory_space<hbm>>) dst(%dma_wait3A_989 : memref<400x32xf32, #tpu.memory_space<vmem>>)
    %add3A_995 = arith.constant 17600 : i32
    %add3A_996 = arith.addi %mul3A_2, %add3A_995 : i32
    %dma_start3A_997 = arith.constant 0 : i32
    %dma_start3A_998 = tpu.memref_slice %arg4[%add3A_996, %dma_start3A_997] : memref<819200x32xf32, #tpu.memory_space<hbm>> -> memref<1600x32xf32, #tpu.memory_space<hbm>>
    %dma_start3A_999 = arith.constant 0 : i32
    %dma_start3A_1000 = tpu.memref_slice %arg4[%add3A_996, %dma_start3A_999] : memref<819200x32xf32, #tpu.memory_space<hbm>> -> memref<1600x32xf32, #tpu.memory_space<hbm>>
    tpu.enqueue_dma source(%arg8 : memref<1600x32xf32, #tpu.memory_space<vmem>>) target(%dma_start3A_1000 : memref<1600x32xf32, #tpu.memory_space<hbm>>) target_semaphore(%arg14 : memref<!tpu.dma_semaphore, #tpu.memory_space<semaphore_mem>>)
    %add3A_1001 = arith.constant 20800 : i32
    %add3A_1002 = arith.addi %mul3A_2, %add3A_1001 : i32
    %dma_start3A_1003 = tpu.memref_slice %arg2[%add3A_1002] : memref<819200xi32, #tpu.memory_space<hbm>> -> memref<1600xi32, #tpu.memory_space<hbm>>
    %dma_start3A_1004 = tpu.memref_slice %arg2[%add3A_1002] : memref<819200xi32, #tpu.memory_space<hbm>> -> memref<1600xi32, #tpu.memory_space<hbm>>
    tpu.enqueue_dma source(%dma_start3A_1004 : memref<1600xi32, #tpu.memory_space<hbm>>) target(%arg6 : memref<1600xi32, #tpu.memory_space<vmem>>) target_semaphore(%arg10 : memref<!tpu.dma_semaphore, #tpu.memory_space<semaphore_mem>>)
    %add3A_1005 = arith.constant 19200 : i32
    %add3A_1006 = arith.addi %mul3A_2, %add3A_1005 : i32
    %dma_wait3A_1007 = tpu.memref_slice %arg2[%add3A_1006] : memref<819200xi32, #tpu.memory_space<hbm>> -> memref<1600xi32, #tpu.memory_space<hbm>>
    %dma_wait3A_1008 = tpu.memref_slice %arg2[%add3A_1006] : memref<819200xi32, #tpu.memory_space<hbm>> -> memref<1600xi32, #tpu.memory_space<hbm>>
    tpu.wait_dma2 semaphore(%arg9 : memref<!tpu.dma_semaphore, #tpu.memory_space<semaphore_mem>>) src(%dma_wait3A_1008 : memref<1600xi32, #tpu.memory_space<hbm>>) dst(%arg5 : memref<1600xi32, #tpu.memory_space<vmem>>)
    %add3A_1009 = arith.constant 16000 : i32
    %add3A_1010 = arith.addi %mul3A_2, %add3A_1009 : i32
    %dma_wait3A_1011 = arith.constant 0 : i32
    %dma_wait3A_1012 = tpu.memref_slice %arg4[%add3A_1010, %dma_wait3A_1011] : memref<819200x32xf32, #tpu.memory_space<hbm>> -> memref<1600x32xf32, #tpu.memory_space<hbm>>
    %dma_wait3A_1013 = arith.constant 0 : i32
    %dma_wait3A_1014 = tpu.memref_slice %arg4[%add3A_1010, %dma_wait3A_1013] : memref<819200x32xf32, #tpu.memory_space<hbm>> -> memref<1600x32xf32, #tpu.memory_space<hbm>>
    tpu.wait_dma2 semaphore(%arg13 : memref<!tpu.dma_semaphore, #tpu.memory_space<semaphore_mem>>) src(%arg7 : memref<1600x32xf32, #tpu.memory_space<vmem>>) dst(%dma_wait3A_1014 : memref<1600x32xf32, #tpu.memory_space<hbm>>)
    %dma_start3A_1015 = arith.constant 0 : i32
    %dma_start3A_1016 = arith.constant 0 : i32
    %dma_start3A_1017 = tpu.memref_slice %arg7[%dma_start3A_1015, %dma_start3A_1016] : memref<1600x32xf32, #tpu.memory_space<vmem>> -> memref<400x32xf32, #tpu.memory_space<vmem>>
    %dma_start3A_1018 = arith.constant 0 : i32
    %dma_start3A_1019 = tpu.memref_slice %arg5[%dma_start3A_1018] : memref<1600xi32, #tpu.memory_space<vmem>> -> memref<400xi32, #tpu.memory_space<vmem>>
    %dma_start3A_1020 = arith.constant 0 : i32
    %dma_start3A_1021 = arith.constant 0 : i32
    %dma_start3A_1022 = tpu.memref_slice %arg3[%dma_start3A_1020, %dma_start3A_1021] : memref<1000000x32xf32, #tpu.memory_space<hbm>> -> memref<1000000x32xf32, #tpu.memory_space<hbm>>
    tpu.enqueue_indirect_dma source(%dma_start3A_1022 : memref<1000000x32xf32, #tpu.memory_space<hbm>>) target(%dma_start3A_1017 : memref<400x32xf32, #tpu.memory_space<vmem>>) offsets(%dma_start3A_1019 : memref<400xi32, #tpu.memory_space<vmem>>) semaphore(%arg11 : memref<!tpu.dma_semaphore, #tpu.memory_space<semaphore_mem>>)
    %dma_start3A_1023 = arith.constant 400 : i32
    %dma_start3A_1024 = arith.constant 0 : i32
    %dma_start3A_1025 = tpu.memref_slice %arg7[%dma_start3A_1023, %dma_start3A_1024] : memref<1600x32xf32, #tpu.memory_space<vmem>> -> memref<400x32xf32, #tpu.memory_space<vmem>>
    %dma_start3A_1026 = arith.constant 400 : i32
    %dma_start3A_1027 = tpu.memref_slice %arg5[%dma_start3A_1026] : memref<1600xi32, #tpu.memory_space<vmem>> -> memref<400xi32, #tpu.memory_space<vmem>>
    %dma_start3A_1028 = arith.constant 0 : i32
    %dma_start3A_1029 = arith.constant 0 : i32
    %dma_start3A_1030 = tpu.memref_slice %arg3[%dma_start3A_1028, %dma_start3A_1029] : memref<1000000x32xf32, #tpu.memory_space<hbm>> -> memref<1000000x32xf32, #tpu.memory_space<hbm>>
    tpu.enqueue_indirect_dma source(%dma_start3A_1030 : memref<1000000x32xf32, #tpu.memory_space<hbm>>) target(%dma_start3A_1025 : memref<400x32xf32, #tpu.memory_space<vmem>>) offsets(%dma_start3A_1027 : memref<400xi32, #tpu.memory_space<vmem>>) semaphore(%arg11 : memref<!tpu.dma_semaphore, #tpu.memory_space<semaphore_mem>>)
    %dma_start3A_1031 = arith.constant 800 : i32
    %dma_start3A_1032 = arith.constant 0 : i32
    %dma_start3A_1033 = tpu.memref_slice %arg7[%dma_start3A_1031, %dma_start3A_1032] : memref<1600x32xf32, #tpu.memory_space<vmem>> -> memref<400x32xf32, #tpu.memory_space<vmem>>
    %dma_start3A_1034 = arith.constant 800 : i32
    %dma_start3A_1035 = tpu.memref_slice %arg5[%dma_start3A_1034] : memref<1600xi32, #tpu.memory_space<vmem>> -> memref<400xi32, #tpu.memory_space<vmem>>
    %dma_start3A_1036 = arith.constant 0 : i32
    %dma_start3A_1037 = arith.constant 0 : i32
    %dma_start3A_1038 = tpu.memref_slice %arg3[%dma_start3A_1036, %dma_start3A_1037] : memref<1000000x32xf32, #tpu.memory_space<hbm>> -> memref<1000000x32xf32, #tpu.memory_space<hbm>>
    tpu.enqueue_indirect_dma source(%dma_start3A_1038 : memref<1000000x32xf32, #tpu.memory_space<hbm>>) target(%dma_start3A_1033 : memref<400x32xf32, #tpu.memory_space<vmem>>) offsets(%dma_start3A_1035 : memref<400xi32, #tpu.memory_space<vmem>>) semaphore(%arg11 : memref<!tpu.dma_semaphore, #tpu.memory_space<semaphore_mem>>)
    %dma_start3A_1039 = arith.constant 1200 : i32
    %dma_start3A_1040 = arith.constant 0 : i32
    %dma_start3A_1041 = tpu.memref_slice %arg7[%dma_start3A_1039, %dma_start3A_1040] : memref<1600x32xf32, #tpu.memory_space<vmem>> -> memref<400x32xf32, #tpu.memory_space<vmem>>
    %dma_start3A_1042 = arith.constant 1200 : i32
    %dma_start3A_1043 = tpu.memref_slice %arg5[%dma_start3A_1042] : memref<1600xi32, #tpu.memory_space<vmem>> -> memref<400xi32, #tpu.memory_space<vmem>>
    %dma_start3A_1044 = arith.constant 0 : i32
    %dma_start3A_1045 = arith.constant 0 : i32
    %dma_start3A_1046 = tpu.memref_slice %arg3[%dma_start3A_1044, %dma_start3A_1045] : memref<1000000x32xf32, #tpu.memory_space<hbm>> -> memref<1000000x32xf32, #tpu.memory_space<hbm>>
    tpu.enqueue_indirect_dma source(%dma_start3A_1046 : memref<1000000x32xf32, #tpu.memory_space<hbm>>) target(%dma_start3A_1041 : memref<400x32xf32, #tpu.memory_space<vmem>>) offsets(%dma_start3A_1043 : memref<400xi32, #tpu.memory_space<vmem>>) semaphore(%arg11 : memref<!tpu.dma_semaphore, #tpu.memory_space<semaphore_mem>>)
    %dma_wait3A_1047 = arith.constant 0 : i32
    %dma_wait3A_1048 = arith.constant 0 : i32
    %dma_wait3A_1049 = tpu.memref_slice %arg7[%dma_wait3A_1047, %dma_wait3A_1048] : memref<1600x32xf32, #tpu.memory_space<vmem>> -> memref<400x32xf32, #tpu.memory_space<vmem>>
    %dma_wait3A_1050 = arith.constant 0 : i32
    %dma_wait3A_1051 = tpu.memref_slice %arg5[%dma_wait3A_1050] : memref<1600xi32, #tpu.memory_space<vmem>> -> memref<400xi32, #tpu.memory_space<vmem>>
    %dma_wait3A_1052 = arith.constant 0 : i32
    %dma_wait3A_1053 = arith.constant 0 : i32
    %dma_wait3A_1054 = tpu.memref_slice %arg3[%dma_wait3A_1052, %dma_wait3A_1053] : memref<1000000x32xf32, #tpu.memory_space<hbm>> -> memref<1000000x32xf32, #tpu.memory_space<hbm>>
    tpu.wait_indirect_dma semaphore(%arg11 : memref<!tpu.dma_semaphore, #tpu.memory_space<semaphore_mem>>) src(%dma_wait3A_1054 : memref<1000000x32xf32, #tpu.memory_space<hbm>>) dst(%dma_wait3A_1049 : memref<400x32xf32, #tpu.memory_space<vmem>>)
    %dma_wait3A_1055 = arith.constant 400 : i32
    %dma_wait3A_1056 = arith.constant 0 : i32
    %dma_wait3A_1057 = tpu.memref_slice %arg7[%dma_wait3A_1055, %dma_wait3A_1056] : memref<1600x32xf32, #tpu.memory_space<vmem>> -> memref<400x32xf32, #tpu.memory_space<vmem>>
    %dma_wait3A_1058 = arith.constant 400 : i32
    %dma_wait3A_1059 = tpu.memref_slice %arg5[%dma_wait3A_1058] : memref<1600xi32, #tpu.memory_space<vmem>> -> memref<400xi32, #tpu.memory_space<vmem>>
    %dma_wait3A_1060 = arith.constant 0 : i32
    %dma_wait3A_1061 = arith.constant 0 : i32
    %dma_wait3A_1062 = tpu.memref_slice %arg3[%dma_wait3A_1060, %dma_wait3A_1061] : memref<1000000x32xf32, #tpu.memory_space<hbm>> -> memref<1000000x32xf32, #tpu.memory_space<hbm>>
    tpu.wait_indirect_dma semaphore(%arg11 : memref<!tpu.dma_semaphore, #tpu.memory_space<semaphore_mem>>) src(%dma_wait3A_1062 : memref<1000000x32xf32, #tpu.memory_space<hbm>>) dst(%dma_wait3A_1057 : memref<400x32xf32, #tpu.memory_space<vmem>>)
    %dma_wait3A_1063 = arith.constant 800 : i32
    %dma_wait3A_1064 = arith.constant 0 : i32
    %dma_wait3A_1065 = tpu.memref_slice %arg7[%dma_wait3A_1063, %dma_wait3A_1064] : memref<1600x32xf32, #tpu.memory_space<vmem>> -> memref<400x32xf32, #tpu.memory_space<vmem>>
    %dma_wait3A_1066 = arith.constant 800 : i32
    %dma_wait3A_1067 = tpu.memref_slice %arg5[%dma_wait3A_1066] : memref<1600xi32, #tpu.memory_space<vmem>> -> memref<400xi32, #tpu.memory_space<vmem>>
    %dma_wait3A_1068 = arith.constant 0 : i32
    %dma_wait3A_1069 = arith.constant 0 : i32
    %dma_wait3A_1070 = tpu.memref_slice %arg3[%dma_wait3A_1068, %dma_wait3A_1069] : memref<1000000x32xf32, #tpu.memory_space<hbm>> -> memref<1000000x32xf32, #tpu.memory_space<hbm>>
    tpu.wait_indirect_dma semaphore(%arg11 : memref<!tpu.dma_semaphore, #tpu.memory_space<semaphore_mem>>) src(%dma_wait3A_1070 : memref<1000000x32xf32, #tpu.memory_space<hbm>>) dst(%dma_wait3A_1065 : memref<400x32xf32, #tpu.memory_space<vmem>>)
    %dma_wait3A_1071 = arith.constant 1200 : i32
    %dma_wait3A_1072 = arith.constant 0 : i32
    %dma_wait3A_1073 = tpu.memref_slice %arg7[%dma_wait3A_1071, %dma_wait3A_1072] : memref<1600x32xf32, #tpu.memory_space<vmem>> -> memref<400x32xf32, #tpu.memory_space<vmem>>
    %dma_wait3A_1074 = arith.constant 1200 : i32
    %dma_wait3A_1075 = tpu.memref_slice %arg5[%dma_wait3A_1074] : memref<1600xi32, #tpu.memory_space<vmem>> -> memref<400xi32, #tpu.memory_space<vmem>>
    %dma_wait3A_1076 = arith.constant 0 : i32
    %dma_wait3A_1077 = arith.constant 0 : i32
    %dma_wait3A_1078 = tpu.memref_slice %arg3[%dma_wait3A_1076, %dma_wait3A_1077] : memref<1000000x32xf32, #tpu.memory_space<hbm>> -> memref<1000000x32xf32, #tpu.memory_space<hbm>>
    tpu.wait_indirect_dma semaphore(%arg11 : memref<!tpu.dma_semaphore, #tpu.memory_space<semaphore_mem>>) src(%dma_wait3A_1078 : memref<1000000x32xf32, #tpu.memory_space<hbm>>) dst(%dma_wait3A_1073 : memref<400x32xf32, #tpu.memory_space<vmem>>)
    %add3A_1079 = arith.constant 19200 : i32
    %add3A_1080 = arith.addi %mul3A_2, %add3A_1079 : i32
    %dma_start3A_1081 = arith.constant 0 : i32
    %dma_start3A_1082 = tpu.memref_slice %arg4[%add3A_1080, %dma_start3A_1081] : memref<819200x32xf32, #tpu.memory_space<hbm>> -> memref<1600x32xf32, #tpu.memory_space<hbm>>
    %dma_start3A_1083 = arith.constant 0 : i32
    %dma_start3A_1084 = tpu.memref_slice %arg4[%add3A_1080, %dma_start3A_1083] : memref<819200x32xf32, #tpu.memory_space<hbm>> -> memref<1600x32xf32, #tpu.memory_space<hbm>>
    tpu.enqueue_dma source(%arg7 : memref<1600x32xf32, #tpu.memory_space<vmem>>) target(%dma_start3A_1084 : memref<1600x32xf32, #tpu.memory_space<hbm>>) target_semaphore(%arg13 : memref<!tpu.dma_semaphore, #tpu.memory_space<semaphore_mem>>)
    %add3A_1085 = arith.constant 22400 : i32
    %add3A_1086 = arith.addi %mul3A_2, %add3A_1085 : i32
    %dma_start3A_1087 = tpu.memref_slice %arg2[%add3A_1086] : memref<819200xi32, #tpu.memory_space<hbm>> -> memref<1600xi32, #tpu.memory_space<hbm>>
    %dma_start3A_1088 = tpu.memref_slice %arg2[%add3A_1086] : memref<819200xi32, #tpu.memory_space<hbm>> -> memref<1600xi32, #tpu.memory_space<hbm>>
    tpu.enqueue_dma source(%dma_start3A_1088 : memref<1600xi32, #tpu.memory_space<hbm>>) target(%arg5 : memref<1600xi32, #tpu.memory_space<vmem>>) target_semaphore(%arg9 : memref<!tpu.dma_semaphore, #tpu.memory_space<semaphore_mem>>)
    %add3A_1089 = arith.constant 20800 : i32
    %add3A_1090 = arith.addi %mul3A_2, %add3A_1089 : i32
    %dma_wait3A_1091 = tpu.memref_slice %arg2[%add3A_1090] : memref<819200xi32, #tpu.memory_space<hbm>> -> memref<1600xi32, #tpu.memory_space<hbm>>
    %dma_wait3A_1092 = tpu.memref_slice %arg2[%add3A_1090] : memref<819200xi32, #tpu.memory_space<hbm>> -> memref<1600xi32, #tpu.memory_space<hbm>>
    tpu.wait_dma2 semaphore(%arg10 : memref<!tpu.dma_semaphore, #tpu.memory_space<semaphore_mem>>) src(%dma_wait3A_1092 : memref<1600xi32, #tpu.memory_space<hbm>>) dst(%arg6 : memref<1600xi32, #tpu.memory_space<vmem>>)
    %add3A_1093 = arith.constant 17600 : i32
    %add3A_1094 = arith.addi %mul3A_2, %add3A_1093 : i32
    %dma_wait3A_1095 = arith.constant 0 : i32
    %dma_wait3A_1096 = tpu.memref_slice %arg4[%add3A_1094, %dma_wait3A_1095] : memref<819200x32xf32, #tpu.memory_space<hbm>> -> memref<1600x32xf32, #tpu.memory_space<hbm>>
    %dma_wait3A_1097 = arith.constant 0 : i32
    %dma_wait3A_1098 = tpu.memref_slice %arg4[%add3A_1094, %dma_wait3A_1097] : memref<819200x32xf32, #tpu.memory_space<hbm>> -> memref<1600x32xf32, #tpu.memory_space<hbm>>
    tpu.wait_dma2 semaphore(%arg14 : memref<!tpu.dma_semaphore, #tpu.memory_space<semaphore_mem>>) src(%arg8 : memref<1600x32xf32, #tpu.memory_space<vmem>>) dst(%dma_wait3A_1098 : memref<1600x32xf32, #tpu.memory_space<hbm>>)
    %dma_start3A_1099 = arith.constant 0 : i32
    %dma_start3A_1100 = arith.constant 0 : i32
    %dma_start3A_1101 = tpu.memref_slice %arg8[%dma_start3A_1099, %dma_start3A_1100] : memref<1600x32xf32, #tpu.memory_space<vmem>> -> memref<400x32xf32, #tpu.memory_space<vmem>>
    %dma_start3A_1102 = arith.constant 0 : i32
    %dma_start3A_1103 = tpu.memref_slice %arg6[%dma_start3A_1102] : memref<1600xi32, #tpu.memory_space<vmem>> -> memref<400xi32, #tpu.memory_space<vmem>>
    %dma_start3A_1104 = arith.constant 0 : i32
    %dma_start3A_1105 = arith.constant 0 : i32
    %dma_start3A_1106 = tpu.memref_slice %arg3[%dma_start3A_1104, %dma_start3A_1105] : memref<1000000x32xf32, #tpu.memory_space<hbm>> -> memref<1000000x32xf32, #tpu.memory_space<hbm>>
    tpu.enqueue_indirect_dma source(%dma_start3A_1106 : memref<1000000x32xf32, #tpu.memory_space<hbm>>) target(%dma_start3A_1101 : memref<400x32xf32, #tpu.memory_space<vmem>>) offsets(%dma_start3A_1103 : memref<400xi32, #tpu.memory_space<vmem>>) semaphore(%arg12 : memref<!tpu.dma_semaphore, #tpu.memory_space<semaphore_mem>>)
    %dma_start3A_1107 = arith.constant 400 : i32
    %dma_start3A_1108 = arith.constant 0 : i32
    %dma_start3A_1109 = tpu.memref_slice %arg8[%dma_start3A_1107, %dma_start3A_1108] : memref<1600x32xf32, #tpu.memory_space<vmem>> -> memref<400x32xf32, #tpu.memory_space<vmem>>
    %dma_start3A_1110 = arith.constant 400 : i32
    %dma_start3A_1111 = tpu.memref_slice %arg6[%dma_start3A_1110] : memref<1600xi32, #tpu.memory_space<vmem>> -> memref<400xi32, #tpu.memory_space<vmem>>
    %dma_start3A_1112 = arith.constant 0 : i32
    %dma_start3A_1113 = arith.constant 0 : i32
    %dma_start3A_1114 = tpu.memref_slice %arg3[%dma_start3A_1112, %dma_start3A_1113] : memref<1000000x32xf32, #tpu.memory_space<hbm>> -> memref<1000000x32xf32, #tpu.memory_space<hbm>>
    tpu.enqueue_indirect_dma source(%dma_start3A_1114 : memref<1000000x32xf32, #tpu.memory_space<hbm>>) target(%dma_start3A_1109 : memref<400x32xf32, #tpu.memory_space<vmem>>) offsets(%dma_start3A_1111 : memref<400xi32, #tpu.memory_space<vmem>>) semaphore(%arg12 : memref<!tpu.dma_semaphore, #tpu.memory_space<semaphore_mem>>)
    %dma_start3A_1115 = arith.constant 800 : i32
    %dma_start3A_1116 = arith.constant 0 : i32
    %dma_start3A_1117 = tpu.memref_slice %arg8[%dma_start3A_1115, %dma_start3A_1116] : memref<1600x32xf32, #tpu.memory_space<vmem>> -> memref<400x32xf32, #tpu.memory_space<vmem>>
    %dma_start3A_1118 = arith.constant 800 : i32
    %dma_start3A_1119 = tpu.memref_slice %arg6[%dma_start3A_1118] : memref<1600xi32, #tpu.memory_space<vmem>> -> memref<400xi32, #tpu.memory_space<vmem>>
    %dma_start3A_1120 = arith.constant 0 : i32
    %dma_start3A_1121 = arith.constant 0 : i32
    %dma_start3A_1122 = tpu.memref_slice %arg3[%dma_start3A_1120, %dma_start3A_1121] : memref<1000000x32xf32, #tpu.memory_space<hbm>> -> memref<1000000x32xf32, #tpu.memory_space<hbm>>
    tpu.enqueue_indirect_dma source(%dma_start3A_1122 : memref<1000000x32xf32, #tpu.memory_space<hbm>>) target(%dma_start3A_1117 : memref<400x32xf32, #tpu.memory_space<vmem>>) offsets(%dma_start3A_1119 : memref<400xi32, #tpu.memory_space<vmem>>) semaphore(%arg12 : memref<!tpu.dma_semaphore, #tpu.memory_space<semaphore_mem>>)
    %dma_start3A_1123 = arith.constant 1200 : i32
    %dma_start3A_1124 = arith.constant 0 : i32
    %dma_start3A_1125 = tpu.memref_slice %arg8[%dma_start3A_1123, %dma_start3A_1124] : memref<1600x32xf32, #tpu.memory_space<vmem>> -> memref<400x32xf32, #tpu.memory_space<vmem>>
    %dma_start3A_1126 = arith.constant 1200 : i32
    %dma_start3A_1127 = tpu.memref_slice %arg6[%dma_start3A_1126] : memref<1600xi32, #tpu.memory_space<vmem>> -> memref<400xi32, #tpu.memory_space<vmem>>
    %dma_start3A_1128 = arith.constant 0 : i32
    %dma_start3A_1129 = arith.constant 0 : i32
    %dma_start3A_1130 = tpu.memref_slice %arg3[%dma_start3A_1128, %dma_start3A_1129] : memref<1000000x32xf32, #tpu.memory_space<hbm>> -> memref<1000000x32xf32, #tpu.memory_space<hbm>>
    tpu.enqueue_indirect_dma source(%dma_start3A_1130 : memref<1000000x32xf32, #tpu.memory_space<hbm>>) target(%dma_start3A_1125 : memref<400x32xf32, #tpu.memory_space<vmem>>) offsets(%dma_start3A_1127 : memref<400xi32, #tpu.memory_space<vmem>>) semaphore(%arg12 : memref<!tpu.dma_semaphore, #tpu.memory_space<semaphore_mem>>)
    %dma_wait3A_1131 = arith.constant 0 : i32
    %dma_wait3A_1132 = arith.constant 0 : i32
    %dma_wait3A_1133 = tpu.memref_slice %arg8[%dma_wait3A_1131, %dma_wait3A_1132] : memref<1600x32xf32, #tpu.memory_space<vmem>> -> memref<400x32xf32, #tpu.memory_space<vmem>>
    %dma_wait3A_1134 = arith.constant 0 : i32
    %dma_wait3A_1135 = tpu.memref_slice %arg6[%dma_wait3A_1134] : memref<1600xi32, #tpu.memory_space<vmem>> -> memref<400xi32, #tpu.memory_space<vmem>>
    %dma_wait3A_1136 = arith.constant 0 : i32
    %dma_wait3A_1137 = arith.constant 0 : i32
    %dma_wait3A_1138 = tpu.memref_slice %arg3[%dma_wait3A_1136, %dma_wait3A_1137] : memref<1000000x32xf32, #tpu.memory_space<hbm>> -> memref<1000000x32xf32, #tpu.memory_space<hbm>>
    tpu.wait_indirect_dma semaphore(%arg12 : memref<!tpu.dma_semaphore, #tpu.memory_space<semaphore_mem>>) src(%dma_wait3A_1138 : memref<1000000x32xf32, #tpu.memory_space<hbm>>) dst(%dma_wait3A_1133 : memref<400x32xf32, #tpu.memory_space<vmem>>)
    %dma_wait3A_1139 = arith.constant 400 : i32
    %dma_wait3A_1140 = arith.constant 0 : i32
    %dma_wait3A_1141 = tpu.memref_slice %arg8[%dma_wait3A_1139, %dma_wait3A_1140] : memref<1600x32xf32, #tpu.memory_space<vmem>> -> memref<400x32xf32, #tpu.memory_space<vmem>>
    %dma_wait3A_1142 = arith.constant 400 : i32
    %dma_wait3A_1143 = tpu.memref_slice %arg6[%dma_wait3A_1142] : memref<1600xi32, #tpu.memory_space<vmem>> -> memref<400xi32, #tpu.memory_space<vmem>>
    %dma_wait3A_1144 = arith.constant 0 : i32
    %dma_wait3A_1145 = arith.constant 0 : i32
    %dma_wait3A_1146 = tpu.memref_slice %arg3[%dma_wait3A_1144, %dma_wait3A_1145] : memref<1000000x32xf32, #tpu.memory_space<hbm>> -> memref<1000000x32xf32, #tpu.memory_space<hbm>>
    tpu.wait_indirect_dma semaphore(%arg12 : memref<!tpu.dma_semaphore, #tpu.memory_space<semaphore_mem>>) src(%dma_wait3A_1146 : memref<1000000x32xf32, #tpu.memory_space<hbm>>) dst(%dma_wait3A_1141 : memref<400x32xf32, #tpu.memory_space<vmem>>)
    %dma_wait3A_1147 = arith.constant 800 : i32
    %dma_wait3A_1148 = arith.constant 0 : i32
    %dma_wait3A_1149 = tpu.memref_slice %arg8[%dma_wait3A_1147, %dma_wait3A_1148] : memref<1600x32xf32, #tpu.memory_space<vmem>> -> memref<400x32xf32, #tpu.memory_space<vmem>>
    %dma_wait3A_1150 = arith.constant 800 : i32
    %dma_wait3A_1151 = tpu.memref_slice %arg6[%dma_wait3A_1150] : memref<1600xi32, #tpu.memory_space<vmem>> -> memref<400xi32, #tpu.memory_space<vmem>>
    %dma_wait3A_1152 = arith.constant 0 : i32
    %dma_wait3A_1153 = arith.constant 0 : i32
    %dma_wait3A_1154 = tpu.memref_slice %arg3[%dma_wait3A_1152, %dma_wait3A_1153] : memref<1000000x32xf32, #tpu.memory_space<hbm>> -> memref<1000000x32xf32, #tpu.memory_space<hbm>>
    tpu.wait_indirect_dma semaphore(%arg12 : memref<!tpu.dma_semaphore, #tpu.memory_space<semaphore_mem>>) src(%dma_wait3A_1154 : memref<1000000x32xf32, #tpu.memory_space<hbm>>) dst(%dma_wait3A_1149 : memref<400x32xf32, #tpu.memory_space<vmem>>)
    %dma_wait3A_1155 = arith.constant 1200 : i32
    %dma_wait3A_1156 = arith.constant 0 : i32
    %dma_wait3A_1157 = tpu.memref_slice %arg8[%dma_wait3A_1155, %dma_wait3A_1156] : memref<1600x32xf32, #tpu.memory_space<vmem>> -> memref<400x32xf32, #tpu.memory_space<vmem>>
    %dma_wait3A_1158 = arith.constant 1200 : i32
    %dma_wait3A_1159 = tpu.memref_slice %arg6[%dma_wait3A_1158] : memref<1600xi32, #tpu.memory_space<vmem>> -> memref<400xi32, #tpu.memory_space<vmem>>
    %dma_wait3A_1160 = arith.constant 0 : i32
    %dma_wait3A_1161 = arith.constant 0 : i32
    %dma_wait3A_1162 = tpu.memref_slice %arg3[%dma_wait3A_1160, %dma_wait3A_1161] : memref<1000000x32xf32, #tpu.memory_space<hbm>> -> memref<1000000x32xf32, #tpu.memory_space<hbm>>
    tpu.wait_indirect_dma semaphore(%arg12 : memref<!tpu.dma_semaphore, #tpu.memory_space<semaphore_mem>>) src(%dma_wait3A_1162 : memref<1000000x32xf32, #tpu.memory_space<hbm>>) dst(%dma_wait3A_1157 : memref<400x32xf32, #tpu.memory_space<vmem>>)
    %add3A_1163 = arith.constant 20800 : i32
    %add3A_1164 = arith.addi %mul3A_2, %add3A_1163 : i32
    %dma_start3A_1165 = arith.constant 0 : i32
    %dma_start3A_1166 = tpu.memref_slice %arg4[%add3A_1164, %dma_start3A_1165] : memref<819200x32xf32, #tpu.memory_space<hbm>> -> memref<1600x32xf32, #tpu.memory_space<hbm>>
    %dma_start3A_1167 = arith.constant 0 : i32
    %dma_start3A_1168 = tpu.memref_slice %arg4[%add3A_1164, %dma_start3A_1167] : memref<819200x32xf32, #tpu.memory_space<hbm>> -> memref<1600x32xf32, #tpu.memory_space<hbm>>
    tpu.enqueue_dma source(%arg8 : memref<1600x32xf32, #tpu.memory_space<vmem>>) target(%dma_start3A_1168 : memref<1600x32xf32, #tpu.memory_space<hbm>>) target_semaphore(%arg14 : memref<!tpu.dma_semaphore, #tpu.memory_space<semaphore_mem>>)
    %add3A_1169 = arith.constant 24000 : i32
    %add3A_1170 = arith.addi %mul3A_2, %add3A_1169 : i32
    %dma_start3A_1171 = tpu.memref_slice %arg2[%add3A_1170] : memref<819200xi32, #tpu.memory_space<hbm>> -> memref<1600xi32, #tpu.memory_space<hbm>>
    %dma_start3A_1172 = tpu.memref_slice %arg2[%add3A_1170] : memref<819200xi32, #tpu.memory_space<hbm>> -> memref<1600xi32, #tpu.memory_space<hbm>>
    tpu.enqueue_dma source(%dma_start3A_1172 : memref<1600xi32, #tpu.memory_space<hbm>>) target(%arg6 : memref<1600xi32, #tpu.memory_space<vmem>>) target_semaphore(%arg10 : memref<!tpu.dma_semaphore, #tpu.memory_space<semaphore_mem>>)
    %add3A_1173 = arith.constant 22400 : i32
    %add3A_1174 = arith.addi %mul3A_2, %add3A_1173 : i32
    %dma_wait3A_1175 = tpu.memref_slice %arg2[%add3A_1174] : memref<819200xi32, #tpu.memory_space<hbm>> -> memref<1600xi32, #tpu.memory_space<hbm>>
    %dma_wait3A_1176 = tpu.memref_slice %arg2[%add3A_1174] : memref<819200xi32, #tpu.memory_space<hbm>> -> memref<1600xi32, #tpu.memory_space<hbm>>
    tpu.wait_dma2 semaphore(%arg9 : memref<!tpu.dma_semaphore, #tpu.memory_space<semaphore_mem>>) src(%dma_wait3A_1176 : memref<1600xi32, #tpu.memory_space<hbm>>) dst(%arg5 : memref<1600xi32, #tpu.memory_space<vmem>>)
    %add3A_1177 = arith.constant 19200 : i32
    %add3A_1178 = arith.addi %mul3A_2, %add3A_1177 : i32
    %dma_wait3A_1179 = arith.constant 0 : i32
    %dma_wait3A_1180 = tpu.memref_slice %arg4[%add3A_1178, %dma_wait3A_1179] : memref<819200x32xf32, #tpu.memory_space<hbm>> -> memref<1600x32xf32, #tpu.memory_space<hbm>>
    %dma_wait3A_1181 = arith.constant 0 : i32
    %dma_wait3A_1182 = tpu.memref_slice %arg4[%add3A_1178, %dma_wait3A_1181] : memref<819200x32xf32, #tpu.memory_space<hbm>> -> memref<1600x32xf32, #tpu.memory_space<hbm>>
    tpu.wait_dma2 semaphore(%arg13 : memref<!tpu.dma_semaphore, #tpu.memory_space<semaphore_mem>>) src(%arg7 : memref<1600x32xf32, #tpu.memory_space<vmem>>) dst(%dma_wait3A_1182 : memref<1600x32xf32, #tpu.memory_space<hbm>>)
    %dma_start3A_1183 = arith.constant 0 : i32
    %dma_start3A_1184 = arith.constant 0 : i32
    %dma_start3A_1185 = tpu.memref_slice %arg7[%dma_start3A_1183, %dma_start3A_1184] : memref<1600x32xf32, #tpu.memory_space<vmem>> -> memref<400x32xf32, #tpu.memory_space<vmem>>
    %dma_start3A_1186 = arith.constant 0 : i32
    %dma_start3A_1187 = tpu.memref_slice %arg5[%dma_start3A_1186] : memref<1600xi32, #tpu.memory_space<vmem>> -> memref<400xi32, #tpu.memory_space<vmem>>
    %dma_start3A_1188 = arith.constant 0 : i32
    %dma_start3A_1189 = arith.constant 0 : i32
    %dma_start3A_1190 = tpu.memref_slice %arg3[%dma_start3A_1188, %dma_start3A_1189] : memref<1000000x32xf32, #tpu.memory_space<hbm>> -> memref<1000000x32xf32, #tpu.memory_space<hbm>>
    tpu.enqueue_indirect_dma source(%dma_start3A_1190 : memref<1000000x32xf32, #tpu.memory_space<hbm>>) target(%dma_start3A_1185 : memref<400x32xf32, #tpu.memory_space<vmem>>) offsets(%dma_start3A_1187 : memref<400xi32, #tpu.memory_space<vmem>>) semaphore(%arg11 : memref<!tpu.dma_semaphore, #tpu.memory_space<semaphore_mem>>)
    %dma_start3A_1191 = arith.constant 400 : i32
    %dma_start3A_1192 = arith.constant 0 : i32
    %dma_start3A_1193 = tpu.memref_slice %arg7[%dma_start3A_1191, %dma_start3A_1192] : memref<1600x32xf32, #tpu.memory_space<vmem>> -> memref<400x32xf32, #tpu.memory_space<vmem>>
    %dma_start3A_1194 = arith.constant 400 : i32
    %dma_start3A_1195 = tpu.memref_slice %arg5[%dma_start3A_1194] : memref<1600xi32, #tpu.memory_space<vmem>> -> memref<400xi32, #tpu.memory_space<vmem>>
    %dma_start3A_1196 = arith.constant 0 : i32
    %dma_start3A_1197 = arith.constant 0 : i32
    %dma_start3A_1198 = tpu.memref_slice %arg3[%dma_start3A_1196, %dma_start3A_1197] : memref<1000000x32xf32, #tpu.memory_space<hbm>> -> memref<1000000x32xf32, #tpu.memory_space<hbm>>
    tpu.enqueue_indirect_dma source(%dma_start3A_1198 : memref<1000000x32xf32, #tpu.memory_space<hbm>>) target(%dma_start3A_1193 : memref<400x32xf32, #tpu.memory_space<vmem>>) offsets(%dma_start3A_1195 : memref<400xi32, #tpu.memory_space<vmem>>) semaphore(%arg11 : memref<!tpu.dma_semaphore, #tpu.memory_space<semaphore_mem>>)
    %dma_start3A_1199 = arith.constant 800 : i32
    %dma_start3A_1200 = arith.constant 0 : i32
    %dma_start3A_1201 = tpu.memref_slice %arg7[%dma_start3A_1199, %dma_start3A_1200] : memref<1600x32xf32, #tpu.memory_space<vmem>> -> memref<400x32xf32, #tpu.memory_space<vmem>>
    %dma_start3A_1202 = arith.constant 800 : i32
    %dma_start3A_1203 = tpu.memref_slice %arg5[%dma_start3A_1202] : memref<1600xi32, #tpu.memory_space<vmem>> -> memref<400xi32, #tpu.memory_space<vmem>>
    %dma_start3A_1204 = arith.constant 0 : i32
    %dma_start3A_1205 = arith.constant 0 : i32
    %dma_start3A_1206 = tpu.memref_slice %arg3[%dma_start3A_1204, %dma_start3A_1205] : memref<1000000x32xf32, #tpu.memory_space<hbm>> -> memref<1000000x32xf32, #tpu.memory_space<hbm>>
    tpu.enqueue_indirect_dma source(%dma_start3A_1206 : memref<1000000x32xf32, #tpu.memory_space<hbm>>) target(%dma_start3A_1201 : memref<400x32xf32, #tpu.memory_space<vmem>>) offsets(%dma_start3A_1203 : memref<400xi32, #tpu.memory_space<vmem>>) semaphore(%arg11 : memref<!tpu.dma_semaphore, #tpu.memory_space<semaphore_mem>>)
    %dma_start3A_1207 = arith.constant 1200 : i32
    %dma_start3A_1208 = arith.constant 0 : i32
    %dma_start3A_1209 = tpu.memref_slice %arg7[%dma_start3A_1207, %dma_start3A_1208] : memref<1600x32xf32, #tpu.memory_space<vmem>> -> memref<400x32xf32, #tpu.memory_space<vmem>>
    %dma_start3A_1210 = arith.constant 1200 : i32
    %dma_start3A_1211 = tpu.memref_slice %arg5[%dma_start3A_1210] : memref<1600xi32, #tpu.memory_space<vmem>> -> memref<400xi32, #tpu.memory_space<vmem>>
    %dma_start3A_1212 = arith.constant 0 : i32
    %dma_start3A_1213 = arith.constant 0 : i32
    %dma_start3A_1214 = tpu.memref_slice %arg3[%dma_start3A_1212, %dma_start3A_1213] : memref<1000000x32xf32, #tpu.memory_space<hbm>> -> memref<1000000x32xf32, #tpu.memory_space<hbm>>
    tpu.enqueue_indirect_dma source(%dma_start3A_1214 : memref<1000000x32xf32, #tpu.memory_space<hbm>>) target(%dma_start3A_1209 : memref<400x32xf32, #tpu.memory_space<vmem>>) offsets(%dma_start3A_1211 : memref<400xi32, #tpu.memory_space<vmem>>) semaphore(%arg11 : memref<!tpu.dma_semaphore, #tpu.memory_space<semaphore_mem>>)
    %dma_wait3A_1215 = arith.constant 0 : i32
    %dma_wait3A_1216 = arith.constant 0 : i32
    %dma_wait3A_1217 = tpu.memref_slice %arg7[%dma_wait3A_1215, %dma_wait3A_1216] : memref<1600x32xf32, #tpu.memory_space<vmem>> -> memref<400x32xf32, #tpu.memory_space<vmem>>
    %dma_wait3A_1218 = arith.constant 0 : i32
    %dma_wait3A_1219 = tpu.memref_slice %arg5[%dma_wait3A_1218] : memref<1600xi32, #tpu.memory_space<vmem>> -> memref<400xi32, #tpu.memory_space<vmem>>
    %dma_wait3A_1220 = arith.constant 0 : i32
    %dma_wait3A_1221 = arith.constant 0 : i32
    %dma_wait3A_1222 = tpu.memref_slice %arg3[%dma_wait3A_1220, %dma_wait3A_1221] : memref<1000000x32xf32, #tpu.memory_space<hbm>> -> memref<1000000x32xf32, #tpu.memory_space<hbm>>
    tpu.wait_indirect_dma semaphore(%arg11 : memref<!tpu.dma_semaphore, #tpu.memory_space<semaphore_mem>>) src(%dma_wait3A_1222 : memref<1000000x32xf32, #tpu.memory_space<hbm>>) dst(%dma_wait3A_1217 : memref<400x32xf32, #tpu.memory_space<vmem>>)
    %dma_wait3A_1223 = arith.constant 400 : i32
    %dma_wait3A_1224 = arith.constant 0 : i32
    %dma_wait3A_1225 = tpu.memref_slice %arg7[%dma_wait3A_1223, %dma_wait3A_1224] : memref<1600x32xf32, #tpu.memory_space<vmem>> -> memref<400x32xf32, #tpu.memory_space<vmem>>
    %dma_wait3A_1226 = arith.constant 400 : i32
    %dma_wait3A_1227 = tpu.memref_slice %arg5[%dma_wait3A_1226] : memref<1600xi32, #tpu.memory_space<vmem>> -> memref<400xi32, #tpu.memory_space<vmem>>
    %dma_wait3A_1228 = arith.constant 0 : i32
    %dma_wait3A_1229 = arith.constant 0 : i32
    %dma_wait3A_1230 = tpu.memref_slice %arg3[%dma_wait3A_1228, %dma_wait3A_1229] : memref<1000000x32xf32, #tpu.memory_space<hbm>> -> memref<1000000x32xf32, #tpu.memory_space<hbm>>
    tpu.wait_indirect_dma semaphore(%arg11 : memref<!tpu.dma_semaphore, #tpu.memory_space<semaphore_mem>>) src(%dma_wait3A_1230 : memref<1000000x32xf32, #tpu.memory_space<hbm>>) dst(%dma_wait3A_1225 : memref<400x32xf32, #tpu.memory_space<vmem>>)
    %dma_wait3A_1231 = arith.constant 800 : i32
    %dma_wait3A_1232 = arith.constant 0 : i32
    %dma_wait3A_1233 = tpu.memref_slice %arg7[%dma_wait3A_1231, %dma_wait3A_1232] : memref<1600x32xf32, #tpu.memory_space<vmem>> -> memref<400x32xf32, #tpu.memory_space<vmem>>
    %dma_wait3A_1234 = arith.constant 800 : i32
    %dma_wait3A_1235 = tpu.memref_slice %arg5[%dma_wait3A_1234] : memref<1600xi32, #tpu.memory_space<vmem>> -> memref<400xi32, #tpu.memory_space<vmem>>
    %dma_wait3A_1236 = arith.constant 0 : i32
    %dma_wait3A_1237 = arith.constant 0 : i32
    %dma_wait3A_1238 = tpu.memref_slice %arg3[%dma_wait3A_1236, %dma_wait3A_1237] : memref<1000000x32xf32, #tpu.memory_space<hbm>> -> memref<1000000x32xf32, #tpu.memory_space<hbm>>
    tpu.wait_indirect_dma semaphore(%arg11 : memref<!tpu.dma_semaphore, #tpu.memory_space<semaphore_mem>>) src(%dma_wait3A_1238 : memref<1000000x32xf32, #tpu.memory_space<hbm>>) dst(%dma_wait3A_1233 : memref<400x32xf32, #tpu.memory_space<vmem>>)
    %dma_wait3A_1239 = arith.constant 1200 : i32
    %dma_wait3A_1240 = arith.constant 0 : i32
    %dma_wait3A_1241 = tpu.memref_slice %arg7[%dma_wait3A_1239, %dma_wait3A_1240] : memref<1600x32xf32, #tpu.memory_space<vmem>> -> memref<400x32xf32, #tpu.memory_space<vmem>>
    %dma_wait3A_1242 = arith.constant 1200 : i32
    %dma_wait3A_1243 = tpu.memref_slice %arg5[%dma_wait3A_1242] : memref<1600xi32, #tpu.memory_space<vmem>> -> memref<400xi32, #tpu.memory_space<vmem>>
    %dma_wait3A_1244 = arith.constant 0 : i32
    %dma_wait3A_1245 = arith.constant 0 : i32
    %dma_wait3A_1246 = tpu.memref_slice %arg3[%dma_wait3A_1244, %dma_wait3A_1245] : memref<1000000x32xf32, #tpu.memory_space<hbm>> -> memref<1000000x32xf32, #tpu.memory_space<hbm>>
    tpu.wait_indirect_dma semaphore(%arg11 : memref<!tpu.dma_semaphore, #tpu.memory_space<semaphore_mem>>) src(%dma_wait3A_1246 : memref<1000000x32xf32, #tpu.memory_space<hbm>>) dst(%dma_wait3A_1241 : memref<400x32xf32, #tpu.memory_space<vmem>>)
    %add3A_1247 = arith.constant 22400 : i32
    %add3A_1248 = arith.addi %mul3A_2, %add3A_1247 : i32
    %dma_start3A_1249 = arith.constant 0 : i32
    %dma_start3A_1250 = tpu.memref_slice %arg4[%add3A_1248, %dma_start3A_1249] : memref<819200x32xf32, #tpu.memory_space<hbm>> -> memref<1600x32xf32, #tpu.memory_space<hbm>>
    %dma_start3A_1251 = arith.constant 0 : i32
    %dma_start3A_1252 = tpu.memref_slice %arg4[%add3A_1248, %dma_start3A_1251] : memref<819200x32xf32, #tpu.memory_space<hbm>> -> memref<1600x32xf32, #tpu.memory_space<hbm>>
    tpu.enqueue_dma source(%arg7 : memref<1600x32xf32, #tpu.memory_space<vmem>>) target(%dma_start3A_1252 : memref<1600x32xf32, #tpu.memory_space<hbm>>) target_semaphore(%arg13 : memref<!tpu.dma_semaphore, #tpu.memory_space<semaphore_mem>>)
    %add3A_1253 = arith.constant 24000 : i32
    %add3A_1254 = arith.addi %mul3A_2, %add3A_1253 : i32
    %dma_wait3A_1255 = tpu.memref_slice %arg2[%add3A_1254] : memref<819200xi32, #tpu.memory_space<hbm>> -> memref<1600xi32, #tpu.memory_space<hbm>>
    %dma_wait3A_1256 = tpu.memref_slice %arg2[%add3A_1254] : memref<819200xi32, #tpu.memory_space<hbm>> -> memref<1600xi32, #tpu.memory_space<hbm>>
    tpu.wait_dma2 semaphore(%arg10 : memref<!tpu.dma_semaphore, #tpu.memory_space<semaphore_mem>>) src(%dma_wait3A_1256 : memref<1600xi32, #tpu.memory_space<hbm>>) dst(%arg6 : memref<1600xi32, #tpu.memory_space<vmem>>)
    %add3A_1257 = arith.constant 20800 : i32
    %add3A_1258 = arith.addi %mul3A_2, %add3A_1257 : i32
    %dma_wait3A_1259 = arith.constant 0 : i32
    %dma_wait3A_1260 = tpu.memref_slice %arg4[%add3A_1258, %dma_wait3A_1259] : memref<819200x32xf32, #tpu.memory_space<hbm>> -> memref<1600x32xf32, #tpu.memory_space<hbm>>
    %dma_wait3A_1261 = arith.constant 0 : i32
    %dma_wait3A_1262 = tpu.memref_slice %arg4[%add3A_1258, %dma_wait3A_1261] : memref<819200x32xf32, #tpu.memory_space<hbm>> -> memref<1600x32xf32, #tpu.memory_space<hbm>>
    tpu.wait_dma2 semaphore(%arg14 : memref<!tpu.dma_semaphore, #tpu.memory_space<semaphore_mem>>) src(%arg8 : memref<1600x32xf32, #tpu.memory_space<vmem>>) dst(%dma_wait3A_1262 : memref<1600x32xf32, #tpu.memory_space<hbm>>)
    %dma_start3A_1263 = arith.constant 0 : i32
    %dma_start3A_1264 = arith.constant 0 : i32
    %dma_start3A_1265 = tpu.memref_slice %arg8[%dma_start3A_1263, %dma_start3A_1264] : memref<1600x32xf32, #tpu.memory_space<vmem>> -> memref<400x32xf32, #tpu.memory_space<vmem>>
    %dma_start3A_1266 = arith.constant 0 : i32
    %dma_start3A_1267 = tpu.memref_slice %arg6[%dma_start3A_1266] : memref<1600xi32, #tpu.memory_space<vmem>> -> memref<400xi32, #tpu.memory_space<vmem>>
    %dma_start3A_1268 = arith.constant 0 : i32
    %dma_start3A_1269 = arith.constant 0 : i32
    %dma_start3A_1270 = tpu.memref_slice %arg3[%dma_start3A_1268, %dma_start3A_1269] : memref<1000000x32xf32, #tpu.memory_space<hbm>> -> memref<1000000x32xf32, #tpu.memory_space<hbm>>
    tpu.enqueue_indirect_dma source(%dma_start3A_1270 : memref<1000000x32xf32, #tpu.memory_space<hbm>>) target(%dma_start3A_1265 : memref<400x32xf32, #tpu.memory_space<vmem>>) offsets(%dma_start3A_1267 : memref<400xi32, #tpu.memory_space<vmem>>) semaphore(%arg12 : memref<!tpu.dma_semaphore, #tpu.memory_space<semaphore_mem>>)
    %dma_start3A_1271 = arith.constant 400 : i32
    %dma_start3A_1272 = arith.constant 0 : i32
    %dma_start3A_1273 = tpu.memref_slice %arg8[%dma_start3A_1271, %dma_start3A_1272] : memref<1600x32xf32, #tpu.memory_space<vmem>> -> memref<400x32xf32, #tpu.memory_space<vmem>>
    %dma_start3A_1274 = arith.constant 400 : i32
    %dma_start3A_1275 = tpu.memref_slice %arg6[%dma_start3A_1274] : memref<1600xi32, #tpu.memory_space<vmem>> -> memref<400xi32, #tpu.memory_space<vmem>>
    %dma_start3A_1276 = arith.constant 0 : i32
    %dma_start3A_1277 = arith.constant 0 : i32
    %dma_start3A_1278 = tpu.memref_slice %arg3[%dma_start3A_1276, %dma_start3A_1277] : memref<1000000x32xf32, #tpu.memory_space<hbm>> -> memref<1000000x32xf32, #tpu.memory_space<hbm>>
    tpu.enqueue_indirect_dma source(%dma_start3A_1278 : memref<1000000x32xf32, #tpu.memory_space<hbm>>) target(%dma_start3A_1273 : memref<400x32xf32, #tpu.memory_space<vmem>>) offsets(%dma_start3A_1275 : memref<400xi32, #tpu.memory_space<vmem>>) semaphore(%arg12 : memref<!tpu.dma_semaphore, #tpu.memory_space<semaphore_mem>>)
    %dma_start3A_1279 = arith.constant 800 : i32
    %dma_start3A_1280 = arith.constant 0 : i32
    %dma_start3A_1281 = tpu.memref_slice %arg8[%dma_start3A_1279, %dma_start3A_1280] : memref<1600x32xf32, #tpu.memory_space<vmem>> -> memref<400x32xf32, #tpu.memory_space<vmem>>
    %dma_start3A_1282 = arith.constant 800 : i32
    %dma_start3A_1283 = tpu.memref_slice %arg6[%dma_start3A_1282] : memref<1600xi32, #tpu.memory_space<vmem>> -> memref<400xi32, #tpu.memory_space<vmem>>
    %dma_start3A_1284 = arith.constant 0 : i32
    %dma_start3A_1285 = arith.constant 0 : i32
    %dma_start3A_1286 = tpu.memref_slice %arg3[%dma_start3A_1284, %dma_start3A_1285] : memref<1000000x32xf32, #tpu.memory_space<hbm>> -> memref<1000000x32xf32, #tpu.memory_space<hbm>>
    tpu.enqueue_indirect_dma source(%dma_start3A_1286 : memref<1000000x32xf32, #tpu.memory_space<hbm>>) target(%dma_start3A_1281 : memref<400x32xf32, #tpu.memory_space<vmem>>) offsets(%dma_start3A_1283 : memref<400xi32, #tpu.memory_space<vmem>>) semaphore(%arg12 : memref<!tpu.dma_semaphore, #tpu.memory_space<semaphore_mem>>)
    %dma_start3A_1287 = arith.constant 1200 : i32
    %dma_start3A_1288 = arith.constant 0 : i32
    %dma_start3A_1289 = tpu.memref_slice %arg8[%dma_start3A_1287, %dma_start3A_1288] : memref<1600x32xf32, #tpu.memory_space<vmem>> -> memref<400x32xf32, #tpu.memory_space<vmem>>
    %dma_start3A_1290 = arith.constant 1200 : i32
    %dma_start3A_1291 = tpu.memref_slice %arg6[%dma_start3A_1290] : memref<1600xi32, #tpu.memory_space<vmem>> -> memref<400xi32, #tpu.memory_space<vmem>>
    %dma_start3A_1292 = arith.constant 0 : i32
    %dma_start3A_1293 = arith.constant 0 : i32
    %dma_start3A_1294 = tpu.memref_slice %arg3[%dma_start3A_1292, %dma_start3A_1293] : memref<1000000x32xf32, #tpu.memory_space<hbm>> -> memref<1000000x32xf32, #tpu.memory_space<hbm>>
    tpu.enqueue_indirect_dma source(%dma_start3A_1294 : memref<1000000x32xf32, #tpu.memory_space<hbm>>) target(%dma_start3A_1289 : memref<400x32xf32, #tpu.memory_space<vmem>>) offsets(%dma_start3A_1291 : memref<400xi32, #tpu.memory_space<vmem>>) semaphore(%arg12 : memref<!tpu.dma_semaphore, #tpu.memory_space<semaphore_mem>>)
    %dma_wait3A_1295 = arith.constant 0 : i32
    %dma_wait3A_1296 = arith.constant 0 : i32
    %dma_wait3A_1297 = tpu.memref_slice %arg8[%dma_wait3A_1295, %dma_wait3A_1296] : memref<1600x32xf32, #tpu.memory_space<vmem>> -> memref<400x32xf32, #tpu.memory_space<vmem>>
    %dma_wait3A_1298 = arith.constant 0 : i32
    %dma_wait3A_1299 = tpu.memref_slice %arg6[%dma_wait3A_1298] : memref<1600xi32, #tpu.memory_space<vmem>> -> memref<400xi32, #tpu.memory_space<vmem>>
    %dma_wait3A_1300 = arith.constant 0 : i32
    %dma_wait3A_1301 = arith.constant 0 : i32
    %dma_wait3A_1302 = tpu.memref_slice %arg3[%dma_wait3A_1300, %dma_wait3A_1301] : memref<1000000x32xf32, #tpu.memory_space<hbm>> -> memref<1000000x32xf32, #tpu.memory_space<hbm>>
    tpu.wait_indirect_dma semaphore(%arg12 : memref<!tpu.dma_semaphore, #tpu.memory_space<semaphore_mem>>) src(%dma_wait3A_1302 : memref<1000000x32xf32, #tpu.memory_space<hbm>>) dst(%dma_wait3A_1297 : memref<400x32xf32, #tpu.memory_space<vmem>>)
    %dma_wait3A_1303 = arith.constant 400 : i32
    %dma_wait3A_1304 = arith.constant 0 : i32
    %dma_wait3A_1305 = tpu.memref_slice %arg8[%dma_wait3A_1303, %dma_wait3A_1304] : memref<1600x32xf32, #tpu.memory_space<vmem>> -> memref<400x32xf32, #tpu.memory_space<vmem>>
    %dma_wait3A_1306 = arith.constant 400 : i32
    %dma_wait3A_1307 = tpu.memref_slice %arg6[%dma_wait3A_1306] : memref<1600xi32, #tpu.memory_space<vmem>> -> memref<400xi32, #tpu.memory_space<vmem>>
    %dma_wait3A_1308 = arith.constant 0 : i32
    %dma_wait3A_1309 = arith.constant 0 : i32
    %dma_wait3A_1310 = tpu.memref_slice %arg3[%dma_wait3A_1308, %dma_wait3A_1309] : memref<1000000x32xf32, #tpu.memory_space<hbm>> -> memref<1000000x32xf32, #tpu.memory_space<hbm>>
    tpu.wait_indirect_dma semaphore(%arg12 : memref<!tpu.dma_semaphore, #tpu.memory_space<semaphore_mem>>) src(%dma_wait3A_1310 : memref<1000000x32xf32, #tpu.memory_space<hbm>>) dst(%dma_wait3A_1305 : memref<400x32xf32, #tpu.memory_space<vmem>>)
    %dma_wait3A_1311 = arith.constant 800 : i32
    %dma_wait3A_1312 = arith.constant 0 : i32
    %dma_wait3A_1313 = tpu.memref_slice %arg8[%dma_wait3A_1311, %dma_wait3A_1312] : memref<1600x32xf32, #tpu.memory_space<vmem>> -> memref<400x32xf32, #tpu.memory_space<vmem>>
    %dma_wait3A_1314 = arith.constant 800 : i32
    %dma_wait3A_1315 = tpu.memref_slice %arg6[%dma_wait3A_1314] : memref<1600xi32, #tpu.memory_space<vmem>> -> memref<400xi32, #tpu.memory_space<vmem>>
    %dma_wait3A_1316 = arith.constant 0 : i32
    %dma_wait3A_1317 = arith.constant 0 : i32
    %dma_wait3A_1318 = tpu.memref_slice %arg3[%dma_wait3A_1316, %dma_wait3A_1317] : memref<1000000x32xf32, #tpu.memory_space<hbm>> -> memref<1000000x32xf32, #tpu.memory_space<hbm>>
    tpu.wait_indirect_dma semaphore(%arg12 : memref<!tpu.dma_semaphore, #tpu.memory_space<semaphore_mem>>) src(%dma_wait3A_1318 : memref<1000000x32xf32, #tpu.memory_space<hbm>>) dst(%dma_wait3A_1313 : memref<400x32xf32, #tpu.memory_space<vmem>>)
    %dma_wait3A_1319 = arith.constant 1200 : i32
    %dma_wait3A_1320 = arith.constant 0 : i32
    %dma_wait3A_1321 = tpu.memref_slice %arg8[%dma_wait3A_1319, %dma_wait3A_1320] : memref<1600x32xf32, #tpu.memory_space<vmem>> -> memref<400x32xf32, #tpu.memory_space<vmem>>
    %dma_wait3A_1322 = arith.constant 1200 : i32
    %dma_wait3A_1323 = tpu.memref_slice %arg6[%dma_wait3A_1322] : memref<1600xi32, #tpu.memory_space<vmem>> -> memref<400xi32, #tpu.memory_space<vmem>>
    %dma_wait3A_1324 = arith.constant 0 : i32
    %dma_wait3A_1325 = arith.constant 0 : i32
    %dma_wait3A_1326 = tpu.memref_slice %arg3[%dma_wait3A_1324, %dma_wait3A_1325] : memref<1000000x32xf32, #tpu.memory_space<hbm>> -> memref<1000000x32xf32, #tpu.memory_space<hbm>>
    tpu.wait_indirect_dma semaphore(%arg12 : memref<!tpu.dma_semaphore, #tpu.memory_space<semaphore_mem>>) src(%dma_wait3A_1326 : memref<1000000x32xf32, #tpu.memory_space<hbm>>) dst(%dma_wait3A_1321 : memref<400x32xf32, #tpu.memory_space<vmem>>)
    %add3A_1327 = arith.constant 24000 : i32
    %add3A_1328 = arith.addi %mul3A_2, %add3A_1327 : i32
    %dma_start3A_1329 = arith.constant 0 : i32
    %dma_start3A_1330 = tpu.memref_slice %arg4[%add3A_1328, %dma_start3A_1329] : memref<819200x32xf32, #tpu.memory_space<hbm>> -> memref<1600x32xf32, #tpu.memory_space<hbm>>
    %dma_start3A_1331 = arith.constant 0 : i32
    %dma_start3A_1332 = tpu.memref_slice %arg4[%add3A_1328, %dma_start3A_1331] : memref<819200x32xf32, #tpu.memory_space<hbm>> -> memref<1600x32xf32, #tpu.memory_space<hbm>>
    tpu.enqueue_dma source(%arg8 : memref<1600x32xf32, #tpu.memory_space<vmem>>) target(%dma_start3A_1332 : memref<1600x32xf32, #tpu.memory_space<hbm>>) target_semaphore(%arg14 : memref<!tpu.dma_semaphore, #tpu.memory_space<semaphore_mem>>)
    %add3A_1333 = arith.constant 22400 : i32
    %add3A_1334 = arith.addi %mul3A_2, %add3A_1333 : i32
    %dma_wait3A_1335 = arith.constant 0 : i32
    %dma_wait3A_1336 = tpu.memref_slice %arg4[%add3A_1334, %dma_wait3A_1335] : memref<819200x32xf32, #tpu.memory_space<hbm>> -> memref<1600x32xf32, #tpu.memory_space<hbm>>
    %dma_wait3A_1337 = arith.constant 0 : i32
    %dma_wait3A_1338 = tpu.memref_slice %arg4[%add3A_1334, %dma_wait3A_1337] : memref<819200x32xf32, #tpu.memory_space<hbm>> -> memref<1600x32xf32, #tpu.memory_space<hbm>>
    tpu.wait_dma2 semaphore(%arg13 : memref<!tpu.dma_semaphore, #tpu.memory_space<semaphore_mem>>) src(%arg7 : memref<1600x32xf32, #tpu.memory_space<vmem>>) dst(%dma_wait3A_1338 : memref<1600x32xf32, #tpu.memory_space<hbm>>)
    %add3A_1339 = arith.constant 24000 : i32
    %add3A_1340 = arith.addi %mul3A_2, %add3A_1339 : i32
    %dma_wait3A_1341 = arith.constant 0 : i32
    %dma_wait3A_1342 = tpu.memref_slice %arg4[%add3A_1340, %dma_wait3A_1341] : memref<819200x32xf32, #tpu.memory_space<hbm>> -> memref<1600x32xf32, #tpu.memory_space<hbm>>
    %dma_wait3A_1343 = arith.constant 0 : i32
    %dma_wait3A_1344 = tpu.memref_slice %arg4[%add3A_1340, %dma_wait3A_1343] : memref<819200x32xf32, #tpu.memory_space<hbm>> -> memref<1600x32xf32, #tpu.memory_space<hbm>>
    tpu.wait_dma2 semaphore(%arg14 : memref<!tpu.dma_semaphore, #tpu.memory_space<semaphore_mem>>) src(%arg8 : memref<1600x32xf32, #tpu.memory_space<vmem>>) dst(%dma_wait3A_1344 : memref<1600x32xf32, #tpu.memory_space<hbm>>)
    return
  }
}

</mosaic_0001>

<sc_bundles>
// kernel: _sc_gather.3.cloned.1.call-start
scs
__scs_entry_jumppad:
0x0: {  	(pc) =	sbr.rel $0x88, $3  }
0x1: {  	(tag) =	ssettag $0x0;
	lr =	simm.s32 $0x1  }
0x2: {  	[smem:$0x3F9F] =	sst lr;
	_ =	strace $0xD0000000  }
0x3: {  	_ = 	snop  }
0x4: {  	_ = 	snop  }
0x5: {  	_ = 	snop  }
0x6: {  	_ = 	snop  }
0x7: {  	_ = 	snop  }
__scs_overlays_trampoline_lowered:
0x8: {  	[smem:$0x3FAE] =	sst s0  }
0x9: {  	[smem:$0x3FAF] =	sst s1  }
0xa: {  	[smem:$0x3FB0] =	sst s2  }
0xb: {  	[smem:$0x3FB1] =	sst s3  }
0xc: {  	[smem:$0x3FB2] =	sst s4  }
0xd: {  	[smem:$0x3FB3] =	sst s5  }
0xe: {  	[smem:$0x3FB4] =	sst s6  }
0xf: {  	[smem:$0x3FB5] =	sst s7  }
0x10: {  	[smem:$0x3FB6] =	sst s8  }
0x11: {  	[smem:$0x3FB7] =	sst s9;
	s0 =	simm.s32 @!p0 $0x0  }
0x12: {  	s1 =	sld [smem:$0x3F9D];
	s0 =	simm.s32 @p0 $0x1  }
0x13: {  	[smem:$0x3FB8] =	sst s0;
	s0 =	simm.s32 @!p1 $0x0  }
0x14: {  	s2 =	sld [smem:$0x3F9C];
	s0 =	simm.s32 @p1 $0x1  }
0x15: {  	[smem:$0x3FB9] =	sst s0;
	s0 =	simm.s32 @!p2 $0x0  }
0x16: {  	s3 =	sld [smem:$0x3FDB];
	s0 =	simm.s32 @p2 $0x1  }
0x17: {  	s4 =	simm.s32 $0x1BF5;
	[smem:$0x3FBB] =	sst s0  }
0x18: {  	s0 =	sld [smem:$0x3F9E];
	_ =	swait.ge [sflag:s4], $0x0  }
0x19: {  	s7 =	sld [smem:$0x3F9F]  }
0x1a: {  	s8 =	sadd.s32 $0xFFFFE003, lr  }
0x1b: {  	s9 =	sadd.s32 $0xFFFFFEF7, lr;
	s5 =	simm.s32 $0xFFFFFFFF;
	p2 =	slt.u32 s8, $0xFFFFF086  }
0x1c: {  	p1 =	slt.u32 s9, $0xF7A;
	s5 =	simm.s32 @!p2 $0x0  }
0x1d: {  	s5 =	simm.s32 @p1 $0x1;
	p0 =	seq.s32 s7, s2  }
0x1e: {  	s7 =	smul.u32 @!p0 $0xF7A, s2;
	p2 =	seq.s32 @!p0 s5, $0x0  }
0x1f: {  	s9 =	smul.u32 $0xF7A, s1;
	s8 =	simm.s32 @!p0 $0x1BF5;
	p2 =	por !p2, p0  }
0x20: {  	[sflag:s8] =	ssyncset.s32 @!p0 $0xFFFFF086;
	s6 =	sadd.s32 @!p0 s3, s7;
	s7 =	simm.s32 @!p0 $0x108  }
0x21: {  	s3 =	sadd.s32 s3, s9;
	s6 =	sadd.s32 @!p0 $0x88, s6;
	s7 =	simm.s32 @p2 $0x1082  }
0x22: {  	[simem:s7], [sflag:s8] =	dma.local @!p0 [hbm:s6], $0xF7A  }
0x23: {  	s9 =	sor.u32 $0xD0000000, s2;
	s6 =	simm.s32 $0x108;
	_ =	swait.ge @!p0 [sflag:s8], $0x0  }
0x24: {  	s3 =	sadd.s32 $0x88, s3;
	s6 =	simm.s32 @!p1 $0x1082;
	[sflag:s4] =	ssyncset.s32 $0xFFFFF086  }
0x25: {  	[simem:s6], [sflag:s4] =	dma.local [hbm:s3], $0xF7A  }
0x26: {  	[smem:$0x3F9F] =	sst s1;
	(tag) =	ssettag s2;
	_ =	strace s9  }
0x27: {  	s1 =	sld [smem:$0x3FAF]  }
0x28: {  	s2 =	sld [smem:$0x3FB0]  }
0x29: {  	s4 =	sld [smem:$0x3FB2]  }
0x2a: {  	p0 =	seq.s32 s5, $0x0;
	s5 =	sld [smem:$0x3FB3]  }
0x2b: {  	s6 =	sld [smem:$0x3FB4]  }
0x2c: {  	s7 =	sld [smem:$0x3FB5]  }
0x2d: {  	s3 =	simm.s32 $0x108;
	s8 =	sld [smem:$0x3FB6]  }
0x2e: {  	s3 =	simm.s32 @!p0 $0x1082;
	s9 =	sld [smem:$0x3FB7]  }
0x2f: {  	lr =	sadd.s32 s0, s3;
	s0 =	sld [smem:$0x3FAE]  }
0x30: {  	s3 =	sld [smem:$0x3FB1]  }
0x31: {  	[smem:$0x3FBA] =	sst s10  }
0x32: {  	s10 =	sld [smem:$0x3FB8];
	_ =	sdelay $0x3  }
0x33: {  	p0 =	seq.s32 s10, $0x1;
	s10 =	sld [smem:$0x3FBA];
	_ =	sdelay $0x3  }
0x34: {  	[smem:$0x3FBA] =	sst s10  }
0x35: {  	s10 =	sld [smem:$0x3FB9];
	_ =	sdelay $0x3  }
0x36: {  	p1 =	seq.s32 s10, $0x1;
	s10 =	sld [smem:$0x3FBA];
	_ =	sdelay $0x3  }
0x37: {  	[smem:$0x3FBA] =	sst s10  }
0x38: {  	s10 =	sld [smem:$0x3FBB]  }
0x39: {  	_ = 	snop;
	(pc) =	sbr.ind lr, $3  }
0x3a: {  	_ = 	snop  }
0x3b: {  	_ = 	snop  }
0x3c: {  	p2 =	seq.s32 s10, $0x1;
	s10 =	sld [smem:$0x3FBA]  }
0x3d: {  	_ =	shalt  }
0x3e: {  	_ =	shalt  }
0x3f: {  	_ =	shalt  }
0x40: {  	_ =	shalt  }
0x41: {  	_ =	shalt  }
0x42: {  	_ =	shalt  }
0x43: {  	_ =	shalt  }
0x44: {  	_ =	shalt  }
0x45: {  	_ =	shalt  }
0x46: {  	_ =	shalt  }
0x47: {  	_ =	shalt  }
0x48: {  	_ =	shalt  }
0x49: {  	_ =	shalt  }
0x4a: {  	_ =	shalt  }
0x4b: {  	_ =	shalt  }
0x4c: {  	_ =	shalt  }
0x4d: {  	_ =	shalt  }
0x4e: {  	_ =	shalt  }
0x4f: {  	_ =	shalt  }
0x50: {  	_ =	shalt  }
0x51: {  	_ =	shalt  }
0x52: {  	_ =	shalt  }
0x53: {  	_ =	shalt  }
0x54: {  	_ =	shalt  }
0x55: {  	_ =	shalt  }
0x56: {  	_ =	shalt  }
0x57: {  	_ =	shalt  }
0x58: {  	_ =	shalt  }
0x59: {  	_ =	shalt  }
0x5a: {  	_ =	shalt  }
0x5b: {  	_ =	shalt  }
0x5c: {  	_ =	shalt  }
0x5d: {  	_ =	shalt  }
0x5e: {  	_ =	shalt  }
0x5f: {  	_ =	shalt  }
0x60: {  	_ =	shalt  }
0x61: {  	_ =	shalt  }
0x62: {  	_ =	shalt  }
0x63: {  	_ =	shalt  }
0x64: {  	_ =	shalt  }
0x65: {  	_ =	shalt  }
0x66: {  	_ =	shalt  }
0x67: {  	_ =	shalt  }
0x68: {  	_ =	shalt  }
0x69: {  	_ =	shalt  }
0x6a: {  	_ =	shalt  }
0x6b: {  	_ =	shalt  }
0x6c: {  	_ =	shalt  }
0x6d: {  	_ =	shalt  }
0x6e: {  	_ =	shalt  }
0x6f: {  	_ =	shalt  }
0x70: {  	_ =	shalt  }
0x71: {  	_ =	shalt  }
0x72: {  	_ =	shalt  }
0x73: {  	_ =	shalt  }
0x74: {  	_ =	shalt  }
0x75: {  	_ =	shalt  }
0x76: {  	_ =	shalt  }
0x77: {  	_ =	shalt  }
0x78: {  	_ =	shalt  }
0x79: {  	_ =	shalt  }
0x7a: {  	_ =	shalt  }
0x7b: {  	_ =	shalt  }
0x7c: {  	_ =	shalt  }
0x7d: {  	_ =	shalt  }
0x7e: {  	_ =	shalt  }
0x7f: {  	_ =	shalt  }
0x80: {  	_ =	shalt  }
0x81: {  	_ =	shalt  }
0x82: {  	_ =	shalt  }
0x83: {  	_ =	shalt  }
0x84: {  	_ =	shalt  }
0x85: {  	_ =	shalt  }
0x86: {  	_ =	shalt  }
0x87: {  	_ =	shalt  }
.Lfunc_end0:
.L_simem_size_0:
called_computation.1_lowered:
.L_overlay_start_0:
0x88: {  	s2 =	sld [smem:$0x3FD9]  }
0x89: {  	s3 =	sld [smem:$0x3FFE];
	_ =	sdelay $0x1  }
0x8a: {  	s1 =	srdreg.scid  }
0x8b: {  	s0 =	sand.u32 $0x1, s1  }
0x8c: {  	s17 =	sshll.u32 s0, $0xA;
	s2 =	sadd.s32 s3, s2  }
0x8d: {  	s2 =	sadd.s32 s2, s17  }
0x8e: {  	[smem:$0x3FC6] =	sst s2  }
0x8f: {  	_ = 	snop  }
0x90: {  	s2 =	sld [smem:$0x3FC9]  }
0x91: {  	s18 =	sld [smem:$0x3FD0];
	(tm) =	ssettm $0x1  }
0x92: {  	s4 =	sld [smem:$0x3FFB];
	_ =	sdelay $0x3  }
0x93: {  	_ =	strace s4  }
0x94: {  	s4 =	sld [smem:$0x3FFC];
	_ =	sdelay $0x3  }
0x95: {  	_ =	strace s4  }
0x96: {  	s4 =	sld [smem:$0x3FFD];
	_ =	sdelay $0x3  }
0x97: {  	_ =	strace s4  }
0x98: {  	_ =	strace $0x8FFFFFFF  }
0x99: {  	s19 =	sld [smem:$0x3FDB];
	_ =	sdelay $0x1  }
0x9a: {  	s5 =	simm.s32 $_scs_section_size  }
0x9b: {  	s6 =	simm.s32 $_size__tile_overlayer_lowered;
	s7 =	simm.s32 $_tile_overlayer_lowered  }
0x9c: {  	s22 =	simm.s32 $0x1BFF;
	s21 =	sshll.u32 s7, $0x1;
	s4 =	sadd.s32 s5, s19  }
0x9d: {  	s8 =	simm.s32 $0x0;
	s20 =	sshll.u32 s6, $0x1;
	s6 =	sadd.s32 s21, s4  }
0x9e: {  	[timem:s8], [sflag:s22] =	dma.local [hbm:s6], s20  }
0x9f: {  	_ =	swait.ge [sflag:s22], s20  }
0xa0: {  	s5 =	ssub.s32 $0x0, s20;
	[sflag:s22] =	ssyncset.done $0x0  }
0xa1: {  	[sflag:s22] =	ssyncadd.s32 s5;
	_ =	sdelay $0x1  }
0xa2: {  	s23 =	simm.s32 $0x1B8B  }
0xa3: {  	_ =	swait.ge [sflag:s23], $0x1  }
0xa4: {  	[sflag:s23] =	ssyncset.done $0x0  }
0xa5: {  	s25 =	simm.s32 $0x1B8E;
	s24 =	sld [smem:$0x3FFE];
	[sflag:s23] =	ssyncadd.s32 $0xFFFFFFFF  }
0xa6: {  	s26 =	simm.s32 $execute0_lowered;
	[smem:$0x3FD2] =	sst s25  }
0xa7: {  	s6 =	sshll.u32 s26, $0x1;
	_ =	strace $0x80000046;
	[dreg:$0x1] =	wrdreg $0xFFFFFFFF  }
0xa8: {  	s28 =	simm.s32 $_size_execute0_lowered;
	s4 =	sadd.s32 s4, s6;
	[dreg:$0x0] =	wrdreg $0x0  }
0xa9: {  	s6 =	sshll.u32 s28, $0x1;
	[dreg:$0x2] =	wrdreg s4  }
0xaa: {  	[dreg:$0x3] =	wrdreg s6  }
0xab: {  	[dreg:$0x4] =	wrdreg $0xC0  }
0xac: {  	_ =	task [dreg:s8], $0x5FFFF  }
0xad: {  	[dreg:$0x1] =	wrdreg $0xFFFFFFFF  }
0xae: {  	[dreg:$0x0] =	wrdreg $0x60  }
0xaf: {  	[dreg:$0x2] =	wrdreg s2  }
0xb0: {  	[dreg:$0x3] =	wrdreg s24  }
0xb1: {  	[dreg:$0x4] =	wrdreg s18  }
0xb2: {  	[dreg:$0x5] =	wrdreg $0x9  }
0xb3: {  	_ =	task.clear_ibuf [dreg:s8], $0x6FFFF;
	_ =	strace $0x90000046  }
0xb4: {  	s29 =	simm.s32 $0x9;
	_ =	strace $0x80000048  }
0xb5: {  	_ =	swait.ge [sflag:s29], $0x1  }
0xb6: {  	[sflag:s29] =	ssyncadd.s32 $0xFFFFFFFF  }
0xb7: {  	_ =	strace $0x90000048  }
0xb8: {  	_ =	sfence  }
0xb9: {  	s30 =	sld [smem:$0x0];
	_ =	sdelay $0x2  }
0xba: {  	s31 =	sshll.u32 s1, $0xD;
	s1 =	sshrl.u32 s1, $0x2  }
0xbb: {  	s3 =	sand.u32 $0x4000, s31;
	s1 =	sadd.s32 s1, s30  }
0xbc: {  	s0 =	sor.u32 s3, s0;
	s1 =	sshll.u32 s1, $0x11  }
0xbd: {  	s0 =	sor.u32 s1, s0  }
0xbe: {  	s0 =	sadd.s32 $0x8F2B, s0  }
0xbf: {  	[sflag:s0] =	ssyncadd.remote.s32 $0x1  }
0xc0: {  	_ =	sfence.sel $0xFFFF  }
0xc1: {  	[dreg:$0x0] =	wrdreg $0xFFFFFFFF;
	(pc) =	sbr.abs _section_cstart, $3  }
0xc2: {  	[dreg:$0x1] =	wrdreg $0xFFFFFFFF  }
0xc3: {  	_ =	task.clear_ibuf [dreg:s8], $0x2FFFF;
	_ =	strace $0x9FFFFFFF  }
0xc4: {  	(tm) =	ssettm $0x7FFFFFFF  }
0xc5: {  	_ =	shalt  }
tec
execute0_lowered:
.L_overlay_start_1:
0x0: {  	(tag) =	ssettag $0x1  }
0x1: {  	s1 =	rddreg [dreg:$0x0];
	s0 =	srdreg.scid  }
0x2: {  	s2 =	stileid.u32;
	s3 =	rddreg [dreg:$0x1]  }
0x3: {  	s11 =	rddreg [dreg:$0x2];
	s6 =	sand.u32 $0x1, s0;
	s20 =	sshll.u32 s2, $0x1  }
0x4: {  	s28 =	simm.s32 $0x1;
	s29 =	simm.s32 $0xA280;
	s0 =	sor.u32 s6, s20  }
0x5: {  	p0 =	por $0x0, $0x0;
	s2 =	simm.s32 $0x0;
	s5 =	smul.u32 $0x6400, s0  }
0x6: {  	s3 =	sadd.s32 $0xF42C00, s3;
	[smem:$0x7FF] =	sst s2;
	s0 =	smul.u32 $0x19000, s0  }
0x7: {  	s6 =	ssub.s32 $0x2, s6;
	_ =	strace $0x80000047;
	s7 =	sshrl.u32 s5, $0x3  }
0x8: {  	s8 =	sadd.s32 $0x640, s5;
	s22 =	sadd.s32 $0xC80, s5;
	s0 =	sadd.s32 s11, s0  }
0x9: {  	s4 =	sadd.s32 $0x12C0, s5;
	s10 =	sadd.s32 $0x1900, s5;
	s16 =	sadd.s32 $0x1F40, s5  }
0xa: {  	s19 =	sadd.s32 $0x2580, s5;
	s7 =	sadd.s32 s1, s7;
	s9 =	sshrl.u32 s8, $0x3  }
0xb: {  	s23 =	sshrl.u32 s22, $0x3;
	[dreg:$0x6] =	wrdreg s0;
	s25 =	sshll.u32 s8, $0x2  }
0xc: {  	s8 =	sshrl.u32 s4, $0x3;
	s13 =	sshrl.u32 s10, $0x3;
	s17 =	sshrl.u32 s16, $0x3  }
0xd: {  	s18 =	sshll.u32 s10, $0x2;
	[dreg:$0x4] =	wrdreg s7;
	s21 =	sadd.s32 s1, s9  }
0xe: {  	s24 =	sadd.s32 s1, s23;
	s26 =	sadd.s32 s11, s25;
	[dreg:$0x5] =	wrdreg s21  }
0xf: {  	s0 =	sadd.s32 s1, s8;
	s9 =	sshll.u32 s22, $0x2;
	[dreg:$0x7] =	wrdreg s24  }
0x10: {  	s14 =	sadd.s32 s1, s13;
	s7 =	sshll.u32 s4, $0x2;
	[dreg:$0x8] =	wrdreg s26  }
0x11: {  	s20 =	sadd.s32 s11, s18;
	s4 =	sadd.s32 $0x3200, s5;
	[dreg:$0x9] =	wrdreg s0  }
0x12: {  	s12 =	sadd.s32 s11, s9;
	[dreg:$0xb] =	wrdreg s14;
	s15 =	sadd.s32 s11, s7  }
0x13: {  	s0 =	sadd.s32 s1, s17;
	s21 =	sshrl.u32 s19, $0x3;
	[dreg:$0xe] =	wrdreg s20  }
0x14: {  	s7 =	sshll.u32 s16, $0x2;
	s24 =	sadd.s32 $0x2BC0, s5;
	s26 =	sshll.u32 s19, $0x2  }
0x15: {  	s10 =	sshrl.u32 s4, $0x3;
	s14 =	sadd.s32 $0x3840, s5;
	[dreg:$0xa] =	wrdreg s12  }
0x16: {  	s16 =	sshll.u32 s4, $0x2;
	s17 =	sadd.s32 $0x3E80, s5;
	[dreg:$0xc] =	wrdreg s15  }
0x17: {  	[dreg:$0xd] =	wrdreg s0;
	s22 =	sadd.s32 s1, s21;
	s23 =	sadd.s32 s11, s7  }
0x18: {  	s25 =	sshrl.u32 s24, $0x3;
	s8 =	sadd.s32 s11, s26;
	s12 =	sadd.s32 s1, s10  }
0x19: {  	s7 =	sshll.u32 s24, $0x2;
	s15 =	sshrl.u32 s14, $0x3;
	[dreg:$0xf] =	wrdreg s22  }
0x1a: {  	s18 =	sadd.s32 s11, s16;
	s19 =	sshrl.u32 s17, $0x3;
	[dreg:$0x10] =	wrdreg s23  }
0x1b: {  	s9 =	sshll.u32 s17, $0x2;
	s10 =	sadd.s32 $0x4B00, s5;
	[dreg:$0x12] =	wrdreg s8  }
0x1c: {  	s0 =	sadd.s32 s1, s25;
	[dreg:$0x13] =	wrdreg s12;
	s13 =	sadd.s32 s11, s7  }
0x1d: {  	[dreg:$0x16] =	wrdreg s18;
	s20 =	sadd.s32 s1, s19;
	s7 =	sshll.u32 s14, $0x2  }
0x1e: {  	s22 =	sadd.s32 $0x44C0, s5;
	s23 =	sshrl.u32 s6, $0x1;
	s25 =	sadd.s32 s11, s9  }
0x1f: {  	s26 =	sshrl.u32 s10, $0x3;
	s9 =	sadd.s32 $0x5140, s5;
	[dreg:$0x11] =	wrdreg s0  }
0x20: {  	s14 =	sadd.s32 $0x5780, s5;
	s5 =	sadd.s32 $0x5DC0, s5;
	[dreg:$0x14] =	wrdreg s13  }
0x21: {  	s0 =	sadd.s32 s1, s15;
	[dreg:$0x17] =	wrdreg s20;
	s21 =	sadd.s32 s11, s7  }
0x22: {  	s24 =	sshrl.u32 s22, $0x3;
	[dreg:$0x1a] =	wrdreg s25;
	s4 =	sadd.s32 s1, s26  }
0x23: {  	s7 =	sshll.u32 s22, $0x2;
	s6 =	ssub.s32 s6, s23;
	s12 =	sshrl.u32 s9, $0x3  }
0x24: {  	s13 =	sshll.u32 s10, $0x2;
	s15 =	sshrl.u32 s14, $0x3;
	s16 =	sshll.u32 s9, $0x2  }
0x25: {  	s17 =	sshrl.u32 s5, $0x3;
	s18 =	sshll.u32 s14, $0x2;
	s19 =	sshll.u32 s5, $0x2  }
0x26: {  	s23 =	simm.s32 $0x3E80;
	s25 =	simm.s32 $0x7080;
	s26 =	simm.s32 $0x4B0  }
0x27: {  	s5 =	simm.s32 $0xD480;
	s14 =	simm.s32 $0x10680;
	[dreg:$0x15] =	wrdreg s0  }
0x28: {  	s10 =	simm.s32 $0x5;
	s9 =	simm.s32 $0x6;
	[dreg:$0x18] =	wrdreg s21  }
0x29: {  	s0 =	sadd.s32 s1, s24;
	[dreg:$0x1b] =	wrdreg s4;
	s7 =	sadd.s32 s11, s7  }
0x2a: {  	s8 =	sadd.s32 s11, s13;
	s30 =	sadd.s32 s1, s15;
	s21 =	sadd.s32 s11, s16  }
0x2b: {  	s22 =	sadd.s32 s1, s17;
	s4 =	sadd.s32 s11, s18;
	s31 =	sadd.s32 s11, s19  }
0x2c: {  	s20 =	smax.u32 s6, $0x1;
	s6 =	simm.s32 $0x190;
	s24 =	simm.s32 $0x320  }
0x2d: {  	s19 =	simm.s32 $0x3;
	s16 =	simm.s32 $0x2;
	p1 =	sne.s32 s20, $0x1  }
.Ltmp0:
0x2e: {  	s13 =	simm.s32 $0x7D0;
	s15 =	simm.s32 $0x960;
	(pc) =	sbr.rel @!p1 .LBB2_4-.Ltmp0, $4  }
0x2f: {  	s17 =	simm.s32 $0x13880;
	s18 =	simm.s32 $0xAF0;
	[dreg:$0x19] =	wrdreg s0  }
0x30: {  	s11 =	simm.s32 $0x4;
	[dreg:$0x1c] =	wrdreg s7;
	s0 =	sadd.s32 s1, s12  }
0x31: {  	s7 =	simm.s32 $0x640;
	s12 =	simm.s32 $0xC80;
	[dreg:$0x1d] =	wrdreg s0  }
0x32: {  	s1 =	sadd.s32 $0xFFFFFFFF, s20;
	s20 =	simm.s32 $0x16A80;
	s0 =	rddreg [dreg:$0x4]  }
0x33: {  	[smem:$0x7FD] =	sst s1  }
0x34: {  	[tilespmem:s2], [sflag:$0x1] =	stream.linear.gather [hbm4b:s0+s2], $0x640, $0x38;
	[tilespmem:$0x19C80] =	vst v63  }
0x35: {  	s1 =	rddreg [dreg:$0x5]  }
0x36: {  	[tilespmem:s7], [sflag:$0x2] =	stream.linear.gather [hbm4b:s1+s2], $0x640, $0x38;
	[tilespmem:$0x19C80] =	vst v63  }
0x37: {  	_ =	swait.ge [sflag:s28], $0x640  }
0x38: {  	[sflag:s28] =	ssyncset.done $0x0  }
0x39: {  	[sflag:s28] =	ssyncadd.s32 $0xFFFFF9C0  }
0x3a: {  	[tilespmem:s12], [sflag:$0x3] =	stream.indirect.gather [hbm4b:s3+s6], $0x20, s2, s6, $0xb8;
	[tilespmem:$0x19C80] =	vst v63  }
0x3b: {  	_ = 	snop  }
0x3c: {  	[tilespmem:s23], [sflag:$0x3] =	stream.indirect.gather [hbm4b:s3+s6], $0x20, s6, s6, $0xb8;
	[tilespmem:$0x19C80] =	vst v63  }
0x3d: {  	_ = 	snop  }
0x3e: {  	[tilespmem:s25], [sflag:$0x3] =	stream.indirect.gather [hbm4b:s3+s6], $0x20, s24, s6, $0xb8;
	[tilespmem:$0x19C80] =	vst v63  }
0x3f: {  	_ = 	snop  }
0x40: {  	[tilespmem:s29], [sflag:$0x3] =	stream.indirect.gather [hbm4b:s3+s6], $0x20, s26, s6, $0xb8;
	[tilespmem:$0x19C80] =	vst v63  }
0x41: {  	_ =	swait.ge [sflag:s19], $0x3200  }
0x42: {  	[sflag:s19] =	ssyncset.done $0x0  }
0x43: {  	[sflag:s19] =	ssyncadd.s32 $0xFFFFCE00  }
0x44: {  	_ =	swait.ge [sflag:s19], $0x3200  }
0x45: {  	[sflag:s19] =	ssyncset.done $0x0  }
0x46: {  	[sflag:s19] =	ssyncadd.s32 $0xFFFFCE00  }
0x47: {  	_ =	swait.ge [sflag:s19], $0x3200  }
0x48: {  	[sflag:s19] =	ssyncset.done $0x0  }
0x49: {  	[sflag:s19] =	ssyncadd.s32 $0xFFFFCE00  }
0x4a: {  	_ =	swait.ge [sflag:s19], $0x3200  }
0x4b: {  	[sflag:s19] =	ssyncset.done $0x0  }
0x4c: {  	s0 =	rddreg [dreg:$0x6];
	[sflag:s19] =	ssyncadd.s32 $0xFFFFCE00  }
0x4d: {  	[hbm4b:s0+s2] =	stream.linear.scatter [tilespmem:s12], [sflag:$0x5], $0xC800, $0x38;
	[tilespmem:$0x19C80] =	vst v63  }
0x4e: {  	s1 =	rddreg [dreg:$0x7]  }
0x4f: {  	[tilespmem:s2], [sflag:$0x1] =	stream.linear.gather [hbm4b:s1+s2], $0x640, $0x38;
	[tilespmem:$0x19C80] =	vst v63  }
0x50: {  	_ =	swait.ge [sflag:s16], $0x640  }
0x51: {  	[sflag:s16] =	ssyncset.done $0x0  }
0x52: {  	[sflag:s16] =	ssyncadd.s32 $0xFFFFF9C0  }
0x53: {  	[tilespmem:s5], [sflag:$0x4] =	stream.indirect.gather [hbm4b:s3+s6], $0x20, s7, s6, $0xb8;
	[tilespmem:$0x19C80] =	vst v63  }
0x54: {  	_ = 	snop  }
0x55: {  	[tilespmem:s14], [sflag:$0x4] =	stream.indirect.gather [hbm4b:s3+s6], $0x20, s13, s6, $0xb8;
	[tilespmem:$0x19C80] =	vst v63  }
0x56: {  	_ = 	snop  }
0x57: {  	[tilespmem:s17], [sflag:$0x4] =	stream.indirect.gather [hbm4b:s3+s6], $0x20, s15, s6, $0xb8;
	[tilespmem:$0x19C80] =	vst v63  }
0x58: {  	_ = 	snop  }
0x59: {  	[tilespmem:s20], [sflag:$0x4] =	stream.indirect.gather [hbm4b:s3+s6], $0x20, s18, s6, $0xb8;
	[tilespmem:$0x19C80] =	vst v63  }
0x5a: {  	_ =	swait.ge [sflag:s11], $0x3200  }
0x5b: {  	[sflag:s11] =	ssyncset.done $0x0  }
0x5c: {  	[sflag:s11] =	ssyncadd.s32 $0xFFFFCE00  }
0x5d: {  	_ =	swait.ge [sflag:s11], $0x3200  }
0x5e: {  	[sflag:s11] =	ssyncset.done $0x0  }
0x5f: {  	[sflag:s11] =	ssyncadd.s32 $0xFFFFCE00  }
0x60: {  	_ =	swait.ge [sflag:s11], $0x3200  }
0x61: {  	[sflag:s11] =	ssyncset.done $0x0  }
0x62: {  	[sflag:s11] =	ssyncadd.s32 $0xFFFFCE00  }
0x63: {  	_ =	swait.ge [sflag:s11], $0x3200  }
0x64: {  	[sflag:s11] =	ssyncset.done $0x0  }
0x65: {  	s0 =	rddreg [dreg:$0x8];
	[sflag:s11] =	ssyncadd.s32 $0xFFFFCE00  }
0x66: {  	[hbm4b:s0+s2] =	stream.linear.scatter [tilespmem:s5], [sflag:$0x6], $0xC800, $0x38;
	[tilespmem:$0x19C80] =	vst v63  }
0x67: {  	s1 =	rddreg [dreg:$0x9]  }
0x68: {  	[tilespmem:s7], [sflag:$0x2] =	stream.linear.gather [hbm4b:s1+s2], $0x640, $0x38;
	[tilespmem:$0x19C80] =	vst v63  }
0x69: {  	_ =	swait.ge [sflag:s28], $0x640  }
0x6a: {  	[sflag:s28] =	ssyncset.done $0x0  }
0x6b: {  	[sflag:s28] =	ssyncadd.s32 $0xFFFFF9C0  }
0x6c: {  	_ =	swait.ge [sflag:s10], $0xC800  }
0x6d: {  	[sflag:s10] =	ssyncset.done $0x0  }
0x6e: {  	[sflag:s10] =	ssyncadd.s32 $0xFFFF3800  }
0x6f: {  	[tilespmem:s12], [sflag:$0x3] =	stream.indirect.gather [hbm4b:s3+s6], $0x20, s2, s6, $0xb8;
	[tilespmem:$0x19C80] =	vst v63  }
0x70: {  	_ = 	snop  }
0x71: {  	[tilespmem:s23], [sflag:$0x3] =	stream.indirect.gather [hbm4b:s3+s6], $0x20, s6, s6, $0xb8;
	[tilespmem:$0x19C80] =	vst v63  }
0x72: {  	_ = 	snop  }
0x73: {  	[tilespmem:s25], [sflag:$0x3] =	stream.indirect.gather [hbm4b:s3+s6], $0x20, s24, s6, $0xb8;
	[tilespmem:$0x19C80] =	vst v63  }
0x74: {  	_ = 	snop  }
0x75: {  	[tilespmem:s29], [sflag:$0x3] =	stream.indirect.gather [hbm4b:s3+s6], $0x20, s26, s6, $0xb8;
	[tilespmem:$0x19C80] =	vst v63  }
0x76: {  	_ =	swait.ge [sflag:s19], $0x3200  }
0x77: {  	[sflag:s19] =	ssyncset.done $0x0  }
0x78: {  	[sflag:s19] =	ssyncadd.s32 $0xFFFFCE00  }
0x79: {  	_ =	swait.ge [sflag:s19], $0x3200  }
0x7a: {  	[sflag:s19] =	ssyncset.done $0x0  }
0x7b: {  	[sflag:s19] =	ssyncadd.s32 $0xFFFFCE00  }
0x7c: {  	_ =	swait.ge [sflag:s19], $0x3200  }
0x7d: {  	[sflag:s19] =	ssyncset.done $0x0  }
0x7e: {  	[sflag:s19] =	ssyncadd.s32 $0xFFFFCE00  }
0x7f: {  	_ =	swait.ge [sflag:s19], $0x3200  }
0x80: {  	[sflag:s19] =	ssyncset.done $0x0  }
0x81: {  	s0 =	rddreg [dreg:$0xa];
	[sflag:s19] =	ssyncadd.s32 $0xFFFFCE00  }
0x82: {  	[hbm4b:s0+s2] =	stream.linear.scatter [tilespmem:s12], [sflag:$0x5], $0xC800, $0x38;
	[tilespmem:$0x19C80] =	vst v63  }
0x83: {  	s1 =	rddreg [dreg:$0xb]  }
0x84: {  	[tilespmem:s2], [sflag:$0x1] =	stream.linear.gather [hbm4b:s1+s2], $0x640, $0x38;
	[tilespmem:$0x19C80] =	vst v63  }
0x85: {  	_ =	swait.ge [sflag:s16], $0x640  }
0x86: {  	[sflag:s16] =	ssyncset.done $0x0  }
0x87: {  	[sflag:s16] =	ssyncadd.s32 $0xFFFFF9C0  }
0x88: {  	_ =	swait.ge [sflag:s9], $0xC800  }
0x89: {  	[sflag:s9] =	ssyncset.done $0x0  }
0x8a: {  	[sflag:s9] =	ssyncadd.s32 $0xFFFF3800  }
0x8b: {  	[tilespmem:s5], [sflag:$0x4] =	stream.indirect.gather [hbm4b:s3+s6], $0x20, s7, s6, $0xb8;
	[tilespmem:$0x19C80] =	vst v63  }
0x8c: {  	_ = 	snop  }
0x8d: {  	[tilespmem:s14], [sflag:$0x4] =	stream.indirect.gather [hbm4b:s3+s6], $0x20, s13, s6, $0xb8;
	[tilespmem:$0x19C80] =	vst v63  }
0x8e: {  	_ = 	snop  }
0x8f: {  	[tilespmem:s17], [sflag:$0x4] =	stream.indirect.gather [hbm4b:s3+s6], $0x20, s15, s6, $0xb8;
	[tilespmem:$0x19C80] =	vst v63  }
0x90: {  	_ = 	snop  }
0x91: {  	[tilespmem:s20], [sflag:$0x4] =	stream.indirect.gather [hbm4b:s3+s6], $0x20, s18, s6, $0xb8;
	[tilespmem:$0x19C80] =	vst v63  }
0x92: {  	_ =	swait.ge [sflag:s11], $0x3200  }
0x93: {  	[sflag:s11] =	ssyncset.done $0x0  }
0x94: {  	[sflag:s11] =	ssyncadd.s32 $0xFFFFCE00  }
0x95: {  	_ =	swait.ge [sflag:s11], $0x3200  }
0x96: {  	[sflag:s11] =	ssyncset.done $0x0  }
0x97: {  	[sflag:s11] =	ssyncadd.s32 $0xFFFFCE00  }
0x98: {  	_ =	swait.ge [sflag:s11], $0x3200  }
0x99: {  	[sflag:s11] =	ssyncset.done $0x0  }
0x9a: {  	[sflag:s11] =	ssyncadd.s32 $0xFFFFCE00  }
0x9b: {  	_ =	swait.ge [sflag:s11], $0x3200  }
0x9c: {  	[sflag:s11] =	ssyncset.done $0x0  }
0x9d: {  	s0 =	rddreg [dreg:$0xc];
	[sflag:s11] =	ssyncadd.s32 $0xFFFFCE00  }
0x9e: {  	[hbm4b:s0+s2] =	stream.linear.scatter [tilespmem:s5], [sflag:$0x6], $0xC800, $0x38;
	[tilespmem:$0x19C80] =	vst v63  }
0x9f: {  	s1 =	rddreg [dreg:$0xd]  }
0xa0: {  	[tilespmem:s7], [sflag:$0x2] =	stream.linear.gather [hbm4b:s1+s2], $0x640, $0x38;
	[tilespmem:$0x19C80] =	vst v63  }
0xa1: {  	_ =	swait.ge [sflag:s28], $0x640  }
0xa2: {  	[sflag:s28] =	ssyncset.done $0x0  }
0xa3: {  	[sflag:s28] =	ssyncadd.s32 $0xFFFFF9C0  }
0xa4: {  	_ =	swait.ge [sflag:s10], $0xC800  }
0xa5: {  	[sflag:s10] =	ssyncset.done $0x0  }
0xa6: {  	[sflag:s10] =	ssyncadd.s32 $0xFFFF3800  }
0xa7: {  	[tilespmem:s12], [sflag:$0x3] =	stream.indirect.gather [hbm4b:s3+s6], $0x20, s2, s6, $0xb8;
	[tilespmem:$0x19C80] =	vst v63  }
0xa8: {  	_ = 	snop  }
0xa9: {  	[tilespmem:s23], [sflag:$0x3] =	stream.indirect.gather [hbm4b:s3+s6], $0x20, s6, s6, $0xb8;
	[tilespmem:$0x19C80] =	vst v63  }
0xaa: {  	_ = 	snop  }
0xab: {  	[tilespmem:s25], [sflag:$0x3] =	stream.indirect.gather [hbm4b:s3+s6], $0x20, s24, s6, $0xb8;
	[tilespmem:$0x19C80] =	vst v63  }
0xac: {  	_ = 	snop  }
0xad: {  	[tilespmem:s29], [sflag:$0x3] =	stream.indirect.gather [hbm4b:s3+s6], $0x20, s26, s6, $0xb8;
	[tilespmem:$0x19C80] =	vst v63  }
0xae: {  	_ =	swait.ge [sflag:s19], $0x3200  }
0xaf: {  	[sflag:s19] =	ssyncset.done $0x0  }
0xb0: {  	[sflag:s19] =	ssyncadd.s32 $0xFFFFCE00  }
0xb1: {  	_ =	swait.ge [sflag:s19], $0x3200  }
0xb2: {  	[sflag:s19] =	ssyncset.done $0x0  }
0xb3: {  	[sflag:s19] =	ssyncadd.s32 $0xFFFFCE00  }
0xb4: {  	_ =	swait.ge [sflag:s19], $0x3200  }
0xb5: {  	[sflag:s19] =	ssyncset.done $0x0  }
0xb6: {  	[sflag:s19] =	ssyncadd.s32 $0xFFFFCE00  }
0xb7: {  	_ =	swait.ge [sflag:s19], $0x3200  }
0xb8: {  	[sflag:s19] =	ssyncset.done $0x0  }
0xb9: {  	s0 =	rddreg [dreg:$0xe];
	[sflag:s19] =	ssyncadd.s32 $0xFFFFCE00  }
0xba: {  	[hbm4b:s0+s2] =	stream.linear.scatter [tilespmem:s12], [sflag:$0x5], $0xC800, $0x38;
	[tilespmem:$0x19C80] =	vst v63  }
0xbb: {  	s1 =	rddreg [dreg:$0xf]  }
0xbc: {  	[tilespmem:s2], [sflag:$0x1] =	stream.linear.gather [hbm4b:s1+s2], $0x640, $0x38;
	[tilespmem:$0x19C80] =	vst v63  }
0xbd: {  	_ =	swait.ge [sflag:s16], $0x640  }
0xbe: {  	[sflag:s16] =	ssyncset.done $0x0  }
0xbf: {  	[sflag:s16] =	ssyncadd.s32 $0xFFFFF9C0  }
0xc0: {  	_ =	swait.ge [sflag:s9], $0xC800  }
0xc1: {  	[sflag:s9] =	ssyncset.done $0x0  }
0xc2: {  	[sflag:s9] =	ssyncadd.s32 $0xFFFF3800  }
0xc3: {  	[tilespmem:s5], [sflag:$0x4] =	stream.indirect.gather [hbm4b:s3+s6], $0x20, s7, s6, $0xb8;
	[tilespmem:$0x19C80] =	vst v63  }
0xc4: {  	_ = 	snop  }
0xc5: {  	[tilespmem:s14], [sflag:$0x4] =	stream.indirect.gather [hbm4b:s3+s6], $0x20, s13, s6, $0xb8;
	[tilespmem:$0x19C80] =	vst v63  }
0xc6: {  	_ = 	snop  }
0xc7: {  	[tilespmem:s17], [sflag:$0x4] =	stream.indirect.gather [hbm4b:s3+s6], $0x20, s15, s6, $0xb8;
	[tilespmem:$0x19C80] =	vst v63  }
0xc8: {  	_ = 	snop  }
0xc9: {  	[tilespmem:s20], [sflag:$0x4] =	stream.indirect.gather [hbm4b:s3+s6], $0x20, s18, s6, $0xb8;
	[tilespmem:$0x19C80] =	vst v63  }
0xca: {  	_ =	swait.ge [sflag:s11], $0x3200  }
0xcb: {  	[sflag:s11] =	ssyncset.done $0x0  }
0xcc: {  	[sflag:s11] =	ssyncadd.s32 $0xFFFFCE00  }
0xcd: {  	_ =	swait.ge [sflag:s11], $0x3200  }
0xce: {  	[sflag:s11] =	ssyncset.done $0x0  }
0xcf: {  	[sflag:s11] =	ssyncadd.s32 $0xFFFFCE00  }
0xd0: {  	_ =	swait.ge [sflag:s11], $0x3200  }
0xd1: {  	[sflag:s11] =	ssyncset.done $0x0  }
0xd2: {  	[sflag:s11] =	ssyncadd.s32 $0xFFFFCE00  }
0xd3: {  	_ =	swait.ge [sflag:s11], $0x3200  }
0xd4: {  	[sflag:s11] =	ssyncset.done $0x0  }
0xd5: {  	s0 =	rddreg [dreg:$0x10];
	[sflag:s11] =	ssyncadd.s32 $0xFFFFCE00  }
0xd6: {  	[hbm4b:s0+s2] =	stream.linear.scatter [tilespmem:s5], [sflag:$0x6], $0xC800, $0x38;
	[tilespmem:$0x19C80] =	vst v63  }
0xd7: {  	s1 =	rddreg [dreg:$0x11]  }
0xd8: {  	[tilespmem:s7], [sflag:$0x2] =	stream.linear.gather [hbm4b:s1+s2], $0x640, $0x38;
	[tilespmem:$0x19C80] =	vst v63  }
0xd9: {  	_ =	swait.ge [sflag:s28], $0x640  }
0xda: {  	[sflag:s28] =	ssyncset.done $0x0  }
0xdb: {  	[sflag:s28] =	ssyncadd.s32 $0xFFFFF9C0  }
0xdc: {  	_ =	swait.ge [sflag:s10], $0xC800  }
0xdd: {  	[sflag:s10] =	ssyncset.done $0x0  }
0xde: {  	[sflag:s10] =	ssyncadd.s32 $0xFFFF3800  }
0xdf: {  	[tilespmem:s12], [sflag:$0x3] =	stream.indirect.gather [hbm4b:s3+s6], $0x20, s2, s6, $0xb8;
	[tilespmem:$0x19C80] =	vst v63  }
0xe0: {  	_ = 	snop  }
0xe1: {  	[tilespmem:s23], [sflag:$0x3] =	stream.indirect.gather [hbm4b:s3+s6], $0x20, s6, s6, $0xb8;
	[tilespmem:$0x19C80] =	vst v63  }
0xe2: {  	_ = 	snop  }
0xe3: {  	[tilespmem:s25], [sflag:$0x3] =	stream.indirect.gather [hbm4b:s3+s6], $0x20, s24, s6, $0xb8;
	[tilespmem:$0x19C80] =	vst v63  }
0xe4: {  	_ = 	snop  }
0xe5: {  	[tilespmem:s29], [sflag:$0x3] =	stream.indirect.gather [hbm4b:s3+s6], $0x20, s26, s6, $0xb8;
	[tilespmem:$0x19C80] =	vst v63  }
0xe6: {  	_ =	swait.ge [sflag:s19], $0x3200  }
0xe7: {  	[sflag:s19] =	ssyncset.done $0x0  }
0xe8: {  	[sflag:s19] =	ssyncadd.s32 $0xFFFFCE00  }
0xe9: {  	_ =	swait.ge [sflag:s19], $0x3200  }
0xea: {  	[sflag:s19] =	ssyncset.done $0x0  }
0xeb: {  	[sflag:s19] =	ssyncadd.s32 $0xFFFFCE00  }
0xec: {  	_ =	swait.ge [sflag:s19], $0x3200  }
0xed: {  	[sflag:s19] =	ssyncset.done $0x0  }
0xee: {  	[sflag:s19] =	ssyncadd.s32 $0xFFFFCE00  }
0xef: {  	_ =	swait.ge [sflag:s19], $0x3200  }
0xf0: {  	[sflag:s19] =	ssyncset.done $0x0  }
0xf1: {  	s0 =	rddreg [dreg:$0x12];
	[sflag:s19] =	ssyncadd.s32 $0xFFFFCE00  }
0xf2: {  	[hbm4b:s0+s2] =	stream.linear.scatter [tilespmem:s12], [sflag:$0x5], $0xC800, $0x38;
	[tilespmem:$0x19C80] =	vst v63  }
0xf3: {  	s1 =	rddreg [dreg:$0x13]  }
0xf4: {  	[tilespmem:s2], [sflag:$0x1] =	stream.linear.gather [hbm4b:s1+s2], $0x640, $0x38;
	[tilespmem:$0x19C80] =	vst v63  }
0xf5: {  	_ =	swait.ge [sflag:s16], $0x640  }
0xf6: {  	[sflag:s16] =	ssyncset.done $0x0  }
0xf7: {  	[sflag:s16] =	ssyncadd.s32 $0xFFFFF9C0  }
0xf8: {  	_ =	swait.ge [sflag:s9], $0xC800  }
0xf9: {  	[sflag:s9] =	ssyncset.done $0x0  }
0xfa: {  	[sflag:s9] =	ssyncadd.s32 $0xFFFF3800  }
0xfb: {  	[tilespmem:s5], [sflag:$0x4] =	stream.indirect.gather [hbm4b:s3+s6], $0x20, s7, s6, $0xb8;
	[tilespmem:$0x19C80] =	vst v63  }
0xfc: {  	_ = 	snop  }
0xfd: {  	[tilespmem:s14], [sflag:$0x4] =	stream.indirect.gather [hbm4b:s3+s6], $0x20, s13, s6, $0xb8;
	[tilespmem:$0x19C80] =	vst v63  }
0xfe: {  	_ = 	snop  }
0xff: {  	[tilespmem:s17], [sflag:$0x4] =	stream.indirect.gather [hbm4b:s3+s6], $0x20, s15, s6, $0xb8;
	[tilespmem:$0x19C80] =	vst v63  }
0x100: {  	_ = 	snop  }
0x101: {  	[tilespmem:s20], [sflag:$0x4] =	stream.indirect.gather [hbm4b:s3+s6], $0x20, s18, s6, $0xb8;
	[tilespmem:$0x19C80] =	vst v63  }
0x102: {  	_ =	swait.ge [sflag:s11], $0x3200  }
0x103: {  	[sflag:s11] =	ssyncset.done $0x0  }
0x104: {  	[sflag:s11] =	ssyncadd.s32 $0xFFFFCE00  }
0x105: {  	_ =	swait.ge [sflag:s11], $0x3200  }
0x106: {  	[sflag:s11] =	ssyncset.done $0x0  }
0x107: {  	[sflag:s11] =	ssyncadd.s32 $0xFFFFCE00  }
0x108: {  	_ =	swait.ge [sflag:s11], $0x3200  }
0x109: {  	[sflag:s11] =	ssyncset.done $0x0  }
0x10a: {  	[sflag:s11] =	ssyncadd.s32 $0xFFFFCE00  }
0x10b: {  	_ =	swait.ge [sflag:s11], $0x3200  }
0x10c: {  	[sflag:s11] =	ssyncset.done $0x0  }
0x10d: {  	s0 =	rddreg [dreg:$0x14];
	[sflag:s11] =	ssyncadd.s32 $0xFFFFCE00  }
0x10e: {  	[hbm4b:s0+s2] =	stream.linear.scatter [tilespmem:s5], [sflag:$0x6], $0xC800, $0x38;
	[tilespmem:$0x19C80] =	vst v63  }
0x10f: {  	s1 =	rddreg [dreg:$0x15]  }
0x110: {  	[tilespmem:s7], [sflag:$0x2] =	stream.linear.gather [hbm4b:s1+s2], $0x640, $0x38;
	[tilespmem:$0x19C80] =	vst v63  }
0x111: {  	_ =	swait.ge [sflag:s28], $0x640  }
0x112: {  	[sflag:s28] =	ssyncset.done $0x0  }
0x113: {  	[sflag:s28] =	ssyncadd.s32 $0xFFFFF9C0  }
0x114: {  	_ =	swait.ge [sflag:s10], $0xC800  }
0x115: {  	[sflag:s10] =	ssyncset.done $0x0  }
0x116: {  	[sflag:s10] =	ssyncadd.s32 $0xFFFF3800  }
0x117: {  	[tilespmem:s12], [sflag:$0x3] =	stream.indirect.gather [hbm4b:s3+s6], $0x20, s2, s6, $0xb8;
	[tilespmem:$0x19C80] =	vst v63  }
0x118: {  	_ = 	snop  }
0x119: {  	[tilespmem:s23], [sflag:$0x3] =	stream.indirect.gather [hbm4b:s3+s6], $0x20, s6, s6, $0xb8;
	[tilespmem:$0x19C80] =	vst v63  }
0x11a: {  	_ = 	snop  }
0x11b: {  	[tilespmem:s25], [sflag:$0x3] =	stream.indirect.gather [hbm4b:s3+s6], $0x20, s24, s6, $0xb8;
	[tilespmem:$0x19C80] =	vst v63  }
0x11c: {  	_ = 	snop  }
0x11d: {  	[tilespmem:s29], [sflag:$0x3] =	stream.indirect.gather [hbm4b:s3+s6], $0x20, s26, s6, $0xb8;
	[tilespmem:$0x19C80] =	vst v63  }
0x11e: {  	_ =	swait.ge [sflag:s19], $0x3200  }
0x11f: {  	[sflag:s19] =	ssyncset.done $0x0  }
0x120: {  	[sflag:s19] =	ssyncadd.s32 $0xFFFFCE00  }
0x121: {  	_ =	swait.ge [sflag:s19], $0x3200  }
0x122: {  	[sflag:s19] =	ssyncset.done $0x0  }
0x123: {  	[sflag:s19] =	ssyncadd.s32 $0xFFFFCE00  }
0x124: {  	_ =	swait.ge [sflag:s19], $0x3200  }
0x125: {  	[sflag:s19] =	ssyncset.done $0x0  }
0x126: {  	[sflag:s19] =	ssyncadd.s32 $0xFFFFCE00  }
0x127: {  	_ =	swait.ge [sflag:s19], $0x3200  }
0x128: {  	[sflag:s19] =	ssyncset.done $0x0  }
0x129: {  	s0 =	rddreg [dreg:$0x16];
	[sflag:s19] =	ssyncadd.s32 $0xFFFFCE00  }
0x12a: {  	[hbm4b:s0+s2] =	stream.linear.scatter [tilespmem:s12], [sflag:$0x5], $0xC800, $0x38;
	[tilespmem:$0x19C80] =	vst v63  }
0x12b: {  	s1 =	rddreg [dreg:$0x17]  }
0x12c: {  	[tilespmem:s2], [sflag:$0x1] =	stream.linear.gather [hbm4b:s1+s2], $0x640, $0x38;
	[tilespmem:$0x19C80] =	vst v63  }
0x12d: {  	_ =	swait.ge [sflag:s16], $0x640  }
0x12e: {  	[sflag:s16] =	ssyncset.done $0x0  }
0x12f: {  	[sflag:s16] =	ssyncadd.s32 $0xFFFFF9C0  }
0x130: {  	_ =	swait.ge [sflag:s9], $0xC800  }
0x131: {  	[sflag:s9] =	ssyncset.done $0x0  }
0x132: {  	[sflag:s9] =	ssyncadd.s32 $0xFFFF3800  }
0x133: {  	[tilespmem:s5], [sflag:$0x4] =	stream.indirect.gather [hbm4b:s3+s6], $0x20, s7, s6, $0xb8;
	[tilespmem:$0x19C80] =	vst v63  }
0x134: {  	_ = 	snop  }
0x135: {  	[tilespmem:s14], [sflag:$0x4] =	stream.indirect.gather [hbm4b:s3+s6], $0x20, s13, s6, $0xb8;
	[tilespmem:$0x19C80] =	vst v63  }
0x136: {  	_ = 	snop  }
0x137: {  	[tilespmem:s17], [sflag:$0x4] =	stream.indirect.gather [hbm4b:s3+s6], $0x20, s15, s6, $0xb8;
	[tilespmem:$0x19C80] =	vst v63  }
0x138: {  	_ = 	snop  }
0x139: {  	[tilespmem:s20], [sflag:$0x4] =	stream.indirect.gather [hbm4b:s3+s6], $0x20, s18, s6, $0xb8;
	[tilespmem:$0x19C80] =	vst v63  }
0x13a: {  	_ =	swait.ge [sflag:s11], $0x3200  }
0x13b: {  	[sflag:s11] =	ssyncset.done $0x0  }
0x13c: {  	[sflag:s11] =	ssyncadd.s32 $0xFFFFCE00  }
0x13d: {  	_ =	swait.ge [sflag:s11], $0x3200  }
0x13e: {  	[sflag:s11] =	ssyncset.done $0x0  }
0x13f: {  	[sflag:s11] =	ssyncadd.s32 $0xFFFFCE00  }
0x140: {  	_ =	swait.ge [sflag:s11], $0x3200  }
0x141: {  	[sflag:s11] =	ssyncset.done $0x0  }
0x142: {  	[sflag:s11] =	ssyncadd.s32 $0xFFFFCE00  }
0x143: {  	_ =	swait.ge [sflag:s11], $0x3200  }
0x144: {  	[sflag:s11] =	ssyncset.done $0x0  }
0x145: {  	s0 =	rddreg [dreg:$0x18];
	[sflag:s11] =	ssyncadd.s32 $0xFFFFCE00  }
0x146: {  	[hbm4b:s0+s2] =	stream.linear.scatter [tilespmem:s5], [sflag:$0x6], $0xC800, $0x38;
	[tilespmem:$0x19C80] =	vst v63  }
0x147: {  	s1 =	rddreg [dreg:$0x19]  }
0x148: {  	[tilespmem:s7], [sflag:$0x2] =	stream.linear.gather [hbm4b:s1+s2], $0x640, $0x38;
	[tilespmem:$0x19C80] =	vst v63  }
0x149: {  	_ =	swait.ge [sflag:s28], $0x640  }
0x14a: {  	[sflag:s28] =	ssyncset.done $0x0  }
0x14b: {  	[sflag:s28] =	ssyncadd.s32 $0xFFFFF9C0  }
0x14c: {  	_ =	swait.ge [sflag:s10], $0xC800  }
0x14d: {  	[sflag:s10] =	ssyncset.done $0x0  }
0x14e: {  	[sflag:s10] =	ssyncadd.s32 $0xFFFF3800  }
0x14f: {  	[tilespmem:s12], [sflag:$0x3] =	stream.indirect.gather [hbm4b:s3+s6], $0x20, s2, s6, $0xb8;
	[tilespmem:$0x19C80] =	vst v63  }
0x150: {  	_ = 	snop  }
0x151: {  	[tilespmem:s23], [sflag:$0x3] =	stream.indirect.gather [hbm4b:s3+s6], $0x20, s6, s6, $0xb8;
	[tilespmem:$0x19C80] =	vst v63  }
0x152: {  	_ = 	snop  }
0x153: {  	[tilespmem:s25], [sflag:$0x3] =	stream.indirect.gather [hbm4b:s3+s6], $0x20, s24, s6, $0xb8;
	[tilespmem:$0x19C80] =	vst v63  }
0x154: {  	_ = 	snop  }
0x155: {  	[tilespmem:s29], [sflag:$0x3] =	stream.indirect.gather [hbm4b:s3+s6], $0x20, s26, s6, $0xb8;
	[tilespmem:$0x19C80] =	vst v63  }
0x156: {  	_ =	swait.ge [sflag:s19], $0x3200  }
0x157: {  	[sflag:s19] =	ssyncset.done $0x0  }
0x158: {  	[sflag:s19] =	ssyncadd.s32 $0xFFFFCE00  }
0x159: {  	_ =	swait.ge [sflag:s19], $0x3200  }
0x15a: {  	[sflag:s19] =	ssyncset.done $0x0  }
0x15b: {  	[sflag:s19] =	ssyncadd.s32 $0xFFFFCE00  }
0x15c: {  	_ =	swait.ge [sflag:s19], $0x3200  }
0x15d: {  	[sflag:s19] =	ssyncset.done $0x0  }
0x15e: {  	[sflag:s19] =	ssyncadd.s32 $0xFFFFCE00  }
0x15f: {  	_ =	swait.ge [sflag:s19], $0x3200  }
0x160: {  	[sflag:s19] =	ssyncset.done $0x0  }
0x161: {  	s0 =	rddreg [dreg:$0x1a];
	[sflag:s19] =	ssyncadd.s32 $0xFFFFCE00  }
0x162: {  	[hbm4b:s0+s2] =	stream.linear.scatter [tilespmem:s12], [sflag:$0x5], $0xC800, $0x38;
	[tilespmem:$0x19C80] =	vst v63  }
0x163: {  	s1 =	rddreg [dreg:$0x1b]  }
0x164: {  	[tilespmem:s2], [sflag:$0x1] =	stream.linear.gather [hbm4b:s1+s2], $0x640, $0x38;
	[tilespmem:$0x19C80] =	vst v63  }
0x165: {  	_ =	swait.ge [sflag:s16], $0x640  }
0x166: {  	[sflag:s16] =	ssyncset.done $0x0  }
0x167: {  	[sflag:s16] =	ssyncadd.s32 $0xFFFFF9C0  }
0x168: {  	_ =	swait.ge [sflag:s9], $0xC800  }
0x169: {  	[sflag:s9] =	ssyncset.done $0x0  }
0x16a: {  	[sflag:s9] =	ssyncadd.s32 $0xFFFF3800  }
0x16b: {  	[tilespmem:s5], [sflag:$0x4] =	stream.indirect.gather [hbm4b:s3+s6], $0x20, s7, s6, $0xb8;
	[tilespmem:$0x19C80] =	vst v63  }
0x16c: {  	_ = 	snop  }
0x16d: {  	[tilespmem:s14], [sflag:$0x4] =	stream.indirect.gather [hbm4b:s3+s6], $0x20, s13, s6, $0xb8;
	[tilespmem:$0x19C80] =	vst v63  }
0x16e: {  	_ = 	snop  }
0x16f: {  	[tilespmem:s17], [sflag:$0x4] =	stream.indirect.gather [hbm4b:s3+s6], $0x20, s15, s6, $0xb8;
	[tilespmem:$0x19C80] =	vst v63  }
0x170: {  	_ = 	snop  }
0x171: {  	[tilespmem:s20], [sflag:$0x4] =	stream.indirect.gather [hbm4b:s3+s6], $0x20, s18, s6, $0xb8;
	[tilespmem:$0x19C80] =	vst v63  }
0x172: {  	_ =	swait.ge [sflag:s11], $0x3200  }
0x173: {  	[sflag:s11] =	ssyncset.done $0x0  }
0x174: {  	[sflag:s11] =	ssyncadd.s32 $0xFFFFCE00  }
0x175: {  	_ =	swait.ge [sflag:s11], $0x3200  }
0x176: {  	[sflag:s11] =	ssyncset.done $0x0  }
0x177: {  	[sflag:s11] =	ssyncadd.s32 $0xFFFFCE00  }
0x178: {  	_ =	swait.ge [sflag:s11], $0x3200  }
0x179: {  	[sflag:s11] =	ssyncset.done $0x0  }
0x17a: {  	[sflag:s11] =	ssyncadd.s32 $0xFFFFCE00  }
0x17b: {  	_ =	swait.ge [sflag:s11], $0x3200  }
0x17c: {  	[sflag:s11] =	ssyncset.done $0x0  }
0x17d: {  	s0 =	rddreg [dreg:$0x1c];
	[sflag:s11] =	ssyncadd.s32 $0xFFFFCE00  }
0x17e: {  	[hbm4b:s0+s2] =	stream.linear.scatter [tilespmem:s5], [sflag:$0x6], $0xC800, $0x38;
	[tilespmem:$0x19C80] =	vst v63  }
0x17f: {  	s1 =	rddreg [dreg:$0x1d]  }
0x180: {  	[tilespmem:s7], [sflag:$0x2] =	stream.linear.gather [hbm4b:s1+s2], $0x640, $0x38;
	[tilespmem:$0x19C80] =	vst v63  }
0x181: {  	_ =	swait.ge [sflag:s28], $0x640  }
0x182: {  	[sflag:s28] =	ssyncset.done $0x0  }
0x183: {  	[sflag:s28] =	ssyncadd.s32 $0xFFFFF9C0  }
0x184: {  	_ =	swait.ge [sflag:s10], $0xC800  }
0x185: {  	[sflag:s10] =	ssyncset.done $0x0  }
0x186: {  	[sflag:s10] =	ssyncadd.s32 $0xFFFF3800  }
0x187: {  	[tilespmem:s12], [sflag:$0x3] =	stream.indirect.gather [hbm4b:s3+s6], $0x20, s2, s6, $0xb8;
	[tilespmem:$0x19C80] =	vst v63  }
0x188: {  	_ = 	snop  }
0x189: {  	[tilespmem:s23], [sflag:$0x3] =	stream.indirect.gather [hbm4b:s3+s6], $0x20, s6, s6, $0xb8;
	[tilespmem:$0x19C80] =	vst v63  }
0x18a: {  	_ = 	snop  }
0x18b: {  	[tilespmem:s25], [sflag:$0x3] =	stream.indirect.gather [hbm4b:s3+s6], $0x20, s24, s6, $0xb8;
	[tilespmem:$0x19C80] =	vst v63  }
0x18c: {  	_ = 	snop  }
0x18d: {  	[tilespmem:s29], [sflag:$0x3] =	stream.indirect.gather [hbm4b:s3+s6], $0x20, s26, s6, $0xb8;
	[tilespmem:$0x19C80] =	vst v63  }
0x18e: {  	_ =	swait.ge [sflag:s19], $0x3200  }
0x18f: {  	[sflag:s19] =	ssyncset.done $0x0  }
0x190: {  	[sflag:s19] =	ssyncadd.s32 $0xFFFFCE00  }
0x191: {  	_ =	swait.ge [sflag:s19], $0x3200  }
0x192: {  	[sflag:s19] =	ssyncset.done $0x0  }
0x193: {  	[sflag:s19] =	ssyncadd.s32 $0xFFFFCE00  }
0x194: {  	_ =	swait.ge [sflag:s19], $0x3200  }
0x195: {  	[sflag:s19] =	ssyncset.done $0x0  }
0x196: {  	[sflag:s19] =	ssyncadd.s32 $0xFFFFCE00  }
0x197: {  	_ =	swait.ge [sflag:s19], $0x3200  }
0x198: {  	[sflag:s19] =	ssyncset.done $0x0  }
0x199: {  	[sflag:s19] =	ssyncadd.s32 $0xFFFFCE00  }
0x19a: {  	[hbm4b:s8+s2] =	stream.linear.scatter [tilespmem:s12], [sflag:$0x5], $0xC800, $0x38;
	[tilespmem:$0x19C80] =	vst v63  }
0x19b: {  	_ = 	snop  }
0x19c: {  	[tilespmem:s2], [sflag:$0x1] =	stream.linear.gather [hbm4b:s30+s2], $0x640, $0x38;
	[tilespmem:$0x19C80] =	vst v63  }
0x19d: {  	_ =	swait.ge [sflag:s16], $0x640  }
0x19e: {  	[sflag:s16] =	ssyncset.done $0x0  }
0x19f: {  	[sflag:s16] =	ssyncadd.s32 $0xFFFFF9C0  }
0x1a0: {  	_ =	swait.ge [sflag:s9], $0xC800  }
0x1a1: {  	[sflag:s9] =	ssyncset.done $0x0  }
0x1a2: {  	[sflag:s9] =	ssyncadd.s32 $0xFFFF3800  }
0x1a3: {  	[tilespmem:s5], [sflag:$0x4] =	stream.indirect.gather [hbm4b:s3+s6], $0x20, s7, s6, $0xb8;
	[tilespmem:$0x19C80] =	vst v63  }
0x1a4: {  	_ = 	snop  }
0x1a5: {  	[tilespmem:s14], [sflag:$0x4] =	stream.indirect.gather [hbm4b:s3+s6], $0x20, s13, s6, $0xb8;
	[tilespmem:$0x19C80] =	vst v63  }
0x1a6: {  	_ = 	snop  }
0x1a7: {  	[tilespmem:s17], [sflag:$0x4] =	stream.indirect.gather [hbm4b:s3+s6], $0x20, s15, s6, $0xb8;
	[tilespmem:$0x19C80] =	vst v63  }
0x1a8: {  	_ = 	snop  }
0x1a9: {  	[tilespmem:s20], [sflag:$0x4] =	stream.indirect.gather [hbm4b:s3+s6], $0x20, s18, s6, $0xb8;
	[tilespmem:$0x19C80] =	vst v63  }
0x1aa: {  	_ =	swait.ge [sflag:s11], $0x3200  }
0x1ab: {  	[sflag:s11] =	ssyncset.done $0x0  }
0x1ac: {  	[sflag:s11] =	ssyncadd.s32 $0xFFFFCE00  }
0x1ad: {  	_ =	swait.ge [sflag:s11], $0x3200  }
0x1ae: {  	[sflag:s11] =	ssyncset.done $0x0  }
0x1af: {  	[sflag:s11] =	ssyncadd.s32 $0xFFFFCE00  }
0x1b0: {  	_ =	swait.ge [sflag:s11], $0x3200  }
0x1b1: {  	[sflag:s11] =	ssyncset.done $0x0  }
0x1b2: {  	[sflag:s11] =	ssyncadd.s32 $0xFFFFCE00  }
0x1b3: {  	_ =	swait.ge [sflag:s11], $0x3200  }
0x1b4: {  	[sflag:s11] =	ssyncset.done $0x0  }
0x1b5: {  	[sflag:s11] =	ssyncadd.s32 $0xFFFFCE00  }
0x1b6: {  	[hbm4b:s21+s2] =	stream.linear.scatter [tilespmem:s5], [sflag:$0x6], $0xC800, $0x38;
	[tilespmem:$0x19C80] =	vst v63  }
0x1b7: {  	_ = 	snop  }
0x1b8: {  	[tilespmem:s7], [sflag:$0x2] =	stream.linear.gather [hbm4b:s22+s2], $0x640, $0x38;
	[tilespmem:$0x19C80] =	vst v63  }
0x1b9: {  	_ =	swait.ge [sflag:s28], $0x640  }
0x1ba: {  	[sflag:s28] =	ssyncset.done $0x0  }
0x1bb: {  	[sflag:s28] =	ssyncadd.s32 $0xFFFFF9C0  }
0x1bc: {  	_ =	swait.ge [sflag:s10], $0xC800  }
0x1bd: {  	[sflag:s10] =	ssyncset.done $0x0  }
0x1be: {  	[sflag:s10] =	ssyncadd.s32 $0xFFFF3800  }
0x1bf: {  	[tilespmem:s12], [sflag:$0x3] =	stream.indirect.gather [hbm4b:s3+s6], $0x20, s2, s6, $0xb8;
	[tilespmem:$0x19C80] =	vst v63  }
0x1c0: {  	_ = 	snop  }
0x1c1: {  	[tilespmem:s23], [sflag:$0x3] =	stream.indirect.gather [hbm4b:s3+s6], $0x20, s6, s6, $0xb8;
	[tilespmem:$0x19C80] =	vst v63  }
0x1c2: {  	_ = 	snop  }
0x1c3: {  	[tilespmem:s25], [sflag:$0x3] =	stream.indirect.gather [hbm4b:s3+s6], $0x20, s24, s6, $0xb8;
	[tilespmem:$0x19C80] =	vst v63  }
0x1c4: {  	_ = 	snop  }
0x1c5: {  	[tilespmem:s29], [sflag:$0x3] =	stream.indirect.gather [hbm4b:s3+s6], $0x20, s26, s6, $0xb8;
	[tilespmem:$0x19C80] =	vst v63  }
0x1c6: {  	_ =	swait.ge [sflag:s19], $0x3200  }
0x1c7: {  	[sflag:s19] =	ssyncset.done $0x0  }
0x1c8: {  	[sflag:s19] =	ssyncadd.s32 $0xFFFFCE00  }
0x1c9: {  	_ =	swait.ge [sflag:s19], $0x3200  }
0x1ca: {  	[sflag:s19] =	ssyncset.done $0x0  }
0x1cb: {  	[sflag:s19] =	ssyncadd.s32 $0xFFFFCE00  }
0x1cc: {  	_ =	swait.ge [sflag:s19], $0x3200  }
0x1cd: {  	[sflag:s19] =	ssyncset.done $0x0  }
0x1ce: {  	[sflag:s19] =	ssyncadd.s32 $0xFFFFCE00  }
0x1cf: {  	_ =	swait.ge [sflag:s19], $0x3200  }
0x1d0: {  	[sflag:s19] =	ssyncset.done $0x0  }
0x1d1: {  	[sflag:s19] =	ssyncadd.s32 $0xFFFFCE00  }
0x1d2: {  	[hbm4b:s4+s2] =	stream.linear.scatter [tilespmem:s12], [sflag:$0x5], $0xC800, $0x38;
	[tilespmem:$0x19C80] =	vst v63  }
0x1d3: {  	_ =	swait.ge [sflag:s16], $0x640  }
0x1d4: {  	[sflag:s16] =	ssyncset.done $0x0  }
0x1d5: {  	[sflag:s16] =	ssyncadd.s32 $0xFFFFF9C0  }
0x1d6: {  	_ =	swait.ge [sflag:s9], $0xC800  }
0x1d7: {  	[sflag:s9] =	ssyncset.done $0x0  }
0x1d8: {  	[sflag:s9] =	ssyncadd.s32 $0xFFFF3800  }
0x1d9: {  	[tilespmem:s5], [sflag:$0x4] =	stream.indirect.gather [hbm4b:s3+s6], $0x20, s7, s6, $0xb8;
	[tilespmem:$0x19C80] =	vst v63  }
0x1da: {  	_ = 	snop  }
0x1db: {  	[tilespmem:s14], [sflag:$0x4] =	stream.indirect.gather [hbm4b:s3+s6], $0x20, s13, s6, $0xb8;
	[tilespmem:$0x19C80] =	vst v63  }
0x1dc: {  	_ = 	snop  }
0x1dd: {  	[tilespmem:s17], [sflag:$0x4] =	stream.indirect.gather [hbm4b:s3+s6], $0x20, s15, s6, $0xb8;
	[tilespmem:$0x19C80] =	vst v63  }
0x1de: {  	_ = 	snop  }
0x1df: {  	[tilespmem:s20], [sflag:$0x4] =	stream.indirect.gather [hbm4b:s3+s6], $0x20, s18, s6, $0xb8;
	[tilespmem:$0x19C80] =	vst v63  }
0x1e0: {  	_ =	swait.ge [sflag:s11], $0x3200  }
0x1e1: {  	[sflag:s11] =	ssyncset.done $0x0  }
0x1e2: {  	[sflag:s11] =	ssyncadd.s32 $0xFFFFCE00  }
0x1e3: {  	_ =	swait.ge [sflag:s11], $0x3200  }
0x1e4: {  	[sflag:s11] =	ssyncset.done $0x0  }
0x1e5: {  	[sflag:s11] =	ssyncadd.s32 $0xFFFFCE00  }
0x1e6: {  	_ =	swait.ge [sflag:s11], $0x3200  }
0x1e7: {  	[sflag:s11] =	ssyncset.done $0x0  }
0x1e8: {  	[sflag:s11] =	ssyncadd.s32 $0xFFFFCE00  }
0x1e9: {  	_ =	swait.ge [sflag:s11], $0x3200  }
0x1ea: {  	[sflag:s11] =	ssyncset.done $0x0  }
0x1eb: {  	[sflag:s11] =	ssyncadd.s32 $0xFFFFCE00  }
0x1ec: {  	[hbm4b:s31+s2] =	stream.linear.scatter [tilespmem:s5], [sflag:$0x6], $0xC800, $0x38;
	[tilespmem:$0x19C80] =	vst v63  }
0x1ed: {  	_ =	swait.ge [sflag:s10], $0xC800  }
0x1ee: {  	s1 =	sld [smem:$0x7FD];
	_ =	sdelay $0x2  }
0x1ef: {  	p1 =	sne.s32 s1, $0x1  }
.Ltmp1:
0x1f0: {  	[sflag:s10] =	ssyncset.done $0x0;
	(pc) =	sbr.rel @!p1 .LBB2_4-.Ltmp1, $4  }
0x1f1: {  	[sflag:s10] =	ssyncadd.s32 $0xFFFF3800  }
0x1f2: {  	_ =	swait.ge [sflag:s9], $0xC800;
	[dreg:$0x1e] =	wrdreg s30  }
0x1f3: {  	p0 =	por $0x1, $0x1;
	[dreg:$0x1f] =	wrdreg s8  }
0x1f4: {  	s1 =	sadd.s32 $0xFFFFFFFF, s1;
	s0 =	rddreg [dreg:$0x4];
	[sflag:s9] =	ssyncset.done $0x0  }
0x1f5: {  	s13 =	simm.s32 $0x7D0  }
.LBB2_3:
0x1f6: {  	[sflag:s9] =	ssyncadd.s32 $0xFFFF3800;
	s12 =	simm.s32 $0x640;
	s30 =	smov.u32 s22  }
0x1f7: {  	[tilespmem:s2], [sflag:$0x1] =	stream.linear.gather [hbm4b:s0+s2], $0x640, $0x38;
	[tilespmem:$0x19C80] =	vst v63  }
0x1f8: {  	s22 =	smov.u32 s21;
	s21 =	smov.u32 s4;
	s4 =	rddreg [dreg:$0x5]  }
0x1f9: {  	[tilespmem:s12], [sflag:$0x2] =	stream.linear.gather [hbm4b:s4+s2], $0x640, $0x38;
	[tilespmem:$0x19C80] =	vst v63  }
0x1fa: {  	_ =	swait.ge [sflag:s28], $0x640  }
0x1fb: {  	[sflag:s28] =	ssyncset.done $0x0  }
0x1fc: {  	s8 =	simm.s32 $0xC80;
	[sflag:s28] =	ssyncadd.s32 $0xFFFFF9C0  }
0x1fd: {  	[tilespmem:s8], [sflag:$0x3] =	stream.indirect.gather [hbm4b:s3+s6], $0x20, s2, s6, $0xb8;
	[tilespmem:$0x19C80] =	vst v63  }
0x1fe: {  	s24 =	simm.s32 $0x3E80  }
0x1ff: {  	[tilespmem:s24], [sflag:$0x3] =	stream.indirect.gather [hbm4b:s3+s6], $0x20, s6, s6, $0xb8;
	[tilespmem:$0x19C80] =	vst v63  }
0x200: {  	s26 =	simm.s32 $0x7080;
	s25 =	simm.s32 $0x320  }
0x201: {  	[tilespmem:s26], [sflag:$0x3] =	stream.indirect.gather [hbm4b:s3+s6], $0x20, s25, s6, $0xb8;
	[tilespmem:$0x19C80] =	vst v63  }
0x202: {  	s5 =	simm.s32 $0xA280;
	s29 =	simm.s32 $0x4B0  }
0x203: {  	[tilespmem:s5], [sflag:$0x3] =	stream.indirect.gather [hbm4b:s3+s6], $0x20, s29, s6, $0xb8;
	[tilespmem:$0x19C80] =	vst v63  }
0x204: {  	_ =	swait.ge [sflag:s19], $0x3200  }
0x205: {  	[sflag:s19] =	ssyncset.done $0x0  }
0x206: {  	[sflag:s19] =	ssyncadd.s32 $0xFFFFCE00  }
0x207: {  	_ =	swait.ge [sflag:s19], $0x3200  }
0x208: {  	[sflag:s19] =	ssyncset.done $0x0  }
0x209: {  	[sflag:s19] =	ssyncadd.s32 $0xFFFFCE00  }
0x20a: {  	_ =	swait.ge [sflag:s19], $0x3200  }
0x20b: {  	[sflag:s19] =	ssyncset.done $0x0  }
0x20c: {  	[sflag:s19] =	ssyncadd.s32 $0xFFFFCE00  }
0x20d: {  	_ =	swait.ge [sflag:s19], $0x3200  }
0x20e: {  	[sflag:s19] =	ssyncset.done $0x0  }
0x20f: {  	s0 =	rddreg [dreg:$0x6];
	[sflag:s19] =	ssyncadd.s32 $0xFFFFCE00  }
0x210: {  	[hbm4b:s0+s2] =	stream.linear.scatter [tilespmem:s8], [sflag:$0x5], $0xC800, $0x38;
	[tilespmem:$0x19C80] =	vst v63  }
0x211: {  	s4 =	rddreg [dreg:$0x7]  }
0x212: {  	[tilespmem:s2], [sflag:$0x1] =	stream.linear.gather [hbm4b:s4+s2], $0x640, $0x38;
	[tilespmem:$0x19C80] =	vst v63  }
0x213: {  	_ =	swait.ge [sflag:s16], $0x640  }
0x214: {  	[sflag:s16] =	ssyncset.done $0x0  }
0x215: {  	s7 =	simm.s32 $0xD480;
	[sflag:s16] =	ssyncadd.s32 $0xFFFFF9C0  }
0x216: {  	[tilespmem:s7], [sflag:$0x4] =	stream.indirect.gather [hbm4b:s3+s6], $0x20, s12, s6, $0xb8;
	[tilespmem:$0x19C80] =	vst v63  }
0x217: {  	s15 =	simm.s32 $0x10680;
	s14 =	simm.s32 $0x7D0  }
0x218: {  	[tilespmem:s15], [sflag:$0x4] =	stream.indirect.gather [hbm4b:s3+s6], $0x20, s14, s6, $0xb8;
	[tilespmem:$0x19C80] =	vst v63  }
0x219: {  	s18 =	simm.s32 $0x13880;
	s17 =	simm.s32 $0x960  }
0x21a: {  	[tilespmem:s18], [sflag:$0x4] =	stream.indirect.gather [hbm4b:s3+s6], $0x20, s17, s6, $0xb8;
	[tilespmem:$0x19C80] =	vst v63  }
0x21b: {  	s23 =	simm.s32 $0x16A80;
	s20 =	simm.s32 $0xAF0  }
0x21c: {  	[tilespmem:s23], [sflag:$0x4] =	stream.indirect.gather [hbm4b:s3+s6], $0x20, s20, s6, $0xb8;
	[tilespmem:$0x19C80] =	vst v63  }
0x21d: {  	_ =	swait.ge [sflag:s11], $0x3200  }
0x21e: {  	[sflag:s11] =	ssyncset.done $0x0  }
0x21f: {  	[sflag:s11] =	ssyncadd.s32 $0xFFFFCE00  }
0x220: {  	_ =	swait.ge [sflag:s11], $0x3200  }
0x221: {  	[sflag:s11] =	ssyncset.done $0x0  }
0x222: {  	[sflag:s11] =	ssyncadd.s32 $0xFFFFCE00  }
0x223: {  	_ =	swait.ge [sflag:s11], $0x3200  }
0x224: {  	[sflag:s11] =	ssyncset.done $0x0  }
0x225: {  	[sflag:s11] =	ssyncadd.s32 $0xFFFFCE00  }
0x226: {  	_ =	swait.ge [sflag:s11], $0x3200  }
0x227: {  	[sflag:s11] =	ssyncset.done $0x0  }
0x228: {  	s4 =	rddreg [dreg:$0x8];
	[sflag:s11] =	ssyncadd.s32 $0xFFFFCE00  }
0x229: {  	[hbm4b:s4+s2] =	stream.linear.scatter [tilespmem:s7], [sflag:$0x6], $0xC800, $0x38;
	[tilespmem:$0x19C80] =	vst v63  }
0x22a: {  	s8 =	rddreg [dreg:$0x9];
	s7 =	simm.s32 $0x640  }
0x22b: {  	[tilespmem:s7], [sflag:$0x2] =	stream.linear.gather [hbm4b:s8+s2], $0x640, $0x38;
	[tilespmem:$0x19C80] =	vst v63  }
0x22c: {  	_ =	swait.ge [sflag:s28], $0x640  }
0x22d: {  	[sflag:s28] =	ssyncset.done $0x0  }
0x22e: {  	[sflag:s28] =	ssyncadd.s32 $0xFFFFF9C0  }
0x22f: {  	_ =	swait.ge [sflag:s10], $0xC800  }
0x230: {  	[sflag:s10] =	ssyncset.done $0x0  }
0x231: {  	s12 =	simm.s32 $0xC80;
	[sflag:s10] =	ssyncadd.s32 $0xFFFF3800  }
0x232: {  	[tilespmem:s12], [sflag:$0x3] =	stream.indirect.gather [hbm4b:s3+s6], $0x20, s2, s6, $0xb8;
	[tilespmem:$0x19C80] =	vst v63  }
0x233: {  	_ = 	snop  }
0x234: {  	[tilespmem:s24], [sflag:$0x3] =	stream.indirect.gather [hbm4b:s3+s6], $0x20, s6, s6, $0xb8;
	[tilespmem:$0x19C80] =	vst v63  }
0x235: {  	_ = 	snop  }
0x236: {  	[tilespmem:s26], [sflag:$0x3] =	stream.indirect.gather [hbm4b:s3+s6], $0x20, s25, s6, $0xb8;
	[tilespmem:$0x19C80] =	vst v63  }
0x237: {  	_ = 	snop  }
0x238: {  	[tilespmem:s5], [sflag:$0x3] =	stream.indirect.gather [hbm4b:s3+s6], $0x20, s29, s6, $0xb8;
	[tilespmem:$0x19C80] =	vst v63  }
0x239: {  	_ =	swait.ge [sflag:s19], $0x3200  }
0x23a: {  	[sflag:s19] =	ssyncset.done $0x0  }
0x23b: {  	[sflag:s19] =	ssyncadd.s32 $0xFFFFCE00  }
0x23c: {  	_ =	swait.ge [sflag:s19], $0x3200  }
0x23d: {  	[sflag:s19] =	ssyncset.done $0x0  }
0x23e: {  	[sflag:s19] =	ssyncadd.s32 $0xFFFFCE00  }
0x23f: {  	_ =	swait.ge [sflag:s19], $0x3200  }
0x240: {  	[sflag:s19] =	ssyncset.done $0x0  }
0x241: {  	[sflag:s19] =	ssyncadd.s32 $0xFFFFCE00  }
0x242: {  	_ =	swait.ge [sflag:s19], $0x3200  }
0x243: {  	[sflag:s19] =	ssyncset.done $0x0  }
0x244: {  	s4 =	rddreg [dreg:$0xa];
	[sflag:s19] =	ssyncadd.s32 $0xFFFFCE00  }
0x245: {  	[hbm4b:s4+s2] =	stream.linear.scatter [tilespmem:s12], [sflag:$0x5], $0xC800, $0x38;
	[tilespmem:$0x19C80] =	vst v63  }
0x246: {  	s8 =	rddreg [dreg:$0xb]  }
0x247: {  	[tilespmem:s2], [sflag:$0x1] =	stream.linear.gather [hbm4b:s8+s2], $0x640, $0x38;
	[tilespmem:$0x19C80] =	vst v63  }
0x248: {  	_ =	swait.ge [sflag:s16], $0x640  }
0x249: {  	[sflag:s16] =	ssyncset.done $0x0  }
0x24a: {  	[sflag:s16] =	ssyncadd.s32 $0xFFFFF9C0  }
0x24b: {  	_ =	swait.ge [sflag:s9], $0xC800  }
0x24c: {  	[sflag:s9] =	ssyncset.done $0x0  }
0x24d: {  	s5 =	simm.s32 $0xD480;
	[sflag:s9] =	ssyncadd.s32 $0xFFFF3800  }
0x24e: {  	[tilespmem:s5], [sflag:$0x4] =	stream.indirect.gather [hbm4b:s3+s6], $0x20, s7, s6, $0xb8;
	[tilespmem:$0x19C80] =	vst v63  }
0x24f: {  	_ = 	snop  }
0x250: {  	[tilespmem:s15], [sflag:$0x4] =	stream.indirect.gather [hbm4b:s3+s6], $0x20, s14, s6, $0xb8;
	[tilespmem:$0x19C80] =	vst v63  }
0x251: {  	_ = 	snop  }
0x252: {  	[tilespmem:s18], [sflag:$0x4] =	stream.indirect.gather [hbm4b:s3+s6], $0x20, s17, s6, $0xb8;
	[tilespmem:$0x19C80] =	vst v63  }
0x253: {  	_ = 	snop  }
0x254: {  	[tilespmem:s23], [sflag:$0x4] =	stream.indirect.gather [hbm4b:s3+s6], $0x20, s20, s6, $0xb8;
	[tilespmem:$0x19C80] =	vst v63  }
0x255: {  	_ =	swait.ge [sflag:s11], $0x3200  }
0x256: {  	[sflag:s11] =	ssyncset.done $0x0  }
0x257: {  	[sflag:s11] =	ssyncadd.s32 $0xFFFFCE00  }
0x258: {  	_ =	swait.ge [sflag:s11], $0x3200  }
0x259: {  	[sflag:s11] =	ssyncset.done $0x0  }
0x25a: {  	[sflag:s11] =	ssyncadd.s32 $0xFFFFCE00  }
0x25b: {  	_ =	swait.ge [sflag:s11], $0x3200  }
0x25c: {  	[sflag:s11] =	ssyncset.done $0x0  }
0x25d: {  	[sflag:s11] =	ssyncadd.s32 $0xFFFFCE00  }
0x25e: {  	_ =	swait.ge [sflag:s11], $0x3200  }
0x25f: {  	[sflag:s11] =	ssyncset.done $0x0  }
0x260: {  	s4 =	rddreg [dreg:$0xc];
	[sflag:s11] =	ssyncadd.s32 $0xFFFFCE00  }
0x261: {  	[hbm4b:s4+s2] =	stream.linear.scatter [tilespmem:s5], [sflag:$0x6], $0xC800, $0x38;
	[tilespmem:$0x19C80] =	vst v63  }
0x262: {  	s8 =	rddreg [dreg:$0xd]  }
0x263: {  	[tilespmem:s7], [sflag:$0x2] =	stream.linear.gather [hbm4b:s8+s2], $0x640, $0x38;
	[tilespmem:$0x19C80] =	vst v63  }
0x264: {  	_ =	swait.ge [sflag:s28], $0x640  }
0x265: {  	[sflag:s28] =	ssyncset.done $0x0  }
0x266: {  	[sflag:s28] =	ssyncadd.s32 $0xFFFFF9C0  }
0x267: {  	_ =	swait.ge [sflag:s10], $0xC800  }
0x268: {  	[sflag:s10] =	ssyncset.done $0x0  }
0x269: {  	[sflag:s10] =	ssyncadd.s32 $0xFFFF3800  }
0x26a: {  	[tilespmem:s12], [sflag:$0x3] =	stream.indirect.gather [hbm4b:s3+s6], $0x20, s2, s6, $0xb8;
	[tilespmem:$0x19C80] =	vst v63  }
0x26b: {  	_ = 	snop  }
0x26c: {  	[tilespmem:s24], [sflag:$0x3] =	stream.indirect.gather [hbm4b:s3+s6], $0x20, s6, s6, $0xb8;
	[tilespmem:$0x19C80] =	vst v63  }
0x26d: {  	_ = 	snop  }
0x26e: {  	[tilespmem:s26], [sflag:$0x3] =	stream.indirect.gather [hbm4b:s3+s6], $0x20, s25, s6, $0xb8;
	[tilespmem:$0x19C80] =	vst v63  }
0x26f: {  	s29 =	simm.s32 $0xA280;
	s26 =	simm.s32 $0x4B0  }
0x270: {  	[tilespmem:s29], [sflag:$0x3] =	stream.indirect.gather [hbm4b:s3+s6], $0x20, s26, s6, $0xb8;
	[tilespmem:$0x19C80] =	vst v63  }
0x271: {  	_ =	swait.ge [sflag:s19], $0x3200  }
0x272: {  	[sflag:s19] =	ssyncset.done $0x0  }
0x273: {  	[sflag:s19] =	ssyncadd.s32 $0xFFFFCE00  }
0x274: {  	_ =	swait.ge [sflag:s19], $0x3200  }
0x275: {  	[sflag:s19] =	ssyncset.done $0x0  }
0x276: {  	[sflag:s19] =	ssyncadd.s32 $0xFFFFCE00  }
0x277: {  	_ =	swait.ge [sflag:s19], $0x3200  }
0x278: {  	[sflag:s19] =	ssyncset.done $0x0  }
0x279: {  	[sflag:s19] =	ssyncadd.s32 $0xFFFFCE00  }
0x27a: {  	_ =	swait.ge [sflag:s19], $0x3200  }
0x27b: {  	[sflag:s19] =	ssyncset.done $0x0  }
0x27c: {  	s4 =	rddreg [dreg:$0xe];
	[sflag:s19] =	ssyncadd.s32 $0xFFFFCE00  }
0x27d: {  	[hbm4b:s4+s2] =	stream.linear.scatter [tilespmem:s12], [sflag:$0x5], $0xC800, $0x38;
	[tilespmem:$0x19C80] =	vst v63  }
0x27e: {  	s8 =	rddreg [dreg:$0xf]  }
0x27f: {  	[tilespmem:s2], [sflag:$0x1] =	stream.linear.gather [hbm4b:s8+s2], $0x640, $0x38;
	[tilespmem:$0x19C80] =	vst v63  }
0x280: {  	_ =	swait.ge [sflag:s16], $0x640  }
0x281: {  	[sflag:s16] =	ssyncset.done $0x0  }
0x282: {  	[sflag:s16] =	ssyncadd.s32 $0xFFFFF9C0  }
0x283: {  	_ =	swait.ge [sflag:s9], $0xC800  }
0x284: {  	[sflag:s9] =	ssyncset.done $0x0  }
0x285: {  	[sflag:s9] =	ssyncadd.s32 $0xFFFF3800  }
0x286: {  	[tilespmem:s5], [sflag:$0x4] =	stream.indirect.gather [hbm4b:s3+s6], $0x20, s7, s6, $0xb8;
	[tilespmem:$0x19C80] =	vst v63  }
0x287: {  	_ = 	snop  }
0x288: {  	[tilespmem:s15], [sflag:$0x4] =	stream.indirect.gather [hbm4b:s3+s6], $0x20, s14, s6, $0xb8;
	[tilespmem:$0x19C80] =	vst v63  }
0x289: {  	_ = 	snop  }
0x28a: {  	[tilespmem:s18], [sflag:$0x4] =	stream.indirect.gather [hbm4b:s3+s6], $0x20, s17, s6, $0xb8;
	[tilespmem:$0x19C80] =	vst v63  }
0x28b: {  	_ = 	snop  }
0x28c: {  	[tilespmem:s23], [sflag:$0x4] =	stream.indirect.gather [hbm4b:s3+s6], $0x20, s20, s6, $0xb8;
	[tilespmem:$0x19C80] =	vst v63  }
0x28d: {  	_ =	swait.ge [sflag:s11], $0x3200  }
0x28e: {  	[sflag:s11] =	ssyncset.done $0x0  }
0x28f: {  	[sflag:s11] =	ssyncadd.s32 $0xFFFFCE00  }
0x290: {  	_ =	swait.ge [sflag:s11], $0x3200  }
0x291: {  	[sflag:s11] =	ssyncset.done $0x0  }
0x292: {  	[sflag:s11] =	ssyncadd.s32 $0xFFFFCE00  }
0x293: {  	_ =	swait.ge [sflag:s11], $0x3200  }
0x294: {  	[sflag:s11] =	ssyncset.done $0x0  }
0x295: {  	[sflag:s11] =	ssyncadd.s32 $0xFFFFCE00  }
0x296: {  	_ =	swait.ge [sflag:s11], $0x3200  }
0x297: {  	[sflag:s11] =	ssyncset.done $0x0  }
0x298: {  	s4 =	rddreg [dreg:$0x10];
	[sflag:s11] =	ssyncadd.s32 $0xFFFFCE00  }
0x299: {  	[hbm4b:s4+s2] =	stream.linear.scatter [tilespmem:s5], [sflag:$0x6], $0xC800, $0x38;
	[tilespmem:$0x19C80] =	vst v63  }
0x29a: {  	s8 =	rddreg [dreg:$0x11]  }
0x29b: {  	[tilespmem:s7], [sflag:$0x2] =	stream.linear.gather [hbm4b:s8+s2], $0x640, $0x38;
	[tilespmem:$0x19C80] =	vst v63  }
0x29c: {  	_ =	swait.ge [sflag:s28], $0x640  }
0x29d: {  	[sflag:s28] =	ssyncset.done $0x0  }
0x29e: {  	[sflag:s28] =	ssyncadd.s32 $0xFFFFF9C0  }
0x29f: {  	_ =	swait.ge [sflag:s10], $0xC800  }
0x2a0: {  	[sflag:s10] =	ssyncset.done $0x0  }
0x2a1: {  	[sflag:s10] =	ssyncadd.s32 $0xFFFF3800  }
0x2a2: {  	[tilespmem:s12], [sflag:$0x3] =	stream.indirect.gather [hbm4b:s3+s6], $0x20, s2, s6, $0xb8;
	[tilespmem:$0x19C80] =	vst v63  }
0x2a3: {  	_ = 	snop  }
0x2a4: {  	[tilespmem:s24], [sflag:$0x3] =	stream.indirect.gather [hbm4b:s3+s6], $0x20, s6, s6, $0xb8;
	[tilespmem:$0x19C80] =	vst v63  }
0x2a5: {  	s25 =	simm.s32 $0x7080;
	s24 =	simm.s32 $0x320  }
0x2a6: {  	[tilespmem:s25], [sflag:$0x3] =	stream.indirect.gather [hbm4b:s3+s6], $0x20, s24, s6, $0xb8;
	[tilespmem:$0x19C80] =	vst v63  }
0x2a7: {  	_ = 	snop  }
0x2a8: {  	[tilespmem:s29], [sflag:$0x3] =	stream.indirect.gather [hbm4b:s3+s6], $0x20, s26, s6, $0xb8;
	[tilespmem:$0x19C80] =	vst v63  }
0x2a9: {  	_ =	swait.ge [sflag:s19], $0x3200  }
0x2aa: {  	[sflag:s19] =	ssyncset.done $0x0  }
0x2ab: {  	[sflag:s19] =	ssyncadd.s32 $0xFFFFCE00  }
0x2ac: {  	_ =	swait.ge [sflag:s19], $0x3200  }
0x2ad: {  	[sflag:s19] =	ssyncset.done $0x0  }
0x2ae: {  	[sflag:s19] =	ssyncadd.s32 $0xFFFFCE00  }
0x2af: {  	_ =	swait.ge [sflag:s19], $0x3200  }
0x2b0: {  	[sflag:s19] =	ssyncset.done $0x0  }
0x2b1: {  	[sflag:s19] =	ssyncadd.s32 $0xFFFFCE00  }
0x2b2: {  	_ =	swait.ge [sflag:s19], $0x3200  }
0x2b3: {  	[sflag:s19] =	ssyncset.done $0x0  }
0x2b4: {  	s4 =	rddreg [dreg:$0x12];
	[sflag:s19] =	ssyncadd.s32 $0xFFFFCE00  }
0x2b5: {  	[hbm4b:s4+s2] =	stream.linear.scatter [tilespmem:s12], [sflag:$0x5], $0xC800, $0x38;
	[tilespmem:$0x19C80] =	vst v63  }
0x2b6: {  	s8 =	rddreg [dreg:$0x13]  }
0x2b7: {  	[tilespmem:s2], [sflag:$0x1] =	stream.linear.gather [hbm4b:s8+s2], $0x640, $0x38;
	[tilespmem:$0x19C80] =	vst v63  }
0x2b8: {  	_ =	swait.ge [sflag:s16], $0x640  }
0x2b9: {  	[sflag:s16] =	ssyncset.done $0x0  }
0x2ba: {  	[sflag:s16] =	ssyncadd.s32 $0xFFFFF9C0  }
0x2bb: {  	_ =	swait.ge [sflag:s9], $0xC800  }
0x2bc: {  	[sflag:s9] =	ssyncset.done $0x0  }
0x2bd: {  	[sflag:s9] =	ssyncadd.s32 $0xFFFF3800  }
0x2be: {  	[tilespmem:s5], [sflag:$0x4] =	stream.indirect.gather [hbm4b:s3+s6], $0x20, s7, s6, $0xb8;
	[tilespmem:$0x19C80] =	vst v63  }
0x2bf: {  	_ = 	snop  }
0x2c0: {  	[tilespmem:s15], [sflag:$0x4] =	stream.indirect.gather [hbm4b:s3+s6], $0x20, s14, s6, $0xb8;
	[tilespmem:$0x19C80] =	vst v63  }
0x2c1: {  	_ = 	snop  }
0x2c2: {  	[tilespmem:s18], [sflag:$0x4] =	stream.indirect.gather [hbm4b:s3+s6], $0x20, s17, s6, $0xb8;
	[tilespmem:$0x19C80] =	vst v63  }
0x2c3: {  	_ = 	snop  }
0x2c4: {  	[tilespmem:s23], [sflag:$0x4] =	stream.indirect.gather [hbm4b:s3+s6], $0x20, s20, s6, $0xb8;
	[tilespmem:$0x19C80] =	vst v63  }
0x2c5: {  	_ =	swait.ge [sflag:s11], $0x3200  }
0x2c6: {  	[sflag:s11] =	ssyncset.done $0x0  }
0x2c7: {  	[sflag:s11] =	ssyncadd.s32 $0xFFFFCE00  }
0x2c8: {  	_ =	swait.ge [sflag:s11], $0x3200  }
0x2c9: {  	[sflag:s11] =	ssyncset.done $0x0  }
0x2ca: {  	[sflag:s11] =	ssyncadd.s32 $0xFFFFCE00  }
0x2cb: {  	_ =	swait.ge [sflag:s11], $0x3200  }
0x2cc: {  	[sflag:s11] =	ssyncset.done $0x0  }
0x2cd: {  	[sflag:s11] =	ssyncadd.s32 $0xFFFFCE00  }
0x2ce: {  	_ =	swait.ge [sflag:s11], $0x3200  }
0x2cf: {  	[sflag:s11] =	ssyncset.done $0x0  }
0x2d0: {  	s4 =	rddreg [dreg:$0x14];
	[sflag:s11] =	ssyncadd.s32 $0xFFFFCE00  }
0x2d1: {  	[hbm4b:s4+s2] =	stream.linear.scatter [tilespmem:s5], [sflag:$0x6], $0xC800, $0x38;
	[tilespmem:$0x19C80] =	vst v63  }
0x2d2: {  	s8 =	rddreg [dreg:$0x15]  }
0x2d3: {  	[tilespmem:s7], [sflag:$0x2] =	stream.linear.gather [hbm4b:s8+s2], $0x640, $0x38;
	[tilespmem:$0x19C80] =	vst v63  }
0x2d4: {  	_ =	swait.ge [sflag:s28], $0x640  }
0x2d5: {  	[sflag:s28] =	ssyncset.done $0x0  }
0x2d6: {  	[sflag:s28] =	ssyncadd.s32 $0xFFFFF9C0  }
0x2d7: {  	_ =	swait.ge [sflag:s10], $0xC800  }
0x2d8: {  	[sflag:s10] =	ssyncset.done $0x0  }
0x2d9: {  	[sflag:s10] =	ssyncadd.s32 $0xFFFF3800  }
0x2da: {  	[tilespmem:s12], [sflag:$0x3] =	stream.indirect.gather [hbm4b:s3+s6], $0x20, s2, s6, $0xb8;
	[tilespmem:$0x19C80] =	vst v63  }
0x2db: {  	s23 =	simm.s32 $0x3E80  }
0x2dc: {  	[tilespmem:s23], [sflag:$0x3] =	stream.indirect.gather [hbm4b:s3+s6], $0x20, s6, s6, $0xb8;
	[tilespmem:$0x19C80] =	vst v63  }
0x2dd: {  	_ = 	snop  }
0x2de: {  	[tilespmem:s25], [sflag:$0x3] =	stream.indirect.gather [hbm4b:s3+s6], $0x20, s24, s6, $0xb8;
	[tilespmem:$0x19C80] =	vst v63  }
0x2df: {  	_ = 	snop  }
0x2e0: {  	[tilespmem:s29], [sflag:$0x3] =	stream.indirect.gather [hbm4b:s3+s6], $0x20, s26, s6, $0xb8;
	[tilespmem:$0x19C80] =	vst v63  }
0x2e1: {  	_ =	swait.ge [sflag:s19], $0x3200  }
0x2e2: {  	[sflag:s19] =	ssyncset.done $0x0  }
0x2e3: {  	[sflag:s19] =	ssyncadd.s32 $0xFFFFCE00  }
0x2e4: {  	_ =	swait.ge [sflag:s19], $0x3200  }
0x2e5: {  	[sflag:s19] =	ssyncset.done $0x0  }
0x2e6: {  	[sflag:s19] =	ssyncadd.s32 $0xFFFFCE00  }
0x2e7: {  	_ =	swait.ge [sflag:s19], $0x3200  }
0x2e8: {  	[sflag:s19] =	ssyncset.done $0x0  }
0x2e9: {  	[sflag:s19] =	ssyncadd.s32 $0xFFFFCE00  }
0x2ea: {  	_ =	swait.ge [sflag:s19], $0x3200  }
0x2eb: {  	[sflag:s19] =	ssyncset.done $0x0  }
0x2ec: {  	s4 =	rddreg [dreg:$0x16];
	[sflag:s19] =	ssyncadd.s32 $0xFFFFCE00  }
0x2ed: {  	[hbm4b:s4+s2] =	stream.linear.scatter [tilespmem:s12], [sflag:$0x5], $0xC800, $0x38;
	[tilespmem:$0x19C80] =	vst v63  }
0x2ee: {  	s8 =	rddreg [dreg:$0x17]  }
0x2ef: {  	[tilespmem:s2], [sflag:$0x1] =	stream.linear.gather [hbm4b:s8+s2], $0x640, $0x38;
	[tilespmem:$0x19C80] =	vst v63  }
0x2f0: {  	_ =	swait.ge [sflag:s16], $0x640  }
0x2f1: {  	[sflag:s16] =	ssyncset.done $0x0  }
0x2f2: {  	[sflag:s16] =	ssyncadd.s32 $0xFFFFF9C0  }
0x2f3: {  	_ =	swait.ge [sflag:s9], $0xC800  }
0x2f4: {  	[sflag:s9] =	ssyncset.done $0x0  }
0x2f5: {  	[sflag:s9] =	ssyncadd.s32 $0xFFFF3800  }
0x2f6: {  	[tilespmem:s5], [sflag:$0x4] =	stream.indirect.gather [hbm4b:s3+s6], $0x20, s7, s6, $0xb8;
	[tilespmem:$0x19C80] =	vst v63  }
0x2f7: {  	_ = 	snop  }
0x2f8: {  	[tilespmem:s15], [sflag:$0x4] =	stream.indirect.gather [hbm4b:s3+s6], $0x20, s14, s6, $0xb8;
	[tilespmem:$0x19C80] =	vst v63  }
0x2f9: {  	_ = 	snop  }
0x2fa: {  	[tilespmem:s18], [sflag:$0x4] =	stream.indirect.gather [hbm4b:s3+s6], $0x20, s17, s6, $0xb8;
	[tilespmem:$0x19C80] =	vst v63  }
0x2fb: {  	s20 =	simm.s32 $0x16A80;
	s18 =	simm.s32 $0xAF0  }
0x2fc: {  	[tilespmem:s20], [sflag:$0x4] =	stream.indirect.gather [hbm4b:s3+s6], $0x20, s18, s6, $0xb8;
	[tilespmem:$0x19C80] =	vst v63  }
0x2fd: {  	_ =	swait.ge [sflag:s11], $0x3200  }
0x2fe: {  	[sflag:s11] =	ssyncset.done $0x0  }
0x2ff: {  	[sflag:s11] =	ssyncadd.s32 $0xFFFFCE00  }
0x300: {  	_ =	swait.ge [sflag:s11], $0x3200  }
0x301: {  	[sflag:s11] =	ssyncset.done $0x0  }
0x302: {  	[sflag:s11] =	ssyncadd.s32 $0xFFFFCE00  }
0x303: {  	_ =	swait.ge [sflag:s11], $0x3200  }
0x304: {  	[sflag:s11] =	ssyncset.done $0x0  }
0x305: {  	[sflag:s11] =	ssyncadd.s32 $0xFFFFCE00  }
0x306: {  	_ =	swait.ge [sflag:s11], $0x3200  }
0x307: {  	[sflag:s11] =	ssyncset.done $0x0  }
0x308: {  	s4 =	rddreg [dreg:$0x18];
	[sflag:s11] =	ssyncadd.s32 $0xFFFFCE00  }
0x309: {  	[hbm4b:s4+s2] =	stream.linear.scatter [tilespmem:s5], [sflag:$0x6], $0xC800, $0x38;
	[tilespmem:$0x19C80] =	vst v63  }
0x30a: {  	s8 =	rddreg [dreg:$0x19]  }
0x30b: {  	[tilespmem:s7], [sflag:$0x2] =	stream.linear.gather [hbm4b:s8+s2], $0x640, $0x38;
	[tilespmem:$0x19C80] =	vst v63  }
0x30c: {  	_ =	swait.ge [sflag:s28], $0x640  }
0x30d: {  	[sflag:s28] =	ssyncset.done $0x0  }
0x30e: {  	[sflag:s28] =	ssyncadd.s32 $0xFFFFF9C0  }
0x30f: {  	_ =	swait.ge [sflag:s10], $0xC800  }
0x310: {  	[sflag:s10] =	ssyncset.done $0x0  }
0x311: {  	[sflag:s10] =	ssyncadd.s32 $0xFFFF3800  }
0x312: {  	[tilespmem:s12], [sflag:$0x3] =	stream.indirect.gather [hbm4b:s3+s6], $0x20, s2, s6, $0xb8;
	[tilespmem:$0x19C80] =	vst v63  }
0x313: {  	_ = 	snop  }
0x314: {  	[tilespmem:s23], [sflag:$0x3] =	stream.indirect.gather [hbm4b:s3+s6], $0x20, s6, s6, $0xb8;
	[tilespmem:$0x19C80] =	vst v63  }
0x315: {  	_ = 	snop  }
0x316: {  	[tilespmem:s25], [sflag:$0x3] =	stream.indirect.gather [hbm4b:s3+s6], $0x20, s24, s6, $0xb8;
	[tilespmem:$0x19C80] =	vst v63  }
0x317: {  	_ = 	snop  }
0x318: {  	[tilespmem:s29], [sflag:$0x3] =	stream.indirect.gather [hbm4b:s3+s6], $0x20, s26, s6, $0xb8;
	[tilespmem:$0x19C80] =	vst v63  }
0x319: {  	_ =	swait.ge [sflag:s19], $0x3200  }
0x31a: {  	[sflag:s19] =	ssyncset.done $0x0  }
0x31b: {  	[sflag:s19] =	ssyncadd.s32 $0xFFFFCE00  }
0x31c: {  	_ =	swait.ge [sflag:s19], $0x3200  }
0x31d: {  	[sflag:s19] =	ssyncset.done $0x0  }
0x31e: {  	[sflag:s19] =	ssyncadd.s32 $0xFFFFCE00  }
0x31f: {  	_ =	swait.ge [sflag:s19], $0x3200  }
0x320: {  	[sflag:s19] =	ssyncset.done $0x0  }
0x321: {  	[sflag:s19] =	ssyncadd.s32 $0xFFFFCE00  }
0x322: {  	_ =	swait.ge [sflag:s19], $0x3200  }
0x323: {  	[sflag:s19] =	ssyncset.done $0x0  }
0x324: {  	s4 =	rddreg [dreg:$0x1a];
	[sflag:s19] =	ssyncadd.s32 $0xFFFFCE00  }
0x325: {  	[hbm4b:s4+s2] =	stream.linear.scatter [tilespmem:s12], [sflag:$0x5], $0xC800, $0x38;
	[tilespmem:$0x19C80] =	vst v63  }
0x326: {  	s8 =	rddreg [dreg:$0x1b]  }
0x327: {  	[tilespmem:s2], [sflag:$0x1] =	stream.linear.gather [hbm4b:s8+s2], $0x640, $0x38;
	[tilespmem:$0x19C80] =	vst v63  }
0x328: {  	_ =	swait.ge [sflag:s16], $0x640  }
0x329: {  	[sflag:s16] =	ssyncset.done $0x0  }
0x32a: {  	[sflag:s16] =	ssyncadd.s32 $0xFFFFF9C0  }
0x32b: {  	_ =	swait.ge [sflag:s9], $0xC800  }
0x32c: {  	[sflag:s9] =	ssyncset.done $0x0  }
0x32d: {  	[sflag:s9] =	ssyncadd.s32 $0xFFFF3800  }
0x32e: {  	[tilespmem:s5], [sflag:$0x4] =	stream.indirect.gather [hbm4b:s3+s6], $0x20, s7, s6, $0xb8;
	[tilespmem:$0x19C80] =	vst v63  }
0x32f: {  	_ = 	snop  }
0x330: {  	[tilespmem:s15], [sflag:$0x4] =	stream.indirect.gather [hbm4b:s3+s6], $0x20, s14, s6, $0xb8;
	[tilespmem:$0x19C80] =	vst v63  }
0x331: {  	s17 =	simm.s32 $0x13880;
	s15 =	simm.s32 $0x960  }
0x332: {  	[tilespmem:s17], [sflag:$0x4] =	stream.indirect.gather [hbm4b:s3+s6], $0x20, s15, s6, $0xb8;
	[tilespmem:$0x19C80] =	vst v63  }
0x333: {  	_ = 	snop  }
0x334: {  	[tilespmem:s20], [sflag:$0x4] =	stream.indirect.gather [hbm4b:s3+s6], $0x20, s18, s6, $0xb8;
	[tilespmem:$0x19C80] =	vst v63  }
0x335: {  	_ =	swait.ge [sflag:s11], $0x3200  }
0x336: {  	[sflag:s11] =	ssyncset.done $0x0  }
0x337: {  	[sflag:s11] =	ssyncadd.s32 $0xFFFFCE00  }
0x338: {  	_ =	swait.ge [sflag:s11], $0x3200  }
0x339: {  	[sflag:s11] =	ssyncset.done $0x0  }
0x33a: {  	[sflag:s11] =	ssyncadd.s32 $0xFFFFCE00  }
0x33b: {  	_ =	swait.ge [sflag:s11], $0x3200  }
0x33c: {  	[sflag:s11] =	ssyncset.done $0x0  }
0x33d: {  	[sflag:s11] =	ssyncadd.s32 $0xFFFFCE00  }
0x33e: {  	_ =	swait.ge [sflag:s11], $0x3200  }
0x33f: {  	[sflag:s11] =	ssyncset.done $0x0  }
0x340: {  	s4 =	rddreg [dreg:$0x1c];
	[sflag:s11] =	ssyncadd.s32 $0xFFFFCE00  }
0x341: {  	[hbm4b:s4+s2] =	stream.linear.scatter [tilespmem:s5], [sflag:$0x6], $0xC800, $0x38;
	[tilespmem:$0x19C80] =	vst v63  }
0x342: {  	s8 =	rddreg [dreg:$0x1d];
	s4 =	smov.u32 s21  }
0x343: {  	s21 =	smov.u32 s22;
	s22 =	smov.u32 s30;
	s30 =	rddreg [dreg:$0x1e]  }
0x344: {  	[tilespmem:s7], [sflag:$0x2] =	stream.linear.gather [hbm4b:s8+s2], $0x640, $0x38;
	[tilespmem:$0x19C80] =	vst v63  }
0x345: {  	s8 =	rddreg [dreg:$0x1f];
	_ =	swait.ge [sflag:s28], $0x640  }
0x346: {  	[sflag:s28] =	ssyncset.done $0x0  }
0x347: {  	[sflag:s28] =	ssyncadd.s32 $0xFFFFF9C0  }
0x348: {  	_ =	swait.ge [sflag:s10], $0xC800  }
0x349: {  	[sflag:s10] =	ssyncset.done $0x0  }
0x34a: {  	[sflag:s10] =	ssyncadd.s32 $0xFFFF3800  }
0x34b: {  	[tilespmem:s12], [sflag:$0x3] =	stream.indirect.gather [hbm4b:s3+s6], $0x20, s2, s6, $0xb8;
	[tilespmem:$0x19C80] =	vst v63  }
0x34c: {  	_ = 	snop  }
0x34d: {  	[tilespmem:s23], [sflag:$0x3] =	stream.indirect.gather [hbm4b:s3+s6], $0x20, s6, s6, $0xb8;
	[tilespmem:$0x19C80] =	vst v63  }
0x34e: {  	_ = 	snop  }
0x34f: {  	[tilespmem:s25], [sflag:$0x3] =	stream.indirect.gather [hbm4b:s3+s6], $0x20, s24, s6, $0xb8;
	[tilespmem:$0x19C80] =	vst v63  }
0x350: {  	_ = 	snop  }
0x351: {  	[tilespmem:s29], [sflag:$0x3] =	stream.indirect.gather [hbm4b:s3+s6], $0x20, s26, s6, $0xb8;
	[tilespmem:$0x19C80] =	vst v63  }
0x352: {  	_ =	swait.ge [sflag:s19], $0x3200  }
0x353: {  	[sflag:s19] =	ssyncset.done $0x0  }
0x354: {  	[sflag:s19] =	ssyncadd.s32 $0xFFFFCE00  }
0x355: {  	_ =	swait.ge [sflag:s19], $0x3200  }
0x356: {  	[sflag:s19] =	ssyncset.done $0x0  }
0x357: {  	[sflag:s19] =	ssyncadd.s32 $0xFFFFCE00  }
0x358: {  	_ =	swait.ge [sflag:s19], $0x3200  }
0x359: {  	[sflag:s19] =	ssyncset.done $0x0  }
0x35a: {  	[sflag:s19] =	ssyncadd.s32 $0xFFFFCE00  }
0x35b: {  	_ =	swait.ge [sflag:s19], $0x3200  }
0x35c: {  	[sflag:s19] =	ssyncset.done $0x0  }
0x35d: {  	[sflag:s19] =	ssyncadd.s32 $0xFFFFCE00  }
0x35e: {  	[hbm4b:s8+s2] =	stream.linear.scatter [tilespmem:s12], [sflag:$0x5], $0xC800, $0x38;
	[tilespmem:$0x19C80] =	vst v63  }
0x35f: {  	_ = 	snop  }
0x360: {  	[tilespmem:s2], [sflag:$0x1] =	stream.linear.gather [hbm4b:s30+s2], $0x640, $0x38;
	[tilespmem:$0x19C80] =	vst v63  }
0x361: {  	_ =	swait.ge [sflag:s16], $0x640  }
0x362: {  	[sflag:s16] =	ssyncset.done $0x0  }
0x363: {  	[sflag:s16] =	ssyncadd.s32 $0xFFFFF9C0  }
0x364: {  	_ =	swait.ge [sflag:s9], $0xC800  }
0x365: {  	[sflag:s9] =	ssyncset.done $0x0  }
0x366: {  	[sflag:s9] =	ssyncadd.s32 $0xFFFF3800  }
0x367: {  	[tilespmem:s5], [sflag:$0x4] =	stream.indirect.gather [hbm4b:s3+s6], $0x20, s7, s6, $0xb8;
	[tilespmem:$0x19C80] =	vst v63  }
0x368: {  	s14 =	simm.s32 $0x10680  }
0x369: {  	[tilespmem:s14], [sflag:$0x4] =	stream.indirect.gather [hbm4b:s3+s6], $0x20, s13, s6, $0xb8;
	[tilespmem:$0x19C80] =	vst v63  }
0x36a: {  	_ = 	snop  }
0x36b: {  	[tilespmem:s17], [sflag:$0x4] =	stream.indirect.gather [hbm4b:s3+s6], $0x20, s15, s6, $0xb8;
	[tilespmem:$0x19C80] =	vst v63  }
0x36c: {  	_ = 	snop  }
0x36d: {  	[tilespmem:s20], [sflag:$0x4] =	stream.indirect.gather [hbm4b:s3+s6], $0x20, s18, s6, $0xb8;
	[tilespmem:$0x19C80] =	vst v63  }
0x36e: {  	_ =	swait.ge [sflag:s11], $0x3200  }
0x36f: {  	[sflag:s11] =	ssyncset.done $0x0  }
0x370: {  	[sflag:s11] =	ssyncadd.s32 $0xFFFFCE00  }
0x371: {  	_ =	swait.ge [sflag:s11], $0x3200  }
0x372: {  	[sflag:s11] =	ssyncset.done $0x0  }
0x373: {  	[sflag:s11] =	ssyncadd.s32 $0xFFFFCE00  }
0x374: {  	_ =	swait.ge [sflag:s11], $0x3200  }
0x375: {  	[sflag:s11] =	ssyncset.done $0x0  }
0x376: {  	[sflag:s11] =	ssyncadd.s32 $0xFFFFCE00  }
0x377: {  	_ =	swait.ge [sflag:s11], $0x3200  }
0x378: {  	[sflag:s11] =	ssyncset.done $0x0  }
0x379: {  	[sflag:s11] =	ssyncadd.s32 $0xFFFFCE00  }
0x37a: {  	[hbm4b:s21+s2] =	stream.linear.scatter [tilespmem:s5], [sflag:$0x6], $0xC800, $0x38;
	[tilespmem:$0x19C80] =	vst v63  }
0x37b: {  	_ = 	snop  }
0x37c: {  	[tilespmem:s7], [sflag:$0x2] =	stream.linear.gather [hbm4b:s22+s2], $0x640, $0x38;
	[tilespmem:$0x19C80] =	vst v63  }
0x37d: {  	_ =	swait.ge [sflag:s28], $0x640  }
0x37e: {  	[sflag:s28] =	ssyncset.done $0x0  }
0x37f: {  	[sflag:s28] =	ssyncadd.s32 $0xFFFFF9C0  }
0x380: {  	_ =	swait.ge [sflag:s10], $0xC800  }
0x381: {  	[sflag:s10] =	ssyncset.done $0x0  }
0x382: {  	[sflag:s10] =	ssyncadd.s32 $0xFFFF3800  }
0x383: {  	[tilespmem:s12], [sflag:$0x3] =	stream.indirect.gather [hbm4b:s3+s6], $0x20, s2, s6, $0xb8;
	[tilespmem:$0x19C80] =	vst v63  }
0x384: {  	_ = 	snop  }
0x385: {  	[tilespmem:s23], [sflag:$0x3] =	stream.indirect.gather [hbm4b:s3+s6], $0x20, s6, s6, $0xb8;
	[tilespmem:$0x19C80] =	vst v63  }
0x386: {  	_ = 	snop  }
0x387: {  	[tilespmem:s25], [sflag:$0x3] =	stream.indirect.gather [hbm4b:s3+s6], $0x20, s24, s6, $0xb8;
	[tilespmem:$0x19C80] =	vst v63  }
0x388: {  	_ = 	snop  }
0x389: {  	[tilespmem:s29], [sflag:$0x3] =	stream.indirect.gather [hbm4b:s3+s6], $0x20, s26, s6, $0xb8;
	[tilespmem:$0x19C80] =	vst v63  }
0x38a: {  	_ =	swait.ge [sflag:s19], $0x3200  }
0x38b: {  	[sflag:s19] =	ssyncset.done $0x0  }
0x38c: {  	[sflag:s19] =	ssyncadd.s32 $0xFFFFCE00  }
0x38d: {  	_ =	swait.ge [sflag:s19], $0x3200  }
0x38e: {  	[sflag:s19] =	ssyncset.done $0x0  }
0x38f: {  	[sflag:s19] =	ssyncadd.s32 $0xFFFFCE00  }
0x390: {  	_ =	swait.ge [sflag:s19], $0x3200  }
0x391: {  	[sflag:s19] =	ssyncset.done $0x0  }
0x392: {  	[sflag:s19] =	ssyncadd.s32 $0xFFFFCE00  }
0x393: {  	_ =	swait.ge [sflag:s19], $0x3200  }
0x394: {  	[sflag:s19] =	ssyncset.done $0x0  }
0x395: {  	[sflag:s19] =	ssyncadd.s32 $0xFFFFCE00  }
0x396: {  	[hbm4b:s4+s2] =	stream.linear.scatter [tilespmem:s12], [sflag:$0x5], $0xC800, $0x38;
	[tilespmem:$0x19C80] =	vst v63  }
0x397: {  	_ =	swait.ge [sflag:s16], $0x640  }
0x398: {  	[sflag:s16] =	ssyncset.done $0x0  }
0x399: {  	[sflag:s16] =	ssyncadd.s32 $0xFFFFF9C0  }
0x39a: {  	_ =	swait.ge [sflag:s9], $0xC800  }
0x39b: {  	[sflag:s9] =	ssyncset.done $0x0  }
0x39c: {  	[sflag:s9] =	ssyncadd.s32 $0xFFFF3800  }
0x39d: {  	[tilespmem:s5], [sflag:$0x4] =	stream.indirect.gather [hbm4b:s3+s6], $0x20, s7, s6, $0xb8;
	[tilespmem:$0x19C80] =	vst v63  }
0x39e: {  	_ = 	snop  }
0x39f: {  	[tilespmem:s14], [sflag:$0x4] =	stream.indirect.gather [hbm4b:s3+s6], $0x20, s13, s6, $0xb8;
	[tilespmem:$0x19C80] =	vst v63  }
0x3a0: {  	_ = 	snop  }
0x3a1: {  	[tilespmem:s17], [sflag:$0x4] =	stream.indirect.gather [hbm4b:s3+s6], $0x20, s15, s6, $0xb8;
	[tilespmem:$0x19C80] =	vst v63  }
0x3a2: {  	_ = 	snop  }
0x3a3: {  	[tilespmem:s20], [sflag:$0x4] =	stream.indirect.gather [hbm4b:s3+s6], $0x20, s18, s6, $0xb8;
	[tilespmem:$0x19C80] =	vst v63  }
0x3a4: {  	_ =	swait.ge [sflag:s11], $0x3200  }
0x3a5: {  	[sflag:s11] =	ssyncset.done $0x0  }
0x3a6: {  	[sflag:s11] =	ssyncadd.s32 $0xFFFFCE00  }
0x3a7: {  	_ =	swait.ge [sflag:s11], $0x3200  }
0x3a8: {  	[sflag:s11] =	ssyncset.done $0x0  }
0x3a9: {  	[sflag:s11] =	ssyncadd.s32 $0xFFFFCE00  }
0x3aa: {  	_ =	swait.ge [sflag:s11], $0x3200  }
0x3ab: {  	[sflag:s11] =	ssyncset.done $0x0  }
0x3ac: {  	[sflag:s11] =	ssyncadd.s32 $0xFFFFCE00  }
0x3ad: {  	_ =	swait.ge [sflag:s11], $0x3200  }
0x3ae: {  	[sflag:s11] =	ssyncset.done $0x0  }
0x3af: {  	p1 =	sne.s32 s1, $0x1;
	[sflag:s11] =	ssyncadd.s32 $0xFFFFCE00  }
0x3b0: {  	[hbm4b:s31+s2] =	stream.linear.scatter [tilespmem:s5], [sflag:$0x6], $0xC800, $0x38;
	[tilespmem:$0x19C80] =	vst v63  }
.Ltmp2:
0x3b1: {  	_ =	swait.ge [sflag:s10], $0xC800;
	(pc) =	sbr.rel @p1 .LBB2_3-.Ltmp2, $4  }
0x3b2: {  	[sflag:s10] =	ssyncset.done $0x0  }
0x3b3: {  	[sflag:s10] =	ssyncadd.s32 $0xFFFF3800  }
0x3b4: {  	_ =	swait.ge [sflag:s9], $0xC800  }
0x3b5: {  	s1 =	sadd.s32 $0xFFFFFFFF, s1;
	s0 =	rddreg [dreg:$0x4];
	[sflag:s9] =	ssyncset.done $0x0  }
.LBB2_4:
0x3b6: {  	[sflag:s9] =	ssyncadd.s32 @p0 $0xFFFF3800  }
0x3b7: {  	[tilespmem:s2], [sflag:$0x1] =	stream.linear.gather [hbm4b:s0+s2], $0x640, $0x38;
	[tilespmem:$0x19C80] =	vst v63  }
0x3b8: {  	s1 =	rddreg [dreg:$0x5]  }
0x3b9: {  	[tilespmem:s7], [sflag:$0x2] =	stream.linear.gather [hbm4b:s1+s2], $0x640, $0x38;
	[tilespmem:$0x19C80] =	vst v63  }
0x3ba: {  	_ =	swait.ge [sflag:s28], $0x640  }
0x3bb: {  	[sflag:s28] =	ssyncset.done $0x0  }
0x3bc: {  	[sflag:s28] =	ssyncadd.s32 $0xFFFFF9C0  }
0x3bd: {  	[tilespmem:s12], [sflag:$0x3] =	stream.indirect.gather [hbm4b:s3+s6], $0x20, s2, s6, $0xb8;
	[tilespmem:$0x19C80] =	vst v63  }
0x3be: {  	_ = 	snop  }
0x3bf: {  	[tilespmem:s23], [sflag:$0x3] =	stream.indirect.gather [hbm4b:s3+s6], $0x20, s6, s6, $0xb8;
	[tilespmem:$0x19C80] =	vst v63  }
0x3c0: {  	_ = 	snop  }
0x3c1: {  	[tilespmem:s25], [sflag:$0x3] =	stream.indirect.gather [hbm4b:s3+s6], $0x20, s24, s6, $0xb8;
	[tilespmem:$0x19C80] =	vst v63  }
0x3c2: {  	_ = 	snop  }
0x3c3: {  	[tilespmem:s29], [sflag:$0x3] =	stream.indirect.gather [hbm4b:s3+s6], $0x20, s26, s6, $0xb8;
	[tilespmem:$0x19C80] =	vst v63  }
0x3c4: {  	_ =	swait.ge [sflag:s19], $0x3200  }
0x3c5: {  	[sflag:s19] =	ssyncset.done $0x0  }
0x3c6: {  	[sflag:s19] =	ssyncadd.s32 $0xFFFFCE00  }
0x3c7: {  	_ =	swait.ge [sflag:s19], $0x3200  }
0x3c8: {  	[sflag:s19] =	ssyncset.done $0x0  }
0x3c9: {  	[sflag:s19] =	ssyncadd.s32 $0xFFFFCE00  }
0x3ca: {  	_ =	swait.ge [sflag:s19], $0x3200  }
0x3cb: {  	[sflag:s19] =	ssyncset.done $0x0  }
0x3cc: {  	[sflag:s19] =	ssyncadd.s32 $0xFFFFCE00  }
0x3cd: {  	_ =	swait.ge [sflag:s19], $0x3200  }
0x3ce: {  	[sflag:s19] =	ssyncset.done $0x0  }
0x3cf: {  	s0 =	rddreg [dreg:$0x6];
	[sflag:s19] =	ssyncadd.s32 $0xFFFFCE00  }
0x3d0: {  	[hbm4b:s0+s2] =	stream.linear.scatter [tilespmem:s12], [sflag:$0x5], $0xC800, $0x38;
	[tilespmem:$0x19C80] =	vst v63  }
0x3d1: {  	s1 =	rddreg [dreg:$0x7]  }
0x3d2: {  	[tilespmem:s2], [sflag:$0x1] =	stream.linear.gather [hbm4b:s1+s2], $0x640, $0x38;
	[tilespmem:$0x19C80] =	vst v63  }
0x3d3: {  	_ =	swait.ge [sflag:s16], $0x640  }
0x3d4: {  	[sflag:s16] =	ssyncset.done $0x0  }
0x3d5: {  	[sflag:s16] =	ssyncadd.s32 $0xFFFFF9C0  }
0x3d6: {  	[tilespmem:s5], [sflag:$0x4] =	stream.indirect.gather [hbm4b:s3+s6], $0x20, s7, s6, $0xb8;
	[tilespmem:$0x19C80] =	vst v63  }
0x3d7: {  	_ = 	snop  }
0x3d8: {  	[tilespmem:s14], [sflag:$0x4] =	stream.indirect.gather [hbm4b:s3+s6], $0x20, s13, s6, $0xb8;
	[tilespmem:$0x19C80] =	vst v63  }
0x3d9: {  	_ = 	snop  }
0x3da: {  	[tilespmem:s17], [sflag:$0x4] =	stream.indirect.gather [hbm4b:s3+s6], $0x20, s15, s6, $0xb8;
	[tilespmem:$0x19C80] =	vst v63  }
0x3db: {  	_ = 	snop  }
0x3dc: {  	[tilespmem:s20], [sflag:$0x4] =	stream.indirect.gather [hbm4b:s3+s6], $0x20, s18, s6, $0xb8;
	[tilespmem:$0x19C80] =	vst v63  }
0x3dd: {  	_ =	swait.ge [sflag:s11], $0x3200  }
0x3de: {  	[sflag:s11] =	ssyncset.done $0x0  }
0x3df: {  	[sflag:s11] =	ssyncadd.s32 $0xFFFFCE00  }
0x3e0: {  	_ =	swait.ge [sflag:s11], $0x3200  }
0x3e1: {  	[sflag:s11] =	ssyncset.done $0x0  }
0x3e2: {  	[sflag:s11] =	ssyncadd.s32 $0xFFFFCE00  }
0x3e3: {  	_ =	swait.ge [sflag:s11], $0x3200  }
0x3e4: {  	[sflag:s11] =	ssyncset.done $0x0  }
0x3e5: {  	[sflag:s11] =	ssyncadd.s32 $0xFFFFCE00  }
0x3e6: {  	_ =	swait.ge [sflag:s11], $0x3200  }
0x3e7: {  	[sflag:s11] =	ssyncset.done $0x0  }
0x3e8: {  	s0 =	rddreg [dreg:$0x8];
	[sflag:s11] =	ssyncadd.s32 $0xFFFFCE00  }
0x3e9: {  	[hbm4b:s0+s2] =	stream.linear.scatter [tilespmem:s5], [sflag:$0x6], $0xC800, $0x38;
	[tilespmem:$0x19C80] =	vst v63  }
0x3ea: {  	s1 =	rddreg [dreg:$0x9]  }
0x3eb: {  	[tilespmem:s7], [sflag:$0x2] =	stream.linear.gather [hbm4b:s1+s2], $0x640, $0x38;
	[tilespmem:$0x19C80] =	vst v63  }
0x3ec: {  	_ =	swait.ge [sflag:s28], $0x640  }
0x3ed: {  	[sflag:s28] =	ssyncset.done $0x0  }
0x3ee: {  	[sflag:s28] =	ssyncadd.s32 $0xFFFFF9C0  }
0x3ef: {  	_ =	swait.ge [sflag:s10], $0xC800  }
0x3f0: {  	[sflag:s10] =	ssyncset.done $0x0  }
0x3f1: {  	[sflag:s10] =	ssyncadd.s32 $0xFFFF3800  }
0x3f2: {  	[tilespmem:s12], [sflag:$0x3] =	stream.indirect.gather [hbm4b:s3+s6], $0x20, s2, s6, $0xb8;
	[tilespmem:$0x19C80] =	vst v63  }
0x3f3: {  	_ = 	snop  }
0x3f4: {  	[tilespmem:s23], [sflag:$0x3] =	stream.indirect.gather [hbm4b:s3+s6], $0x20, s6, s6, $0xb8;
	[tilespmem:$0x19C80] =	vst v63  }
0x3f5: {  	_ = 	snop  }
0x3f6: {  	[tilespmem:s25], [sflag:$0x3] =	stream.indirect.gather [hbm4b:s3+s6], $0x20, s24, s6, $0xb8;
	[tilespmem:$0x19C80] =	vst v63  }
0x3f7: {  	_ = 	snop  }
0x3f8: {  	[tilespmem:s29], [sflag:$0x3] =	stream.indirect.gather [hbm4b:s3+s6], $0x20, s26, s6, $0xb8;
	[tilespmem:$0x19C80] =	vst v63  }
0x3f9: {  	_ =	swait.ge [sflag:s19], $0x3200  }
0x3fa: {  	[sflag:s19] =	ssyncset.done $0x0  }
0x3fb: {  	[sflag:s19] =	ssyncadd.s32 $0xFFFFCE00  }
0x3fc: {  	_ =	swait.ge [sflag:s19], $0x3200  }
0x3fd: {  	[sflag:s19] =	ssyncset.done $0x0  }
0x3fe: {  	[sflag:s19] =	ssyncadd.s32 $0xFFFFCE00  }
0x3ff: {  	_ =	swait.ge [sflag:s19], $0x3200  }
0x400: {  	[sflag:s19] =	ssyncset.done $0x0  }
0x401: {  	[sflag:s19] =	ssyncadd.s32 $0xFFFFCE00  }
0x402: {  	_ =	swait.ge [sflag:s19], $0x3200  }
0x403: {  	[sflag:s19] =	ssyncset.done $0x0  }
0x404: {  	s0 =	rddreg [dreg:$0xa];
	[sflag:s19] =	ssyncadd.s32 $0xFFFFCE00  }
0x405: {  	[hbm4b:s0+s2] =	stream.linear.scatter [tilespmem:s12], [sflag:$0x5], $0xC800, $0x38;
	[tilespmem:$0x19C80] =	vst v63  }
0x406: {  	s1 =	rddreg [dreg:$0xb]  }
0x407: {  	[tilespmem:s2], [sflag:$0x1] =	stream.linear.gather [hbm4b:s1+s2], $0x640, $0x38;
	[tilespmem:$0x19C80] =	vst v63  }
0x408: {  	_ =	swait.ge [sflag:s16], $0x640  }
0x409: {  	[sflag:s16] =	ssyncset.done $0x0  }
0x40a: {  	[sflag:s16] =	ssyncadd.s32 $0xFFFFF9C0  }
0x40b: {  	_ =	swait.ge [sflag:s9], $0xC800  }
0x40c: {  	[sflag:s9] =	ssyncset.done $0x0  }
0x40d: {  	[sflag:s9] =	ssyncadd.s32 $0xFFFF3800  }
0x40e: {  	[tilespmem:s5], [sflag:$0x4] =	stream.indirect.gather [hbm4b:s3+s6], $0x20, s7, s6, $0xb8;
	[tilespmem:$0x19C80] =	vst v63  }
0x40f: {  	_ = 	snop  }
0x410: {  	[tilespmem:s14], [sflag:$0x4] =	stream.indirect.gather [hbm4b:s3+s6], $0x20, s13, s6, $0xb8;
	[tilespmem:$0x19C80] =	vst v63  }
0x411: {  	_ = 	snop  }
0x412: {  	[tilespmem:s17], [sflag:$0x4] =	stream.indirect.gather [hbm4b:s3+s6], $0x20, s15, s6, $0xb8;
	[tilespmem:$0x19C80] =	vst v63  }
0x413: {  	_ = 	snop  }
0x414: {  	[tilespmem:s20], [sflag:$0x4] =	stream.indirect.gather [hbm4b:s3+s6], $0x20, s18, s6, $0xb8;
	[tilespmem:$0x19C80] =	vst v63  }
0x415: {  	_ =	swait.ge [sflag:s11], $0x3200  }
0x416: {  	[sflag:s11] =	ssyncset.done $0x0  }
0x417: {  	[sflag:s11] =	ssyncadd.s32 $0xFFFFCE00  }
0x418: {  	_ =	swait.ge [sflag:s11], $0x3200  }
0x419: {  	[sflag:s11] =	ssyncset.done $0x0  }
0x41a: {  	[sflag:s11] =	ssyncadd.s32 $0xFFFFCE00  }
0x41b: {  	_ =	swait.ge [sflag:s11], $0x3200  }
0x41c: {  	[sflag:s11] =	ssyncset.done $0x0  }
0x41d: {  	[sflag:s11] =	ssyncadd.s32 $0xFFFFCE00  }
0x41e: {  	_ =	swait.ge [sflag:s11], $0x3200  }
0x41f: {  	[sflag:s11] =	ssyncset.done $0x0  }
0x420: {  	s0 =	rddreg [dreg:$0xc];
	[sflag:s11] =	ssyncadd.s32 $0xFFFFCE00  }
0x421: {  	[hbm4b:s0+s2] =	stream.linear.scatter [tilespmem:s5], [sflag:$0x6], $0xC800, $0x38;
	[tilespmem:$0x19C80] =	vst v63  }
0x422: {  	s1 =	rddreg [dreg:$0xd]  }
0x423: {  	[tilespmem:s7], [sflag:$0x2] =	stream.linear.gather [hbm4b:s1+s2], $0x640, $0x38;
	[tilespmem:$0x19C80] =	vst v63  }
0x424: {  	_ =	swait.ge [sflag:s28], $0x640  }
0x425: {  	[sflag:s28] =	ssyncset.done $0x0  }
0x426: {  	[sflag:s28] =	ssyncadd.s32 $0xFFFFF9C0  }
0x427: {  	_ =	swait.ge [sflag:s10], $0xC800  }
0x428: {  	[sflag:s10] =	ssyncset.done $0x0  }
0x429: {  	[sflag:s10] =	ssyncadd.s32 $0xFFFF3800  }
0x42a: {  	[tilespmem:s12], [sflag:$0x3] =	stream.indirect.gather [hbm4b:s3+s6], $0x20, s2, s6, $0xb8;
	[tilespmem:$0x19C80] =	vst v63  }
0x42b: {  	_ = 	snop  }
0x42c: {  	[tilespmem:s23], [sflag:$0x3] =	stream.indirect.gather [hbm4b:s3+s6], $0x20, s6, s6, $0xb8;
	[tilespmem:$0x19C80] =	vst v63  }
0x42d: {  	_ = 	snop  }
0x42e: {  	[tilespmem:s25], [sflag:$0x3] =	stream.indirect.gather [hbm4b:s3+s6], $0x20, s24, s6, $0xb8;
	[tilespmem:$0x19C80] =	vst v63  }
0x42f: {  	_ = 	snop  }
0x430: {  	[tilespmem:s29], [sflag:$0x3] =	stream.indirect.gather [hbm4b:s3+s6], $0x20, s26, s6, $0xb8;
	[tilespmem:$0x19C80] =	vst v63  }
0x431: {  	_ =	swait.ge [sflag:s19], $0x3200  }
0x432: {  	[sflag:s19] =	ssyncset.done $0x0  }
0x433: {  	[sflag:s19] =	ssyncadd.s32 $0xFFFFCE00  }
0x434: {  	_ =	swait.ge [sflag:s19], $0x3200  }
0x435: {  	[sflag:s19] =	ssyncset.done $0x0  }
0x436: {  	[sflag:s19] =	ssyncadd.s32 $0xFFFFCE00  }
0x437: {  	_ =	swait.ge [sflag:s19], $0x3200  }
0x438: {  	[sflag:s19] =	ssyncset.done $0x0  }
0x439: {  	[sflag:s19] =	ssyncadd.s32 $0xFFFFCE00  }
0x43a: {  	_ =	swait.ge [sflag:s19], $0x3200  }
0x43b: {  	[sflag:s19] =	ssyncset.done $0x0  }
0x43c: {  	s0 =	rddreg [dreg:$0xe];
	[sflag:s19] =	ssyncadd.s32 $0xFFFFCE00  }
0x43d: {  	[hbm4b:s0+s2] =	stream.linear.scatter [tilespmem:s12], [sflag:$0x5], $0xC800, $0x38;
	[tilespmem:$0x19C80] =	vst v63  }
0x43e: {  	s1 =	rddreg [dreg:$0xf]  }
0x43f: {  	[tilespmem:s2], [sflag:$0x1] =	stream.linear.gather [hbm4b:s1+s2], $0x640, $0x38;
	[tilespmem:$0x19C80] =	vst v63  }
0x440: {  	_ =	swait.ge [sflag:s16], $0x640  }
0x441: {  	[sflag:s16] =	ssyncset.done $0x0  }
0x442: {  	[sflag:s16] =	ssyncadd.s32 $0xFFFFF9C0  }
0x443: {  	_ =	swait.ge [sflag:s9], $0xC800  }
0x444: {  	[sflag:s9] =	ssyncset.done $0x0  }
0x445: {  	[sflag:s9] =	ssyncadd.s32 $0xFFFF3800  }
0x446: {  	[tilespmem:s5], [sflag:$0x4] =	stream.indirect.gather [hbm4b:s3+s6], $0x20, s7, s6, $0xb8;
	[tilespmem:$0x19C80] =	vst v63  }
0x447: {  	_ = 	snop  }
0x448: {  	[tilespmem:s14], [sflag:$0x4] =	stream.indirect.gather [hbm4b:s3+s6], $0x20, s13, s6, $0xb8;
	[tilespmem:$0x19C80] =	vst v63  }
0x449: {  	_ = 	snop  }
0x44a: {  	[tilespmem:s17], [sflag:$0x4] =	stream.indirect.gather [hbm4b:s3+s6], $0x20, s15, s6, $0xb8;
	[tilespmem:$0x19C80] =	vst v63  }
0x44b: {  	_ = 	snop  }
0x44c: {  	[tilespmem:s20], [sflag:$0x4] =	stream.indirect.gather [hbm4b:s3+s6], $0x20, s18, s6, $0xb8;
	[tilespmem:$0x19C80] =	vst v63  }
0x44d: {  	_ =	swait.ge [sflag:s11], $0x3200  }
0x44e: {  	[sflag:s11] =	ssyncset.done $0x0  }
0x44f: {  	[sflag:s11] =	ssyncadd.s32 $0xFFFFCE00  }
0x450: {  	_ =	swait.ge [sflag:s11], $0x3200  }
0x451: {  	[sflag:s11] =	ssyncset.done $0x0  }
0x452: {  	[sflag:s11] =	ssyncadd.s32 $0xFFFFCE00  }
0x453: {  	_ =	swait.ge [sflag:s11], $0x3200  }
0x454: {  	[sflag:s11] =	ssyncset.done $0x0  }
0x455: {  	[sflag:s11] =	ssyncadd.s32 $0xFFFFCE00  }
0x456: {  	_ =	swait.ge [sflag:s11], $0x3200  }
0x457: {  	[sflag:s11] =	ssyncset.done $0x0  }
0x458: {  	s0 =	rddreg [dreg:$0x10];
	[sflag:s11] =	ssyncadd.s32 $0xFFFFCE00  }
0x459: {  	[hbm4b:s0+s2] =	stream.linear.scatter [tilespmem:s5], [sflag:$0x6], $0xC800, $0x38;
	[tilespmem:$0x19C80] =	vst v63  }
0x45a: {  	s1 =	rddreg [dreg:$0x11]  }
0x45b: {  	[tilespmem:s7], [sflag:$0x2] =	stream.linear.gather [hbm4b:s1+s2], $0x640, $0x38;
	[tilespmem:$0x19C80] =	vst v63  }
0x45c: {  	_ =	swait.ge [sflag:s28], $0x640  }
0x45d: {  	[sflag:s28] =	ssyncset.done $0x0  }
0x45e: {  	[sflag:s28] =	ssyncadd.s32 $0xFFFFF9C0  }
0x45f: {  	_ =	swait.ge [sflag:s10], $0xC800  }
0x460: {  	[sflag:s10] =	ssyncset.done $0x0  }
0x461: {  	[sflag:s10] =	ssyncadd.s32 $0xFFFF3800  }
0x462: {  	[tilespmem:s12], [sflag:$0x3] =	stream.indirect.gather [hbm4b:s3+s6], $0x20, s2, s6, $0xb8;
	[tilespmem:$0x19C80] =	vst v63  }
0x463: {  	_ = 	snop  }
0x464: {  	[tilespmem:s23], [sflag:$0x3] =	stream.indirect.gather [hbm4b:s3+s6], $0x20, s6, s6, $0xb8;
	[tilespmem:$0x19C80] =	vst v63  }
0x465: {  	_ = 	snop  }
0x466: {  	[tilespmem:s25], [sflag:$0x3] =	stream.indirect.gather [hbm4b:s3+s6], $0x20, s24, s6, $0xb8;
	[tilespmem:$0x19C80] =	vst v63  }
0x467: {  	_ = 	snop  }
0x468: {  	[tilespmem:s29], [sflag:$0x3] =	stream.indirect.gather [hbm4b:s3+s6], $0x20, s26, s6, $0xb8;
	[tilespmem:$0x19C80] =	vst v63  }
0x469: {  	_ =	swait.ge [sflag:s19], $0x3200  }
0x46a: {  	[sflag:s19] =	ssyncset.done $0x0  }
0x46b: {  	[sflag:s19] =	ssyncadd.s32 $0xFFFFCE00  }
0x46c: {  	_ =	swait.ge [sflag:s19], $0x3200  }
0x46d: {  	[sflag:s19] =	ssyncset.done $0x0  }
0x46e: {  	[sflag:s19] =	ssyncadd.s32 $0xFFFFCE00  }
0x46f: {  	_ =	swait.ge [sflag:s19], $0x3200  }
0x470: {  	[sflag:s19] =	ssyncset.done $0x0  }
0x471: {  	[sflag:s19] =	ssyncadd.s32 $0xFFFFCE00  }
0x472: {  	_ =	swait.ge [sflag:s19], $0x3200  }
0x473: {  	[sflag:s19] =	ssyncset.done $0x0  }
0x474: {  	s0 =	rddreg [dreg:$0x12];
	[sflag:s19] =	ssyncadd.s32 $0xFFFFCE00  }
0x475: {  	[hbm4b:s0+s2] =	stream.linear.scatter [tilespmem:s12], [sflag:$0x5], $0xC800, $0x38;
	[tilespmem:$0x19C80] =	vst v63  }
0x476: {  	s1 =	rddreg [dreg:$0x13]  }
0x477: {  	[tilespmem:s2], [sflag:$0x1] =	stream.linear.gather [hbm4b:s1+s2], $0x640, $0x38;
	[tilespmem:$0x19C80] =	vst v63  }
0x478: {  	_ =	swait.ge [sflag:s16], $0x640  }
0x479: {  	[sflag:s16] =	ssyncset.done $0x0  }
0x47a: {  	[sflag:s16] =	ssyncadd.s32 $0xFFFFF9C0  }
0x47b: {  	_ =	swait.ge [sflag:s9], $0xC800  }
0x47c: {  	[sflag:s9] =	ssyncset.done $0x0  }
0x47d: {  	[sflag:s9] =	ssyncadd.s32 $0xFFFF3800  }
0x47e: {  	[tilespmem:s5], [sflag:$0x4] =	stream.indirect.gather [hbm4b:s3+s6], $0x20, s7, s6, $0xb8;
	[tilespmem:$0x19C80] =	vst v63  }
0x47f: {  	_ = 	snop  }
0x480: {  	[tilespmem:s14], [sflag:$0x4] =	stream.indirect.gather [hbm4b:s3+s6], $0x20, s13, s6, $0xb8;
	[tilespmem:$0x19C80] =	vst v63  }
0x481: {  	_ = 	snop  }
0x482: {  	[tilespmem:s17], [sflag:$0x4] =	stream.indirect.gather [hbm4b:s3+s6], $0x20, s15, s6, $0xb8;
	[tilespmem:$0x19C80] =	vst v63  }
0x483: {  	_ = 	snop  }
0x484: {  	[tilespmem:s20], [sflag:$0x4] =	stream.indirect.gather [hbm4b:s3+s6], $0x20, s18, s6, $0xb8;
	[tilespmem:$0x19C80] =	vst v63  }
0x485: {  	_ =	swait.ge [sflag:s11], $0x3200  }
0x486: {  	[sflag:s11] =	ssyncset.done $0x0  }
0x487: {  	[sflag:s11] =	ssyncadd.s32 $0xFFFFCE00  }
0x488: {  	_ =	swait.ge [sflag:s11], $0x3200  }
0x489: {  	[sflag:s11] =	ssyncset.done $0x0  }
0x48a: {  	[sflag:s11] =	ssyncadd.s32 $0xFFFFCE00  }
0x48b: {  	_ =	swait.ge [sflag:s11], $0x3200  }
0x48c: {  	[sflag:s11] =	ssyncset.done $0x0  }
0x48d: {  	[sflag:s11] =	ssyncadd.s32 $0xFFFFCE00  }
0x48e: {  	_ =	swait.ge [sflag:s11], $0x3200  }
0x48f: {  	[sflag:s11] =	ssyncset.done $0x0  }
0x490: {  	s0 =	rddreg [dreg:$0x14];
	[sflag:s11] =	ssyncadd.s32 $0xFFFFCE00  }
0x491: {  	[hbm4b:s0+s2] =	stream.linear.scatter [tilespmem:s5], [sflag:$0x6], $0xC800, $0x38;
	[tilespmem:$0x19C80] =	vst v63  }
0x492: {  	s1 =	rddreg [dreg:$0x15]  }
0x493: {  	[tilespmem:s7], [sflag:$0x2] =	stream.linear.gather [hbm4b:s1+s2], $0x640, $0x38;
	[tilespmem:$0x19C80] =	vst v63  }
0x494: {  	_ =	swait.ge [sflag:s28], $0x640  }
0x495: {  	[sflag:s28] =	ssyncset.done $0x0  }
0x496: {  	[sflag:s28] =	ssyncadd.s32 $0xFFFFF9C0  }
0x497: {  	_ =	swait.ge [sflag:s10], $0xC800  }
0x498: {  	[sflag:s10] =	ssyncset.done $0x0  }
0x499: {  	[sflag:s10] =	ssyncadd.s32 $0xFFFF3800  }
0x49a: {  	[tilespmem:s12], [sflag:$0x3] =	stream.indirect.gather [hbm4b:s3+s6], $0x20, s2, s6, $0xb8;
	[tilespmem:$0x19C80] =	vst v63  }
0x49b: {  	_ = 	snop  }
0x49c: {  	[tilespmem:s23], [sflag:$0x3] =	stream.indirect.gather [hbm4b:s3+s6], $0x20, s6, s6, $0xb8;
	[tilespmem:$0x19C80] =	vst v63  }
0x49d: {  	_ = 	snop  }
0x49e: {  	[tilespmem:s25], [sflag:$0x3] =	stream.indirect.gather [hbm4b:s3+s6], $0x20, s24, s6, $0xb8;
	[tilespmem:$0x19C80] =	vst v63  }
0x49f: {  	_ = 	snop  }
0x4a0: {  	[tilespmem:s29], [sflag:$0x3] =	stream.indirect.gather [hbm4b:s3+s6], $0x20, s26, s6, $0xb8;
	[tilespmem:$0x19C80] =	vst v63  }
0x4a1: {  	_ =	swait.ge [sflag:s19], $0x3200  }
0x4a2: {  	[sflag:s19] =	ssyncset.done $0x0  }
0x4a3: {  	[sflag:s19] =	ssyncadd.s32 $0xFFFFCE00  }
0x4a4: {  	_ =	swait.ge [sflag:s19], $0x3200  }
0x4a5: {  	[sflag:s19] =	ssyncset.done $0x0  }
0x4a6: {  	[sflag:s19] =	ssyncadd.s32 $0xFFFFCE00  }
0x4a7: {  	_ =	swait.ge [sflag:s19], $0x3200  }
0x4a8: {  	[sflag:s19] =	ssyncset.done $0x0  }
0x4a9: {  	[sflag:s19] =	ssyncadd.s32 $0xFFFFCE00  }
0x4aa: {  	_ =	swait.ge [sflag:s19], $0x3200  }
0x4ab: {  	[sflag:s19] =	ssyncset.done $0x0  }
0x4ac: {  	s0 =	rddreg [dreg:$0x16];
	[sflag:s19] =	ssyncadd.s32 $0xFFFFCE00  }
0x4ad: {  	[hbm4b:s0+s2] =	stream.linear.scatter [tilespmem:s12], [sflag:$0x5], $0xC800, $0x38;
	[tilespmem:$0x19C80] =	vst v63  }
0x4ae: {  	s1 =	rddreg [dreg:$0x17]  }
0x4af: {  	[tilespmem:s2], [sflag:$0x1] =	stream.linear.gather [hbm4b:s1+s2], $0x640, $0x38;
	[tilespmem:$0x19C80] =	vst v63  }
0x4b0: {  	_ =	swait.ge [sflag:s16], $0x640  }
0x4b1: {  	[sflag:s16] =	ssyncset.done $0x0  }
0x4b2: {  	[sflag:s16] =	ssyncadd.s32 $0xFFFFF9C0  }
0x4b3: {  	_ =	swait.ge [sflag:s9], $0xC800  }
0x4b4: {  	[sflag:s9] =	ssyncset.done $0x0  }
0x4b5: {  	[sflag:s9] =	ssyncadd.s32 $0xFFFF3800  }
0x4b6: {  	[tilespmem:s5], [sflag:$0x4] =	stream.indirect.gather [hbm4b:s3+s6], $0x20, s7, s6, $0xb8;
	[tilespmem:$0x19C80] =	vst v63  }
0x4b7: {  	_ = 	snop  }
0x4b8: {  	[tilespmem:s14], [sflag:$0x4] =	stream.indirect.gather [hbm4b:s3+s6], $0x20, s13, s6, $0xb8;
	[tilespmem:$0x19C80] =	vst v63  }
0x4b9: {  	_ = 	snop  }
0x4ba: {  	[tilespmem:s17], [sflag:$0x4] =	stream.indirect.gather [hbm4b:s3+s6], $0x20, s15, s6, $0xb8;
	[tilespmem:$0x19C80] =	vst v63  }
0x4bb: {  	_ = 	snop  }
0x4bc: {  	[tilespmem:s20], [sflag:$0x4] =	stream.indirect.gather [hbm4b:s3+s6], $0x20, s18, s6, $0xb8;
	[tilespmem:$0x19C80] =	vst v63  }
0x4bd: {  	_ =	swait.ge [sflag:s11], $0x3200  }
0x4be: {  	[sflag:s11] =	ssyncset.done $0x0  }
0x4bf: {  	[sflag:s11] =	ssyncadd.s32 $0xFFFFCE00  }
0x4c0: {  	_ =	swait.ge [sflag:s11], $0x3200  }
0x4c1: {  	[sflag:s11] =	ssyncset.done $0x0  }
0x4c2: {  	[sflag:s11] =	ssyncadd.s32 $0xFFFFCE00  }
0x4c3: {  	_ =	swait.ge [sflag:s11], $0x3200  }
0x4c4: {  	[sflag:s11] =	ssyncset.done $0x0  }
0x4c5: {  	[sflag:s11] =	ssyncadd.s32 $0xFFFFCE00  }
0x4c6: {  	_ =	swait.ge [sflag:s11], $0x3200  }
0x4c7: {  	[sflag:s11] =	ssyncset.done $0x0  }
0x4c8: {  	s0 =	rddreg [dreg:$0x18];
	[sflag:s11] =	ssyncadd.s32 $0xFFFFCE00  }
0x4c9: {  	[hbm4b:s0+s2] =	stream.linear.scatter [tilespmem:s5], [sflag:$0x6], $0xC800, $0x38;
	[tilespmem:$0x19C80] =	vst v63  }
0x4ca: {  	s1 =	rddreg [dreg:$0x19]  }
0x4cb: {  	[tilespmem:s7], [sflag:$0x2] =	stream.linear.gather [hbm4b:s1+s2], $0x640, $0x38;
	[tilespmem:$0x19C80] =	vst v63  }
0x4cc: {  	_ =	swait.ge [sflag:s28], $0x640  }
0x4cd: {  	[sflag:s28] =	ssyncset.done $0x0  }
0x4ce: {  	[sflag:s28] =	ssyncadd.s32 $0xFFFFF9C0  }
0x4cf: {  	_ =	swait.ge [sflag:s10], $0xC800  }
0x4d0: {  	[sflag:s10] =	ssyncset.done $0x0  }
0x4d1: {  	[sflag:s10] =	ssyncadd.s32 $0xFFFF3800  }
0x4d2: {  	[tilespmem:s12], [sflag:$0x3] =	stream.indirect.gather [hbm4b:s3+s6], $0x20, s2, s6, $0xb8;
	[tilespmem:$0x19C80] =	vst v63  }
0x4d3: {  	_ = 	snop  }
0x4d4: {  	[tilespmem:s23], [sflag:$0x3] =	stream.indirect.gather [hbm4b:s3+s6], $0x20, s6, s6, $0xb8;
	[tilespmem:$0x19C80] =	vst v63  }
0x4d5: {  	_ = 	snop  }
0x4d6: {  	[tilespmem:s25], [sflag:$0x3] =	stream.indirect.gather [hbm4b:s3+s6], $0x20, s24, s6, $0xb8;
	[tilespmem:$0x19C80] =	vst v63  }
0x4d7: {  	_ = 	snop  }
0x4d8: {  	[tilespmem:s29], [sflag:$0x3] =	stream.indirect.gather [hbm4b:s3+s6], $0x20, s26, s6, $0xb8;
	[tilespmem:$0x19C80] =	vst v63  }
0x4d9: {  	_ =	swait.ge [sflag:s19], $0x3200  }
0x4da: {  	[sflag:s19] =	ssyncset.done $0x0  }
0x4db: {  	[sflag:s19] =	ssyncadd.s32 $0xFFFFCE00  }
0x4dc: {  	_ =	swait.ge [sflag:s19], $0x3200  }
0x4dd: {  	[sflag:s19] =	ssyncset.done $0x0  }
0x4de: {  	[sflag:s19] =	ssyncadd.s32 $0xFFFFCE00  }
0x4df: {  	_ =	swait.ge [sflag:s19], $0x3200  }
0x4e0: {  	[sflag:s19] =	ssyncset.done $0x0  }
0x4e1: {  	[sflag:s19] =	ssyncadd.s32 $0xFFFFCE00  }
0x4e2: {  	_ =	swait.ge [sflag:s19], $0x3200  }
0x4e3: {  	[sflag:s19] =	ssyncset.done $0x0  }
0x4e4: {  	s0 =	rddreg [dreg:$0x1a];
	[sflag:s19] =	ssyncadd.s32 $0xFFFFCE00  }
0x4e5: {  	[hbm4b:s0+s2] =	stream.linear.scatter [tilespmem:s12], [sflag:$0x5], $0xC800, $0x38;
	[tilespmem:$0x19C80] =	vst v63  }
0x4e6: {  	s1 =	rddreg [dreg:$0x1b]  }
0x4e7: {  	[tilespmem:s2], [sflag:$0x1] =	stream.linear.gather [hbm4b:s1+s2], $0x640, $0x38;
	[tilespmem:$0x19C80] =	vst v63  }
0x4e8: {  	_ =	swait.ge [sflag:s16], $0x640  }
0x4e9: {  	[sflag:s16] =	ssyncset.done $0x0  }
0x4ea: {  	[sflag:s16] =	ssyncadd.s32 $0xFFFFF9C0  }
0x4eb: {  	_ =	swait.ge [sflag:s9], $0xC800  }
0x4ec: {  	[sflag:s9] =	ssyncset.done $0x0  }
0x4ed: {  	[sflag:s9] =	ssyncadd.s32 $0xFFFF3800  }
0x4ee: {  	[tilespmem:s5], [sflag:$0x4] =	stream.indirect.gather [hbm4b:s3+s6], $0x20, s7, s6, $0xb8;
	[tilespmem:$0x19C80] =	vst v63  }
0x4ef: {  	_ = 	snop  }
0x4f0: {  	[tilespmem:s14], [sflag:$0x4] =	stream.indirect.gather [hbm4b:s3+s6], $0x20, s13, s6, $0xb8;
	[tilespmem:$0x19C80] =	vst v63  }
0x4f1: {  	_ = 	snop  }
0x4f2: {  	[tilespmem:s17], [sflag:$0x4] =	stream.indirect.gather [hbm4b:s3+s6], $0x20, s15, s6, $0xb8;
	[tilespmem:$0x19C80] =	vst v63  }
0x4f3: {  	_ = 	snop  }
0x4f4: {  	[tilespmem:s20], [sflag:$0x4] =	stream.indirect.gather [hbm4b:s3+s6], $0x20, s18, s6, $0xb8;
	[tilespmem:$0x19C80] =	vst v63  }
0x4f5: {  	_ =	swait.ge [sflag:s11], $0x3200  }
0x4f6: {  	[sflag:s11] =	ssyncset.done $0x0  }
0x4f7: {  	[sflag:s11] =	ssyncadd.s32 $0xFFFFCE00  }
0x4f8: {  	_ =	swait.ge [sflag:s11], $0x3200  }
0x4f9: {  	[sflag:s11] =	ssyncset.done $0x0  }
0x4fa: {  	[sflag:s11] =	ssyncadd.s32 $0xFFFFCE00  }
0x4fb: {  	_ =	swait.ge [sflag:s11], $0x3200  }
0x4fc: {  	[sflag:s11] =	ssyncset.done $0x0  }
0x4fd: {  	[sflag:s11] =	ssyncadd.s32 $0xFFFFCE00  }
0x4fe: {  	_ =	swait.ge [sflag:s11], $0x3200  }
0x4ff: {  	[sflag:s11] =	ssyncset.done $0x0  }
0x500: {  	s0 =	rddreg [dreg:$0x1c];
	[sflag:s11] =	ssyncadd.s32 $0xFFFFCE00  }
0x501: {  	[hbm4b:s0+s2] =	stream.linear.scatter [tilespmem:s5], [sflag:$0x6], $0xC800, $0x38;
	[tilespmem:$0x19C80] =	vst v63  }
0x502: {  	s1 =	rddreg [dreg:$0x1d]  }
0x503: {  	[tilespmem:s7], [sflag:$0x2] =	stream.linear.gather [hbm4b:s1+s2], $0x640, $0x38;
	[tilespmem:$0x19C80] =	vst v63  }
0x504: {  	_ =	swait.ge [sflag:s28], $0x640  }
0x505: {  	[sflag:s28] =	ssyncset.done $0x0  }
0x506: {  	[sflag:s28] =	ssyncadd.s32 $0xFFFFF9C0  }
0x507: {  	_ =	swait.ge [sflag:s10], $0xC800  }
0x508: {  	[sflag:s10] =	ssyncset.done $0x0  }
0x509: {  	[sflag:s10] =	ssyncadd.s32 $0xFFFF3800  }
0x50a: {  	[tilespmem:s12], [sflag:$0x3] =	stream.indirect.gather [hbm4b:s3+s6], $0x20, s2, s6, $0xb8;
	[tilespmem:$0x19C80] =	vst v63  }
0x50b: {  	_ = 	snop  }
0x50c: {  	[tilespmem:s23], [sflag:$0x3] =	stream.indirect.gather [hbm4b:s3+s6], $0x20, s6, s6, $0xb8;
	[tilespmem:$0x19C80] =	vst v63  }
0x50d: {  	_ = 	snop  }
0x50e: {  	[tilespmem:s25], [sflag:$0x3] =	stream.indirect.gather [hbm4b:s3+s6], $0x20, s24, s6, $0xb8;
	[tilespmem:$0x19C80] =	vst v63  }
0x50f: {  	_ = 	snop  }
0x510: {  	[tilespmem:s29], [sflag:$0x3] =	stream.indirect.gather [hbm4b:s3+s6], $0x20, s26, s6, $0xb8;
	[tilespmem:$0x19C80] =	vst v63  }
0x511: {  	_ =	swait.ge [sflag:s19], $0x3200  }
0x512: {  	[sflag:s19] =	ssyncset.done $0x0  }
0x513: {  	[sflag:s19] =	ssyncadd.s32 $0xFFFFCE00  }
0x514: {  	_ =	swait.ge [sflag:s19], $0x3200  }
0x515: {  	[sflag:s19] =	ssyncset.done $0x0  }
0x516: {  	[sflag:s19] =	ssyncadd.s32 $0xFFFFCE00  }
0x517: {  	_ =	swait.ge [sflag:s19], $0x3200  }
0x518: {  	[sflag:s19] =	ssyncset.done $0x0  }
0x519: {  	[sflag:s19] =	ssyncadd.s32 $0xFFFFCE00  }
0x51a: {  	_ =	swait.ge [sflag:s19], $0x3200  }
0x51b: {  	[sflag:s19] =	ssyncset.done $0x0  }
0x51c: {  	[sflag:s19] =	ssyncadd.s32 $0xFFFFCE00  }
0x51d: {  	[hbm4b:s8+s2] =	stream.linear.scatter [tilespmem:s12], [sflag:$0x5], $0xC800, $0x38;
	[tilespmem:$0x19C80] =	vst v63  }
0x51e: {  	_ = 	snop  }
0x51f: {  	[tilespmem:s2], [sflag:$0x1] =	stream.linear.gather [hbm4b:s30+s2], $0x640, $0x38;
	[tilespmem:$0x19C80] =	vst v63  }
0x520: {  	_ =	swait.ge [sflag:s16], $0x640  }
0x521: {  	[sflag:s16] =	ssyncset.done $0x0  }
0x522: {  	[sflag:s16] =	ssyncadd.s32 $0xFFFFF9C0  }
0x523: {  	_ =	swait.ge [sflag:s9], $0xC800  }
0x524: {  	[sflag:s9] =	ssyncset.done $0x0  }
0x525: {  	[sflag:s9] =	ssyncadd.s32 $0xFFFF3800  }
0x526: {  	[tilespmem:s5], [sflag:$0x4] =	stream.indirect.gather [hbm4b:s3+s6], $0x20, s7, s6, $0xb8;
	[tilespmem:$0x19C80] =	vst v63  }
0x527: {  	_ = 	snop  }
0x528: {  	[tilespmem:s14], [sflag:$0x4] =	stream.indirect.gather [hbm4b:s3+s6], $0x20, s13, s6, $0xb8;
	[tilespmem:$0x19C80] =	vst v63  }
0x529: {  	_ = 	snop  }
0x52a: {  	[tilespmem:s17], [sflag:$0x4] =	stream.indirect.gather [hbm4b:s3+s6], $0x20, s15, s6, $0xb8;
	[tilespmem:$0x19C80] =	vst v63  }
0x52b: {  	_ = 	snop  }
0x52c: {  	[tilespmem:s20], [sflag:$0x4] =	stream.indirect.gather [hbm4b:s3+s6], $0x20, s18, s6, $0xb8;
	[tilespmem:$0x19C80] =	vst v63  }
0x52d: {  	_ =	swait.ge [sflag:s11], $0x3200  }
0x52e: {  	[sflag:s11] =	ssyncset.done $0x0  }
0x52f: {  	[sflag:s11] =	ssyncadd.s32 $0xFFFFCE00  }
0x530: {  	_ =	swait.ge [sflag:s11], $0x3200  }
0x531: {  	[sflag:s11] =	ssyncset.done $0x0  }
0x532: {  	[sflag:s11] =	ssyncadd.s32 $0xFFFFCE00  }
0x533: {  	_ =	swait.ge [sflag:s11], $0x3200  }
0x534: {  	[sflag:s11] =	ssyncset.done $0x0  }
0x535: {  	[sflag:s11] =	ssyncadd.s32 $0xFFFFCE00  }
0x536: {  	_ =	swait.ge [sflag:s11], $0x3200  }
0x537: {  	[sflag:s11] =	ssyncset.done $0x0  }
0x538: {  	[sflag:s11] =	ssyncadd.s32 $0xFFFFCE00  }
0x539: {  	[hbm4b:s21+s2] =	stream.linear.scatter [tilespmem:s5], [sflag:$0x6], $0xC800, $0x38;
	[tilespmem:$0x19C80] =	vst v63  }
0x53a: {  	_ = 	snop  }
0x53b: {  	[tilespmem:s7], [sflag:$0x2] =	stream.linear.gather [hbm4b:s22+s2], $0x640, $0x38;
	[tilespmem:$0x19C80] =	vst v63  }
0x53c: {  	_ =	swait.ge [sflag:s28], $0x640  }
0x53d: {  	[sflag:s28] =	ssyncset.done $0x0  }
0x53e: {  	[sflag:s28] =	ssyncadd.s32 $0xFFFFF9C0  }
0x53f: {  	_ =	swait.ge [sflag:s10], $0xC800  }
0x540: {  	[sflag:s10] =	ssyncset.done $0x0  }
0x541: {  	[sflag:s10] =	ssyncadd.s32 $0xFFFF3800  }
0x542: {  	[tilespmem:s12], [sflag:$0x3] =	stream.indirect.gather [hbm4b:s3+s6], $0x20, s2, s6, $0xb8;
	[tilespmem:$0x19C80] =	vst v63  }
0x543: {  	_ = 	snop  }
0x544: {  	[tilespmem:s23], [sflag:$0x3] =	stream.indirect.gather [hbm4b:s3+s6], $0x20, s6, s6, $0xb8;
	[tilespmem:$0x19C80] =	vst v63  }
0x545: {  	_ = 	snop  }
0x546: {  	[tilespmem:s25], [sflag:$0x3] =	stream.indirect.gather [hbm4b:s3+s6], $0x20, s24, s6, $0xb8;
	[tilespmem:$0x19C80] =	vst v63  }
0x547: {  	_ = 	snop  }
0x548: {  	[tilespmem:s29], [sflag:$0x3] =	stream.indirect.gather [hbm4b:s3+s6], $0x20, s26, s6, $0xb8;
	[tilespmem:$0x19C80] =	vst v63  }
0x549: {  	_ =	swait.ge [sflag:s19], $0x3200  }
0x54a: {  	[sflag:s19] =	ssyncset.done $0x0  }
0x54b: {  	[sflag:s19] =	ssyncadd.s32 $0xFFFFCE00  }
0x54c: {  	_ =	swait.ge [sflag:s19], $0x3200  }
0x54d: {  	[sflag:s19] =	ssyncset.done $0x0  }
0x54e: {  	[sflag:s19] =	ssyncadd.s32 $0xFFFFCE00  }
0x54f: {  	_ =	swait.ge [sflag:s19], $0x3200  }
0x550: {  	[sflag:s19] =	ssyncset.done $0x0  }
0x551: {  	[sflag:s19] =	ssyncadd.s32 $0xFFFFCE00  }
0x552: {  	_ =	swait.ge [sflag:s19], $0x3200  }
0x553: {  	[sflag:s19] =	ssyncset.done $0x0  }
0x554: {  	[sflag:s19] =	ssyncadd.s32 $0xFFFFCE00  }
0x555: {  	[hbm4b:s4+s2] =	stream.linear.scatter [tilespmem:s12], [sflag:$0x5], $0xC800, $0x38;
	[tilespmem:$0x19C80] =	vst v63  }
0x556: {  	_ =	swait.ge [sflag:s16], $0x640  }
0x557: {  	[sflag:s16] =	ssyncset.done $0x0  }
0x558: {  	[sflag:s16] =	ssyncadd.s32 $0xFFFFF9C0  }
0x559: {  	_ =	swait.ge [sflag:s9], $0xC800  }
0x55a: {  	[sflag:s9] =	ssyncset.done $0x0  }
0x55b: {  	[sflag:s9] =	ssyncadd.s32 $0xFFFF3800  }
0x55c: {  	[tilespmem:s5], [sflag:$0x4] =	stream.indirect.gather [hbm4b:s3+s6], $0x20, s7, s6, $0xb8;
	[tilespmem:$0x19C80] =	vst v63  }
0x55d: {  	_ = 	snop  }
0x55e: {  	[tilespmem:s14], [sflag:$0x4] =	stream.indirect.gather [hbm4b:s3+s6], $0x20, s13, s6, $0xb8;
	[tilespmem:$0x19C80] =	vst v63  }
0x55f: {  	_ = 	snop  }
0x560: {  	[tilespmem:s17], [sflag:$0x4] =	stream.indirect.gather [hbm4b:s3+s6], $0x20, s15, s6, $0xb8;
	[tilespmem:$0x19C80] =	vst v63  }
0x561: {  	_ = 	snop  }
0x562: {  	[tilespmem:s20], [sflag:$0x4] =	stream.indirect.gather [hbm4b:s3+s6], $0x20, s18, s6, $0xb8;
	[tilespmem:$0x19C80] =	vst v63  }
0x563: {  	_ =	swait.ge [sflag:s11], $0x3200  }
0x564: {  	[sflag:s11] =	ssyncset.done $0x0  }
0x565: {  	[sflag:s11] =	ssyncadd.s32 $0xFFFFCE00  }
0x566: {  	_ =	swait.ge [sflag:s11], $0x3200  }
0x567: {  	[sflag:s11] =	ssyncset.done $0x0  }
0x568: {  	[sflag:s11] =	ssyncadd.s32 $0xFFFFCE00  }
0x569: {  	_ =	swait.ge [sflag:s11], $0x3200  }
0x56a: {  	[sflag:s11] =	ssyncset.done $0x0  }
0x56b: {  	[sflag:s11] =	ssyncadd.s32 $0xFFFFCE00  }
0x56c: {  	_ =	swait.ge [sflag:s11], $0x3200  }
0x56d: {  	[sflag:s11] =	ssyncset.done $0x0  }
0x56e: {  	[sflag:s11] =	ssyncadd.s32 $0xFFFFCE00  }
0x56f: {  	[hbm4b:s31+s2] =	stream.linear.scatter [tilespmem:s5], [sflag:$0x6], $0xC800, $0x38;
	[tilespmem:$0x19C80] =	vst v63  }
0x570: {  	_ =	swait.ge [sflag:s10], $0xC800  }
0x571: {  	[sflag:s10] =	ssyncset.done $0x0  }
0x572: {  	[sflag:s10] =	ssyncadd.s32 $0xFFFF3800  }
0x573: {  	_ =	swait.ge [sflag:s9], $0xC800  }
0x574: {  	[sflag:s9] =	ssyncset.done $0x0  }
0x575: {  	[sflag:s9] =	ssyncadd.s32 $0xFFFF3800  }
0x576: {  	_ =	sfence.sel $0x180000  }
0x577: {  	[bflag:$0x0] =	sbarrier.arrive $0xFFFF  }
0x578: {  	_ =	strace $0x90000047  }
0x579: {  	s31 =	stileid.u32;
	[bflag:$0x2] =	sbarrier.arrive $0xFFFF  }
0x57a: {  	p0 =	sne.s32 s31, $0x0;
	s0 =	rddreg [dreg:$0x3]  }
0x57b: {  	s0 =	sadd.s32 @!p0 $0x100000, s0  }
0x57c: {  	[sflag:s0] =	ssyncadd.tile.s32 @!p0 $0x1;
	_ =	shalt  }
.Lfunc_end2:
_tile_overlayer_lowered:
.L_overlay_start_2:
0x57d: {  	(tag) =	ssettag $0x2  }
0x57e: {  	s0 =	rddreg [dreg:$0x0];
	s2 =	stileid.u32  }
0x57f: {  	s1 =	rddreg [dreg:$0x1];
	p0 =	sne.s32 s2, $0x0  }
0x580: {  	s3 =	rddreg [dreg:$0x2];
	[bflag:$0x3] =	sbarrier.arrive $0xFFFF;
	s2 =	simm.s32 @!p0 $0x1C07  }
0x581: {  	[timem:s3], [sflag:s2] =	dma.local @!p0 [hbm:s0], s1  }
0x582: {  	s0 =	simm.s32 @!p0 $0x7  }
0x583: {  	_ =	swait.ge @!p0 [sflag:s0], s1  }
0x584: {  	s1 =	ssub.s32 @!p0 $0x0, s1;
	[sflag:s0] =	ssyncset.done @!p0 $0x0  }
0x585: {  	[sflag:s0] =	ssyncadd.s32 @!p0 s1  }
0x586: {  	[bflag:$0x3] =	sbarrier.arrive $0xFFFF  }
0x587: {  	_ =	shalt  }

// kernel: sparse-core-data-format-call.cloned.1.call-start
scs
called_computation_lowered:
.L_overlay_start_0:
0x0: {  	s2 =	sld [smem:$0x3FD9]  }
0x1: {  	s3 =	sld [smem:$0x3FFE];
	_ =	sdelay $0x1  }
0x2: {  	s1 =	srdreg.scid  }
0x3: {  	s0 =	sand.u32 $0x1, s1  }
0x4: {  	s18 =	sshll.u32 s0, $0xA;
	s2 =	sadd.s32 s3, s2  }
0x5: {  	s2 =	sadd.s32 s2, s18  }
0x6: {  	[smem:$0x3FC6] =	sst s2  }
0x7: {  	_ = 	snop  }
0x8: {  	s2 =	sld [smem:$0x3FD0];
	(tm) =	ssettm $0x1  }
0x9: {  	s19 =	sld [smem:$0x3FFB];
	_ =	sdelay $0x3  }
0xa: {  	_ =	strace s19  }
0xb: {  	s3 =	sld [smem:$0x3FFC];
	_ =	sdelay $0x3  }
0xc: {  	_ =	strace s3  }
0xd: {  	s3 =	sld [smem:$0x3FFD];
	_ =	sdelay $0x3  }
0xe: {  	_ =	strace s3  }
0xf: {  	_ =	strace $0x8FFFFFFF  }
0x10: {  	s20 =	sld [smem:$0x3FDB];
	_ =	sdelay $0x1  }
0x11: {  	s4 =	simm.s32 $_scs_section_size  }
0x12: {  	s5 =	simm.s32 $_size__tile_overlayer_lowered;
	s6 =	simm.s32 $_tile_overlayer_lowered  }
0x13: {  	s23 =	simm.s32 $0x1BFF;
	s22 =	sshll.u32 s6, $0x1;
	s3 =	sadd.s32 s4, s20  }
0x14: {  	s7 =	simm.s32 $0x0;
	s21 =	sshll.u32 s5, $0x1;
	s5 =	sadd.s32 s22, s3  }
0x15: {  	[timem:s7], [sflag:s23] =	dma.local [hbm:s5], s21  }
0x16: {  	_ =	swait.ge [sflag:s23], s21  }
0x17: {  	s4 =	ssub.s32 $0x0, s21;
	[sflag:s23] =	ssyncset.done $0x0  }
0x18: {  	[sflag:s23] =	ssyncadd.s32 s4;
	_ =	sdelay $0x1  }
0x19: {  	s24 =	simm.s32 $0x1B8B  }
0x1a: {  	_ =	swait.ge [sflag:s24], $0x1  }
0x1b: {  	[sflag:s24] =	ssyncset.done $0x0  }
0x1c: {  	s26 =	simm.s32 $0x1B8E;
	s25 =	sld [smem:$0x3FFE];
	[sflag:s24] =	ssyncadd.s32 $0xFFFFFFFF  }
0x1d: {  	s27 =	simm.s32 $execute0_lowered;
	[smem:$0x3FD2] =	sst s26  }
0x1e: {  	s5 =	sshll.u32 s27, $0x1;
	_ =	strace $0x80000049;
	[dreg:$0x1] =	wrdreg $0xFFFFFFFF  }
0x1f: {  	s28 =	simm.s32 $_size_execute0_lowered;
	s3 =	sadd.s32 s3, s5;
	[dreg:$0x0] =	wrdreg $0x0  }
0x20: {  	s5 =	sshll.u32 s28, $0x1;
	[dreg:$0x2] =	wrdreg s3  }
0x21: {  	[dreg:$0x3] =	wrdreg s5  }
0x22: {  	[dreg:$0x4] =	wrdreg $0xC0  }
0x23: {  	_ =	task [dreg:s7], $0x5FFFF  }
0x24: {  	[dreg:$0x1] =	wrdreg $0xFFFFFFFF  }
0x25: {  	[dreg:$0x0] =	wrdreg $0x60  }
0x26: {  	[dreg:$0x2] =	wrdreg s25  }
0x27: {  	[dreg:$0x3] =	wrdreg s2  }
0x28: {  	[dreg:$0x4] =	wrdreg $0x9  }
0x29: {  	_ =	task.clear_ibuf [dreg:s7], $0x5FFFF;
	_ =	strace $0x90000049  }
0x2a: {  	s29 =	simm.s32 $0x9;
	_ =	strace $0x8000004B  }
0x2b: {  	_ =	swait.ge [sflag:s29], $0x1  }
0x2c: {  	[sflag:s29] =	ssyncadd.s32 $0xFFFFFFFF  }
0x2d: {  	_ =	strace $0x9000004B  }
0x2e: {  	_ =	sfence  }
0x2f: {  	s30 =	sld [smem:$0x0];
	_ =	sdelay $0x2  }
0x30: {  	s31 =	sshll.u32 s1, $0xD;
	s1 =	sshrl.u32 s1, $0x2  }
0x31: {  	s3 =	sand.u32 $0x4000, s31;
	s1 =	sadd.s32 s1, s30  }
0x32: {  	s0 =	sor.u32 s3, s0;
	s1 =	sshll.u32 s1, $0x11  }
0x33: {  	s0 =	sor.u32 s1, s0  }
0x34: {  	s0 =	sadd.s32 $0x8F2B, s0  }
0x35: {  	[sflag:s0] =	ssyncadd.remote.s32 $0x1  }
0x36: {  	_ =	sfence.sel $0xFFFF  }
0x37: {  	[dreg:$0x0] =	wrdreg $0xFFFFFFFF;
	(pc) =	sbr.abs _section_cstart, $3  }
0x38: {  	[dreg:$0x1] =	wrdreg $0xFFFFFFFF  }
0x39: {  	_ =	task.clear_ibuf [dreg:s7], $0x2FFFF;
	_ =	strace $0x9FFFFFFF  }
0x3a: {  	(tm) =	ssettm $0x7FFFFFFF  }
0x3b: {  	_ =	shalt  }
tec
execute0_lowered:
.L_overlay_start_1:
0x0: {  	(tag) =	ssettag $0x1  }
0x1: {  	s0 =	srdreg.scid  }
0x2: {  	s1 =	sshll.u32 s0, $0x4  }
0x3: {  	s4 =	rddreg [dreg:$0x0];
	s0 =	stileid.u32;
	s1 =	sand.u32 $0x10, s1  }
0x4: {  	s2 =	rddreg [dreg:$0x1];
	s7 =	simm.s32 $0x1;
	s1 =	sor.u32 s0, s1  }
0x5: {  	s8 =	simm.s32 $0x2;
	s11 =	simm.s32 $0x0;
	s3 =	sshll.u32 s1, $0x7  }
0x6: {  	s10 =	simm.s32 $0x0;
	s4 =	sadd.s32 $0x800, s4;
	s6 =	ssub.s32 $0xC8000, s3  }
.Ltmp0:
0x7: {  	s1 =	rddreg [dreg:$0x2];
	s5 =	sand.u32 $0xF80, s6;
	(pc) =	sbr.rel .LBB1_1-.Ltmp0, $4  }
0x8: {  	_ =	strace $0x8000004A;
	s9 =	smov.u32 s3;
	p0 =	sne.s32 s5, $0x0  }
0x9: {  	s6 =	sshrl.u32 s6, $0xC;
	s5 =	simm.s32 $0x1;
	s7 =	simm.s32 @!p0 $0x0  }
0xa: {  	[sflag:s5] =	ssyncpa.u1 $0x0;
	p0 =	por $0x0, $0x0;
	s6 =	sadd.s32 s7, s6  }
0xb: {  	[sflag:s8] =	ssyncpa.u1 $0x0;
	s8 =	simm.s32 $0x640000;
	s7 =	sadd.s32 $0x1, s6  }
.LBB1_4:
0xc: {  	s14 =	sshll.u32 s11, $0x3  }
0xd: {  	s30 =	sand.u32 $0x7F, s11;
	s15 =	sand.u32 $0xFFFFFC00, s14  }
0xe: {  	s11 =	sor.u32 s30, s15  }
0xf: {  	s15 =	smulhi.u32 $0x51EB851F, s11  }
0x10: {  	s14 =	smulhi.u32 $0x51EB851F, s14  }
0x11: {  	s15 =	sshrl.u32 s15, $0x12  }
0x12: {  	s14 =	sshrl.u32 s14, $0x12;
	s15 =	smul.u32 $0xC8000, s15  }
0x13: {  	s14 =	sand.u32 $0x1F, s14  }
0x14: {  	s14 =	smul.u32 $0x19000, s14;
	s11 =	ssub.s32 s11, s15  }
0x15: {  	s15 =	sand.u32 $0x7, s11  }
0x16: {  	s14 =	sadd.s32 s2, s14;
	s11 =	sshrl.u32 s11, $0x3;
	s15 =	sshll.u32 s15, $0x12  }
0x17: {  	[tilespmem:s13+$0x0 ss:$0x81] =	vst.msk $0xffff, v0;
	s11 =	sadd.s32 s11, s14;
	s31 =	sor.u32 $0x400, s15  }
0x18: {  	[hbm4b:s11+s31] =	stream.strided.scatter [tilespmem:s12], [sflag:$0x2], $0x1000, s8, s31, $0x20;
	[tilespmem:$0x4040] =	vst v63  }
.LBB1_5:
0x19: {  	s13 =	sadd.s32 $0x1000, s9  }
0x1a: {  	p2 =	sgt.s32 s13, $0xC7FFF  }
0x1b: {  	s13 =	smov.u32 @p2 s3;
	p2 =	sne.s32 s10, s7  }
.Ltmp1:
0x1c: {  	p1 =	slt.u32 s10, $0x2;
	(pc) =	sbr.rel @!p2 .LBB1_6-.Ltmp1, $4  }
0x1d: {  	s12 =	simm.s32 @!p1 $0x2  }
0x1e: {  	s14 =	sadd.s32 $0x1, s10;
	_ =	swait.ge @!p1 [sflag:s12], $0x1000  }
0x1f: {  	s11 =	smov.u32 s9;
	p0 =	por !p0, !p0;
	[sflag:s12] =	ssyncset.done @!p1 $0x0  }
0x20: {  	s10 =	smov.u32 s14;
	s9 =	smov.u32 s13;
	[sflag:s12] =	ssyncadd.s32 @!p1 $0xFFFFF000  }
.LBB1_1:
0x21: {  	p1 =	sge.u32 s10, s6  }
0x22: {  	s12 =	sand.u32 @!p1 $0x1FFFFFF, s9  }
0x23: {  	s13 =	smulhi.u32 @!p1 $0x147AE15, s12;
	_ =	sdelay $0x1  }
0x24: {  	s13 =	sshrl.u32 @!p1 s13, $0xC  }
0x25: {  	s13 =	smul.u32 @!p1 $0xC8000, s13;
	_ =	sdelay $0x1  }
0x26: {  	s31 =	sadd.s32 $0xFFFFFFFF, s10;
	s14 =	sxor.u32 @!p1 $0xFFFFFFFF, s10;
	s12 =	ssub.s32 @!p1 s12, s13  }
0x27: {  	s15 =	simm.s32 @!p1 $0x80;
	s14 =	sshll.u32 @!p1 s14, $0xC;
	s12 =	sshll.u32 @!p1 s12, $0x4  }
0x28: {  	s13 =	sand.u32 @!p1 $0x1000, s14;
	s14 =	simm.s32 @!p1 $0x20;
	s12 =	sadd.s32 @!p1 s4, s12  }
0x29: {  	[tilespmem:s13], [sflag:$0x1] =	stream.strided.gather @!p1 [hbm4b:s12+s14], $0x1000, s15, s14, $0x38;
	[tilespmem:$0x4040] =	vst v63  }
0x2a: {  	p1 =	sge.u32 s31, s6  }
.Ltmp2:
0x2b: {  	_ = 	snop;
	(pc) =	sbr.rel @p1 .LBB1_5-.Ltmp2, $1  }
0x2c: {  	_ =	sdelay $0x3  }
0x2d: {  	s12 =	simm.s32 $0x1  }
0x2e: {  	_ =	swait.ge [sflag:s5], $0x1000;
	s12 =	simm.s32 @!p0 $0x0  }
0x2f: {  	[sflag:s5] =	ssyncset.done $0x0;
	s13 =	sshll.u32 s12, $0xC  }
0x30: {  	[sflag:s5] =	ssyncadd.s32 $0xFFFFF000;
	s16 =	sor.u32 $0x10, s13  }
0x31: {  	s12 =	smul.u32 $0x4080, s12;
	v1 =	vld [tilespmem:s16+$0x0]  }
0x32: {  	s30 =	sand.u32 $0x1, s10;
	v0 =	vld [tilespmem:s16+$0xFFFFFFF0]  }
0x33: {  	s13 =	smul.u32 $0x4080, s30;
	s12 =	sshrl.u32 s12, $0x2  }
0x34: {  	s14 =	sor.u32 $0x2000, s12  }
0x35: {  	s31 =	sshrl.u32 s13, $0x2;
	s13 =	sadd.s32 $0x0, s14  }
0x36: {  	s15 =	simm.s32 $0x4;
	s16 =	sadd.s32 $0x20, s16;
	s12 =	sor.u32 $0x2000, s31;
	[tilespmem:s13+$0x810 ss:$0x81] =	vst.msk $0xffff, v1  }
.LBB1_3:
0x37: {  	v1 =	vld [tilespmem:s16+$0x0];
	p1 =	sne.s32 s15, $0x1FC;
	[tilespmem:s13+$0x0 ss:$0x81] =	vst.msk $0xffff, v0;
	s13 =	smov.u32 s15;
	s15 =	sadd.s32 $0x4, s15  }
.Ltmp3:
0x38: {  	v0 =	vld [tilespmem:s16+$0xFFFFFFF0];
	(pc) =	sbr.rel @p1 .LBB1_3-.Ltmp3, $4  }
0x39: {  	_ = 	snop  }
0x3a: {  	s13 =	sshra.s32 s13, $0x2  }
0x3b: {  	s13 =	sadd.s32 s13, s14  }
0x3c: {  	s16 =	sadd.s32 $0x20, s16;
	[tilespmem:s13+$0x810 ss:$0x81] =	vst.msk $0xffff, v1  }
.Ltmp4:
0x3d: {  	_ = 	snop;
	(pc) =	sbr.rel .LBB1_4-.Ltmp4, $1  }
0x3e: {  	_ =	sdelay $0x3  }
.LBB1_6:
0x3f: {  	_ =	sfence.sel $0x180000  }
0x40: {  	s2 =	simm.s32 $0x1;
	[bflag:$0x0] =	sbarrier.arrive $0xFFFF  }
0x41: {  	s31 =	simm.s32 $0x2;
	[sflag:s2] =	ssyncpa.u1 $0x1  }
0x42: {  	[sflag:s31] =	ssyncpa.u1 $0x1  }
0x43: {  	p0 =	sne.s32 s0, $0x0;
	_ =	strace $0x9000004A  }
0x44: {  	s0 =	sadd.s32 @!p0 $0x100000, s1;
	[bflag:$0x2] =	sbarrier.arrive $0xFFFF  }
0x45: {  	[sflag:s0] =	ssyncadd.tile.s32 @!p0 $0x1;
	_ =	shalt  }
.Lfunc_end1:
_tile_overlayer_lowered:
.L_overlay_start_2:
0x46: {  	(tag) =	ssettag $0x2  }
0x47: {  	s0 =	rddreg [dreg:$0x0];
	s2 =	stileid.u32  }
0x48: {  	s1 =	rddreg [dreg:$0x1];
	p0 =	sne.s32 s2, $0x0  }
0x49: {  	s3 =	rddreg [dreg:$0x2];
	[bflag:$0x3] =	sbarrier.arrive $0xFFFF;
	s2 =	simm.s32 @!p0 $0x1C01  }
0x4a: {  	[timem:s3], [sflag:s2] =	dma.local @!p0 [hbm:s0], s1  }
0x4b: {  	s0 =	simm.s32 @!p0 $0x1  }
0x4c: {  	_ =	swait.ge @!p0 [sflag:s0], s1  }
0x4d: {  	s1 =	ssub.s32 @!p0 $0x0, s1;
	[sflag:s0] =	ssyncset.done @!p0 $0x0  }
0x4e: {  	[sflag:s0] =	ssyncadd.s32 @!p0 s1  }
0x4f: {  	[bflag:$0x3] =	sbarrier.arrive $0xFFFF  }
0x50: {  	_ =	shalt  }

</sc_bundles>
